<compile_context>
chip_gen: v7x
topology: tpu7x:2x2x1
jax: 0.10.2.dev20260603
libtpu: 0.0.44.dev20260713+nightly
codegen_flags: <defaults>
</compile_context>

<pallas_src>
import jax
import jax.numpy as jnp
from jax import lax
from jax.experimental import pallas as pl
from jax.experimental.pallas import tpu as pltpu
from jax.experimental.pallas import tpu_sc as plsc

N = 10000
D = 128
G = 64
NC = 2
NS = 16
NW = NC * NS
CK = 128
GC = 16


def _pieces(spr):
    out, off = [], 0
    while off < spr:
        out.append((off, min(CK, spr - off)))
        off += CK
    return out


def _make_sc_agg(n2, cpw):
    spr = n2 // NS
    mesh = plsc.VectorSubcoreMesh(core_axis_name="c", subcore_axis_name="s")

    def body(x_hbm, src_hbm, dst_hbm, zrows_hbm, acc_out,
             acc_sh, src_v, dst_v, rows_v, sem):
        cid = lax.axis_index("c")
        sid = lax.axis_index("s")
        wid = sid * NC + cid
        base = sid * spr

        pltpu.sync_copy(zrows_hbm, rows_v)
        for off, sz in _pieces(spr):
            pltpu.sync_copy(rows_v.at[pl.ds(0, sz)],
                            acc_sh.at[pl.ds(base + off, sz)])
        plsc.subcore_barrier()

        def chunk(c, carry):
            pltpu.sync_copy(src_hbm.at[wid, c], src_v)
            pltpu.sync_copy(dst_hbm.at[wid, c], dst_v)
            pltpu.async_copy(x_hbm.at[src_v], rows_v, sem).wait()
            pltpu.sync_copy(rows_v, acc_sh.at[dst_v], add=True)
            return carry

        lax.fori_loop(0, cpw, chunk, 0)
        plsc.subcore_barrier()

        for off, sz in _pieces(spr):
            pltpu.sync_copy(acc_sh.at[pl.ds(base + off, sz)],
                            rows_v.at[pl.ds(0, sz)])
            pltpu.sync_copy(rows_v.at[pl.ds(0, sz)],
                            acc_out.at[cid, pl.ds(base + off, sz)])

    return pl.kernel(
        body,
        out_type=jax.ShapeDtypeStruct((NC, n2, D), jnp.float32),
        mesh=mesh,
        scratch_types=[
            pltpu.VMEM_SHARED((n2, D), jnp.float32),
            pltpu.VMEM((CK,), jnp.int32),
            pltpu.VMEM((CK,), jnp.int32),
            pltpu.VMEM((CK, D), jnp.float32),
            pltpu.SemaphoreType.DMA,
        ],
    )


def _make_sc_cnt(n2, cpw):
    spr = n2 // NS
    mesh = plsc.VectorSubcoreMesh(core_axis_name="c", subcore_axis_name="s")

    def body(dst_hbm, zrows_hbm, ones_hbm, cnt_out, cnt_sh, dst_v, ones_v):
        cid = lax.axis_index("c")
        sid = lax.axis_index("s")
        wid = sid * NC + cid
        base = sid * spr

        pltpu.sync_copy(zrows_hbm, ones_v)
        for off, sz in _pieces(spr):
            pltpu.sync_copy(ones_v.at[pl.ds(0, sz)],
                            cnt_sh.at[pl.ds(base + off, sz)])
        pltpu.sync_copy(ones_hbm, ones_v)
        plsc.subcore_barrier()

        def chunk(c, carry):
            pltpu.sync_copy(dst_hbm.at[wid, c], dst_v)
            pltpu.sync_copy(ones_v, cnt_sh.at[dst_v], add=True)
            return carry

        lax.fori_loop(0, cpw, chunk, 0)
        plsc.subcore_barrier()

        for off, sz in _pieces(spr):
            pltpu.sync_copy(cnt_sh.at[pl.ds(base + off, sz)],
                            ones_v.at[pl.ds(0, sz)])
            pltpu.sync_copy(ones_v.at[pl.ds(0, sz)],
                            cnt_out.at[cid, pl.ds(base + off, sz)])

    return pl.kernel(
        body,
        out_type=jax.ShapeDtypeStruct((NC, n2, D), jnp.float32),
        mesh=mesh,
        scratch_types=[
            pltpu.VMEM_SHARED((n2, D), jnp.float32),
            pltpu.VMEM((CK,), jnp.int32),
            pltpu.VMEM((CK, D), jnp.float32),
        ],
    )


def _tc_layer(acc, inv, x, Wl, bl, Wr):
    R = 1000
    grid = N // R

    def body(acc_ref, inv_ref, x_ref, wl_ref, bl_ref, wr_ref, o_ref):
        mean = (acc_ref[0] + acc_ref[1]) * inv_ref[...]
        h = (lax.dot_general(mean, wl_ref[...], (((1,), (1,)), ((), ())))
             + bl_ref[...]
             + lax.dot_general(x_ref[...], wr_ref[...], (((1,), (1,)), ((), ()))))
        o_ref[...] = jax.nn.gelu(h)

    return pl.pallas_call(
        body,
        grid=(grid,),
        in_specs=[
            pl.BlockSpec((2, R, D), lambda i: (0, i, 0)),
            pl.BlockSpec((R, 1), lambda i: (i, 0)),
            pl.BlockSpec((R, D), lambda i: (i, 0)),
            pl.BlockSpec((D, D), lambda i: (0, 0)),
            pl.BlockSpec((1, D), lambda i: (0, 0)),
            pl.BlockSpec((D, D), lambda i: (0, 0)),
        ],
        out_specs=pl.BlockSpec((R, D), lambda i: (i, 0)),
        out_shape=jax.ShapeDtypeStruct((N, D), jnp.float32),
    )(acc, inv, x, Wl, bl.reshape(1, D), Wr)


def _tc_final(acc, inv, h1, x, batch_f, Wl, bl, Wr):
    R = 1000
    grid = N // R

    def body(acc_ref, inv_ref, h1_ref, x_ref, b_ref, wl_ref, bl_ref, wr_ref,
             o_ref, pool_acc, gcnt_acc):
        i = pl.program_id(0)

        @pl.when(i == 0)
        def _():
            pool_acc[...] = jnp.zeros_like(pool_acc)
            gcnt_acc[...] = jnp.zeros_like(gcnt_acc)

        mean = (acc_ref[0] + acc_ref[1]) * inv_ref[...]
        h = (lax.dot_general(mean, wl_ref[...], (((1,), (1,)), ((), ())))
             + bl_ref[...]
             + lax.dot_general(h1_ref[...], wr_ref[...], (((1,), (1,)), ((), ()))))
        h2 = jax.nn.gelu(h) + x_ref[...]

        gids = lax.broadcasted_iota(jnp.int32, (1, G), 1).astype(jnp.float32)
        onehot = jnp.where(b_ref[...] == gids, 1.0, 0.0)
        pool_acc[...] += lax.dot_general(onehot, h2, (((0,), (0,)), ((), ())))
        gcnt_acc[...] += lax.dot_general(onehot, jnp.ones((R, D), jnp.float32),
                                         (((0,), (0,)), ((), ())))

        @pl.when(i == grid - 1)
        def _():
            o_ref[...] = pool_acc[...] / jnp.clip(gcnt_acc[...], 1.0)

    return pl.pallas_call(
        body,
        grid=(grid,),
        in_specs=[
            pl.BlockSpec((2, R, D), lambda i: (0, i, 0)),
            pl.BlockSpec((R, 1), lambda i: (i, 0)),
            pl.BlockSpec((R, D), lambda i: (i, 0)),
            pl.BlockSpec((R, D), lambda i: (i, 0)),
            pl.BlockSpec((R, 1), lambda i: (i, 0)),
            pl.BlockSpec((D, D), lambda i: (0, 0)),
            pl.BlockSpec((1, D), lambda i: (0, 0)),
            pl.BlockSpec((D, D), lambda i: (0, 0)),
        ],
        out_specs=pl.BlockSpec((G, D), lambda i: (0, 0)),
        out_shape=jax.ShapeDtypeStruct((G, D), jnp.float32),
        scratch_shapes=[pltpu.VMEM((G, D), jnp.float32),
                        pltpu.VMEM((G, D), jnp.float32)],
    )(acc, inv, h1, x, batch_f, Wl, bl.reshape(1, D), Wr)


def kernel(x, edge_index, edge_attr, batch, Wl1, bl1, Wr1, Wl2, bl2, Wr2):
    E = edge_index.shape[1]
    n2 = ((N + 1 + 127) // 128) * 128
    cpw = -(-E // (NW * CK))
    pad = cpw * NW * CK - E
    src = jnp.concatenate(
        [edge_index[0], jnp.zeros((pad,), jnp.int32)]).reshape(NW, cpw, CK)
    dst = jnp.concatenate(
        [edge_index[1], jnp.full((pad,), N, jnp.int32)]).reshape(NW, cpw, CK)
    zrows = jnp.zeros((CK, D), jnp.float32)
    ones = jnp.ones((CK, D), jnp.float32)

    cnt_parts = _make_sc_cnt(n2, cpw)(dst, zrows, ones)
    acc1 = _make_sc_agg(n2, cpw)(x, src, dst, zrows)
    cnt = cnt_parts[0, :N, 0] + cnt_parts[1, :N, 0]
    inv = (1.0 / jnp.clip(cnt, 1.0)).reshape(N, 1)
    h1 = _tc_layer(acc1, inv, x, Wl1, bl1, Wr1)

    acc2 = _make_sc_agg(n2, cpw)(h1, src, dst, zrows)
    batch_f = batch.astype(jnp.float32).reshape(N, 1)
    return _tc_final(acc2, inv, h1, x, batch_f, Wl2, bl2, Wr2)

# --- scband reference (transcript-rebuilt; emitter-appended) ---
"""Pipeline reference for scband-gnn-84250078478617 (READ-ONLY COPY).

The authoritative reference and input builder live on the scoring server;
editing this copy changes nothing except your own understanding.
"""

import jax, jax.numpy as jnp
import numpy as np

N = 10000
E = 320000
D = 128
G = 64


def setup_inputs(seed: int = 0) -> dict:
    key = jax.random.key(seed)
    ks = jax.random.split(key, 12)
    x = jax.random.normal(ks[0], (N, D), dtype=jnp.float32)
    edge_index = jax.random.randint(ks[1], (2, E), 0, N, dtype=jnp.int32)
    edge_attr = jax.random.normal(ks[2], (E, 4), dtype=jnp.float32)
    batch = jnp.sort(jax.random.randint(ks[3], (N,), 0, G, dtype=jnp.int32))
    s = 1.0 / np.sqrt(D)
    Wl1 = jax.random.normal(ks[4], (D, D), dtype=jnp.float32) * s
    bl1 = jnp.zeros((D,), dtype=jnp.float32)
    Wr1 = jax.random.normal(ks[5], (D, D), dtype=jnp.float32) * s
    Wl2 = jax.random.normal(ks[6], (D, D), dtype=jnp.float32) * s
    bl2 = jnp.zeros((D,), dtype=jnp.float32)
    Wr2 = jax.random.normal(ks[7], (D, D), dtype=jnp.float32) * s
    return {"x": x, "edge_index": edge_index, "edge_attr": edge_attr, "batch": batch,
            "Wl1": Wl1, "bl1": bl1, "Wr1": Wr1, "Wl2": Wl2, "bl2": bl2, "Wr2": Wr2}


def _sage_conv(x, src, dst, Wl, bl, Wr):
    # PyG SAGEConv(aggr='mean'): out = lin_l(mean_{j in N(i)} x_j) + lin_r(x_i)
    msg = jnp.take(x, src, axis=0)
    summed = jax.ops.segment_sum(msg, dst, num_segments=N)
    cnt = jax.ops.segment_sum(jnp.ones((dst.shape[0], 1), x.dtype), dst, num_segments=N)
    mean = summed / jnp.clip(cnt, 1.0)
    return mean @ Wl.T + bl + x @ Wr.T


def reference(x, edge_index, edge_attr, batch, Wl1, bl1, Wr1, Wl2, bl2, Wr2):
    # edge_attr is accepted (as in the torch forward signature) but SAGEConv ignores it
    src = edge_index[0]
    dst = edge_index[1]
    resid = x
    h = _sage_conv(x, src, dst, Wl1, bl1, Wr1)
    h = jax.nn.gelu(h)  # dropout p=0.0 -> identity; block_norm=None
    h = _sage_conv(h, src, dst, Wl2, bl2, Wr2)
    h = jax.nn.gelu(h)
    h = h + resid
    # global_mean_pool over graph ids in `batch` (G graphs)
    s = jax.ops.segment_sum(h, batch, num_segments=G)
    c = jax.ops.segment_sum(jnp.ones((h.shape[0], 1), h.dtype), batch, num_segments=G)
    return s / jnp.clip(c, 1.0)

if __name__ == "__main__":
    import jax
    _d = setup_inputs()
    print(jax.jit(kernel)(*tuple(_d.values())))

</pallas_src>

<mosaic_0001>
#map = affine_map<(d0, d1) -> (0, 0, 0)>
#map1 = affine_map<(d0, d1) -> (0, 0)>
module attributes {stable_mosaic.version = 14 : i64} {
  func.func @body(%arg0: i32, %arg1: i32, %arg2: memref<32x79x128xi32, #tpu.memory_space<hbm>>, %arg3: memref<128x128xf32, #tpu.memory_space<hbm>>, %arg4: memref<128x128xf32, #tpu.memory_space<hbm>>, %arg5: memref<2x10112x128xf32, #tpu.memory_space<hbm>>, %arg6: memref<10112x128xf32, #tpu.memory_space<vmem_shared>>, %arg7: memref<128xi32, #tpu.memory_space<vmem>>, %arg8: memref<128x128xf32, #tpu.memory_space<vmem>>) attributes {dimension_semantics = [#tpu.dimension_semantics<core_parallel>, #tpu.dimension_semantics<subcore_parallel>], iteration_bounds = array<i64: 2, 16>, scalar_prefetch = 0 : i64, scratch_operands = 3 : i64, tpu.core_type = #tpu.core_type<sc_vector_subcore>, window_params = [{transform_indices = #map}, {transform_indices = #map1}, {transform_indices = #map1}, {transform_indices = #map}]} {
    %mul3A = arith.constant 2 : i32
    %mul3A_0 = arith.muli %arg1, %mul3A : i32
    %add3A = arith.addi %mul3A_0, %arg0 : i32
    %mul3A_1 = arith.constant 632 : i32
    %mul3A_2 = arith.muli %arg1, %mul3A_1 : i32
    "tpu.region"() ({
      %run_scoped3A = tpu.sem_alloc : memref<!tpu.dma_semaphore, #tpu.memory_space<semaphore_mem>>
      tpu.enqueue_dma source(%arg3 : memref<128x128xf32, #tpu.memory_space<hbm>>) target(%arg8 : memref<128x128xf32, #tpu.memory_space<vmem>>) target_semaphore(%run_scoped3A : memref<!tpu.dma_semaphore, #tpu.memory_space<semaphore_mem>>)
      tpu.wait_dma2 semaphore(%run_scoped3A : memref<!tpu.dma_semaphore, #tpu.memory_space<semaphore_mem>>) src(%arg3 : memref<128x128xf32, #tpu.memory_space<hbm>>) dst(%arg8 : memref<128x128xf32, #tpu.memory_space<vmem>>)
      tpu.yield
    }) : () -> ()
    %add3A_3 = arith.constant 0 : i32
    %add3A_4 = arith.addi %mul3A_2, %add3A_3 : i32
    "tpu.region"() ({
      %run_scoped3A = tpu.sem_alloc : memref<!tpu.dma_semaphore, #tpu.memory_space<semaphore_mem>>
      %dma_start3A = arith.constant 0 : i32
      %dma_start3A_39 = arith.constant 0 : i32
      %dma_start3A_40 = tpu.memref_slice %arg8[%dma_start3A, %dma_start3A_39] : memref<128x128xf32, #tpu.memory_space<vmem>> -> memref<128x128xf32, #tpu.memory_space<vmem>>
      %dma_start3A_41 = arith.constant 0 : i32
      %dma_start3A_42 = tpu.memref_slice %arg6[%add3A_4, %dma_start3A_41] : memref<10112x128xf32, #tpu.memory_space<vmem_shared>> -> memref<128x128xf32, #tpu.memory_space<vmem_shared>>
      %dma_start3A_43 = arith.constant 0 : i32
      %dma_start3A_44 = tpu.memref_slice %arg6[%add3A_4, %dma_start3A_43] : memref<10112x128xf32, #tpu.memory_space<vmem_shared>> -> memref<128x128xf32, #tpu.memory_space<vmem_shared>>
      %dma_start3A_45 = arith.constant 0 : i32
      %dma_start3A_46 = arith.constant 0 : i32
      %dma_start3A_47 = tpu.memref_slice %arg8[%dma_start3A_45, %dma_start3A_46] : memref<128x128xf32, #tpu.memory_space<vmem>> -> memref<128x128xf32, #tpu.memory_space<vmem>>
      tpu.enqueue_dma source(%dma_start3A_47 : memref<128x128xf32, #tpu.memory_space<vmem>>) target(%dma_start3A_44 : memref<128x128xf32, #tpu.memory_space<vmem_shared>>) target_semaphore(%run_scoped3A : memref<!tpu.dma_semaphore, #tpu.memory_space<semaphore_mem>>)
      %dma_wait3A = arith.constant 0 : i32
      %dma_wait3A_48 = arith.constant 0 : i32
      %dma_wait3A_49 = tpu.memref_slice %arg8[%dma_wait3A, %dma_wait3A_48] : memref<128x128xf32, #tpu.memory_space<vmem>> -> memref<128x128xf32, #tpu.memory_space<vmem>>
      %dma_wait3A_50 = arith.constant 0 : i32
      %dma_wait3A_51 = tpu.memref_slice %arg6[%add3A_4, %dma_wait3A_50] : memref<10112x128xf32, #tpu.memory_space<vmem_shared>> -> memref<128x128xf32, #tpu.memory_space<vmem_shared>>
      %dma_wait3A_52 = arith.constant 0 : i32
      %dma_wait3A_53 = tpu.memref_slice %arg6[%add3A_4, %dma_wait3A_52] : memref<10112x128xf32, #tpu.memory_space<vmem_shared>> -> memref<128x128xf32, #tpu.memory_space<vmem_shared>>
      %dma_wait3A_54 = arith.constant 0 : i32
      %dma_wait3A_55 = arith.constant 0 : i32
      %dma_wait3A_56 = tpu.memref_slice %arg8[%dma_wait3A_54, %dma_wait3A_55] : memref<128x128xf32, #tpu.memory_space<vmem>> -> memref<128x128xf32, #tpu.memory_space<vmem>>
      tpu.wait_dma2 semaphore(%run_scoped3A : memref<!tpu.dma_semaphore, #tpu.memory_space<semaphore_mem>>) src(%dma_wait3A_56 : memref<128x128xf32, #tpu.memory_space<vmem>>) dst(%dma_wait3A_53 : memref<128x128xf32, #tpu.memory_space<vmem_shared>>)
      tpu.yield
    }) : () -> ()
    %add3A_5 = arith.constant 128 : i32
    %add3A_6 = arith.addi %mul3A_2, %add3A_5 : i32
    "tpu.region"() ({
      %run_scoped3A = tpu.sem_alloc : memref<!tpu.dma_semaphore, #tpu.memory_space<semaphore_mem>>
      %dma_start3A = arith.constant 0 : i32
      %dma_start3A_39 = arith.constant 0 : i32
      %dma_start3A_40 = tpu.memref_slice %arg8[%dma_start3A, %dma_start3A_39] : memref<128x128xf32, #tpu.memory_space<vmem>> -> memref<128x128xf32, #tpu.memory_space<vmem>>
      %dma_start3A_41 = arith.constant 0 : i32
      %dma_start3A_42 = tpu.memref_slice %arg6[%add3A_6, %dma_start3A_41] : memref<10112x128xf32, #tpu.memory_space<vmem_shared>> -> memref<128x128xf32, #tpu.memory_space<vmem_shared>>
      %dma_start3A_43 = arith.constant 0 : i32
      %dma_start3A_44 = tpu.memref_slice %arg6[%add3A_6, %dma_start3A_43] : memref<10112x128xf32, #tpu.memory_space<vmem_shared>> -> memref<128x128xf32, #tpu.memory_space<vmem_shared>>
      %dma_start3A_45 = arith.constant 0 : i32
      %dma_start3A_46 = arith.constant 0 : i32
      %dma_start3A_47 = tpu.memref_slice %arg8[%dma_start3A_45, %dma_start3A_46] : memref<128x128xf32, #tpu.memory_space<vmem>> -> memref<128x128xf32, #tpu.memory_space<vmem>>
      tpu.enqueue_dma source(%dma_start3A_47 : memref<128x128xf32, #tpu.memory_space<vmem>>) target(%dma_start3A_44 : memref<128x128xf32, #tpu.memory_space<vmem_shared>>) target_semaphore(%run_scoped3A : memref<!tpu.dma_semaphore, #tpu.memory_space<semaphore_mem>>)
      %dma_wait3A = arith.constant 0 : i32
      %dma_wait3A_48 = arith.constant 0 : i32
      %dma_wait3A_49 = tpu.memref_slice %arg8[%dma_wait3A, %dma_wait3A_48] : memref<128x128xf32, #tpu.memory_space<vmem>> -> memref<128x128xf32, #tpu.memory_space<vmem>>
      %dma_wait3A_50 = arith.constant 0 : i32
      %dma_wait3A_51 = tpu.memref_slice %arg6[%add3A_6, %dma_wait3A_50] : memref<10112x128xf32, #tpu.memory_space<vmem_shared>> -> memref<128x128xf32, #tpu.memory_space<vmem_shared>>
      %dma_wait3A_52 = arith.constant 0 : i32
      %dma_wait3A_53 = tpu.memref_slice %arg6[%add3A_6, %dma_wait3A_52] : memref<10112x128xf32, #tpu.memory_space<vmem_shared>> -> memref<128x128xf32, #tpu.memory_space<vmem_shared>>
      %dma_wait3A_54 = arith.constant 0 : i32
      %dma_wait3A_55 = arith.constant 0 : i32
      %dma_wait3A_56 = tpu.memref_slice %arg8[%dma_wait3A_54, %dma_wait3A_55] : memref<128x128xf32, #tpu.memory_space<vmem>> -> memref<128x128xf32, #tpu.memory_space<vmem>>
      tpu.wait_dma2 semaphore(%run_scoped3A : memref<!tpu.dma_semaphore, #tpu.memory_space<semaphore_mem>>) src(%dma_wait3A_56 : memref<128x128xf32, #tpu.memory_space<vmem>>) dst(%dma_wait3A_53 : memref<128x128xf32, #tpu.memory_space<vmem_shared>>)
      tpu.yield
    }) : () -> ()
    %add3A_7 = arith.constant 256 : i32
    %add3A_8 = arith.addi %mul3A_2, %add3A_7 : i32
    "tpu.region"() ({
      %run_scoped3A = tpu.sem_alloc : memref<!tpu.dma_semaphore, #tpu.memory_space<semaphore_mem>>
      %dma_start3A = arith.constant 0 : i32
      %dma_start3A_39 = arith.constant 0 : i32
      %dma_start3A_40 = tpu.memref_slice %arg8[%dma_start3A, %dma_start3A_39] : memref<128x128xf32, #tpu.memory_space<vmem>> -> memref<128x128xf32, #tpu.memory_space<vmem>>
      %dma_start3A_41 = arith.constant 0 : i32
      %dma_start3A_42 = tpu.memref_slice %arg6[%add3A_8, %dma_start3A_41] : memref<10112x128xf32, #tpu.memory_space<vmem_shared>> -> memref<128x128xf32, #tpu.memory_space<vmem_shared>>
      %dma_start3A_43 = arith.constant 0 : i32
      %dma_start3A_44 = tpu.memref_slice %arg6[%add3A_8, %dma_start3A_43] : memref<10112x128xf32, #tpu.memory_space<vmem_shared>> -> memref<128x128xf32, #tpu.memory_space<vmem_shared>>
      %dma_start3A_45 = arith.constant 0 : i32
      %dma_start3A_46 = arith.constant 0 : i32
      %dma_start3A_47 = tpu.memref_slice %arg8[%dma_start3A_45, %dma_start3A_46] : memref<128x128xf32, #tpu.memory_space<vmem>> -> memref<128x128xf32, #tpu.memory_space<vmem>>
      tpu.enqueue_dma source(%dma_start3A_47 : memref<128x128xf32, #tpu.memory_space<vmem>>) target(%dma_start3A_44 : memref<128x128xf32, #tpu.memory_space<vmem_shared>>) target_semaphore(%run_scoped3A : memref<!tpu.dma_semaphore, #tpu.memory_space<semaphore_mem>>)
      %dma_wait3A = arith.constant 0 : i32
      %dma_wait3A_48 = arith.constant 0 : i32
      %dma_wait3A_49 = tpu.memref_slice %arg8[%dma_wait3A, %dma_wait3A_48] : memref<128x128xf32, #tpu.memory_space<vmem>> -> memref<128x128xf32, #tpu.memory_space<vmem>>
      %dma_wait3A_50 = arith.constant 0 : i32
      %dma_wait3A_51 = tpu.memref_slice %arg6[%add3A_8, %dma_wait3A_50] : memref<10112x128xf32, #tpu.memory_space<vmem_shared>> -> memref<128x128xf32, #tpu.memory_space<vmem_shared>>
      %dma_wait3A_52 = arith.constant 0 : i32
      %dma_wait3A_53 = tpu.memref_slice %arg6[%add3A_8, %dma_wait3A_52] : memref<10112x128xf32, #tpu.memory_space<vmem_shared>> -> memref<128x128xf32, #tpu.memory_space<vmem_shared>>
      %dma_wait3A_54 = arith.constant 0 : i32
      %dma_wait3A_55 = arith.constant 0 : i32
      %dma_wait3A_56 = tpu.memref_slice %arg8[%dma_wait3A_54, %dma_wait3A_55] : memref<128x128xf32, #tpu.memory_space<vmem>> -> memref<128x128xf32, #tpu.memory_space<vmem>>
      tpu.wait_dma2 semaphore(%run_scoped3A : memref<!tpu.dma_semaphore, #tpu.memory_space<semaphore_mem>>) src(%dma_wait3A_56 : memref<128x128xf32, #tpu.memory_space<vmem>>) dst(%dma_wait3A_53 : memref<128x128xf32, #tpu.memory_space<vmem_shared>>)
      tpu.yield
    }) : () -> ()
    %add3A_9 = arith.constant 384 : i32
    %add3A_10 = arith.addi %mul3A_2, %add3A_9 : i32
    "tpu.region"() ({
      %run_scoped3A = tpu.sem_alloc : memref<!tpu.dma_semaphore, #tpu.memory_space<semaphore_mem>>
      %dma_start3A = arith.constant 0 : i32
      %dma_start3A_39 = arith.constant 0 : i32
      %dma_start3A_40 = tpu.memref_slice %arg8[%dma_start3A, %dma_start3A_39] : memref<128x128xf32, #tpu.memory_space<vmem>> -> memref<128x128xf32, #tpu.memory_space<vmem>>
      %dma_start3A_41 = arith.constant 0 : i32
      %dma_start3A_42 = tpu.memref_slice %arg6[%add3A_10, %dma_start3A_41] : memref<10112x128xf32, #tpu.memory_space<vmem_shared>> -> memref<128x128xf32, #tpu.memory_space<vmem_shared>>
      %dma_start3A_43 = arith.constant 0 : i32
      %dma_start3A_44 = tpu.memref_slice %arg6[%add3A_10, %dma_start3A_43] : memref<10112x128xf32, #tpu.memory_space<vmem_shared>> -> memref<128x128xf32, #tpu.memory_space<vmem_shared>>
      %dma_start3A_45 = arith.constant 0 : i32
      %dma_start3A_46 = arith.constant 0 : i32
      %dma_start3A_47 = tpu.memref_slice %arg8[%dma_start3A_45, %dma_start3A_46] : memref<128x128xf32, #tpu.memory_space<vmem>> -> memref<128x128xf32, #tpu.memory_space<vmem>>
      tpu.enqueue_dma source(%dma_start3A_47 : memref<128x128xf32, #tpu.memory_space<vmem>>) target(%dma_start3A_44 : memref<128x128xf32, #tpu.memory_space<vmem_shared>>) target_semaphore(%run_scoped3A : memref<!tpu.dma_semaphore, #tpu.memory_space<semaphore_mem>>)
      %dma_wait3A = arith.constant 0 : i32
      %dma_wait3A_48 = arith.constant 0 : i32
      %dma_wait3A_49 = tpu.memref_slice %arg8[%dma_wait3A, %dma_wait3A_48] : memref<128x128xf32, #tpu.memory_space<vmem>> -> memref<128x128xf32, #tpu.memory_space<vmem>>
      %dma_wait3A_50 = arith.constant 0 : i32
      %dma_wait3A_51 = tpu.memref_slice %arg6[%add3A_10, %dma_wait3A_50] : memref<10112x128xf32, #tpu.memory_space<vmem_shared>> -> memref<128x128xf32, #tpu.memory_space<vmem_shared>>
      %dma_wait3A_52 = arith.constant 0 : i32
      %dma_wait3A_53 = tpu.memref_slice %arg6[%add3A_10, %dma_wait3A_52] : memref<10112x128xf32, #tpu.memory_space<vmem_shared>> -> memref<128x128xf32, #tpu.memory_space<vmem_shared>>
      %dma_wait3A_54 = arith.constant 0 : i32
      %dma_wait3A_55 = arith.constant 0 : i32
      %dma_wait3A_56 = tpu.memref_slice %arg8[%dma_wait3A_54, %dma_wait3A_55] : memref<128x128xf32, #tpu.memory_space<vmem>> -> memref<128x128xf32, #tpu.memory_space<vmem>>
      tpu.wait_dma2 semaphore(%run_scoped3A : memref<!tpu.dma_semaphore, #tpu.memory_space<semaphore_mem>>) src(%dma_wait3A_56 : memref<128x128xf32, #tpu.memory_space<vmem>>) dst(%dma_wait3A_53 : memref<128x128xf32, #tpu.memory_space<vmem_shared>>)
      tpu.yield
    }) : () -> ()
    %add3A_11 = arith.constant 512 : i32
    %add3A_12 = arith.addi %mul3A_2, %add3A_11 : i32
    "tpu.region"() ({
      %run_scoped3A = tpu.sem_alloc : memref<!tpu.dma_semaphore, #tpu.memory_space<semaphore_mem>>
      %dma_start3A = arith.constant 0 : i32
      %dma_start3A_39 = arith.constant 0 : i32
      %dma_start3A_40 = tpu.memref_slice %arg8[%dma_start3A, %dma_start3A_39] : memref<128x128xf32, #tpu.memory_space<vmem>> -> memref<120x128xf32, #tpu.memory_space<vmem>>
      %dma_start3A_41 = arith.constant 0 : i32
      %dma_start3A_42 = tpu.memref_slice %arg6[%add3A_12, %dma_start3A_41] : memref<10112x128xf32, #tpu.memory_space<vmem_shared>> -> memref<120x128xf32, #tpu.memory_space<vmem_shared>>
      %dma_start3A_43 = arith.constant 0 : i32
      %dma_start3A_44 = tpu.memref_slice %arg6[%add3A_12, %dma_start3A_43] : memref<10112x128xf32, #tpu.memory_space<vmem_shared>> -> memref<120x128xf32, #tpu.memory_space<vmem_shared>>
      %dma_start3A_45 = arith.constant 0 : i32
      %dma_start3A_46 = arith.constant 0 : i32
      %dma_start3A_47 = tpu.memref_slice %arg8[%dma_start3A_45, %dma_start3A_46] : memref<128x128xf32, #tpu.memory_space<vmem>> -> memref<120x128xf32, #tpu.memory_space<vmem>>
      tpu.enqueue_dma source(%dma_start3A_47 : memref<120x128xf32, #tpu.memory_space<vmem>>) target(%dma_start3A_44 : memref<120x128xf32, #tpu.memory_space<vmem_shared>>) target_semaphore(%run_scoped3A : memref<!tpu.dma_semaphore, #tpu.memory_space<semaphore_mem>>)
      %dma_wait3A = arith.constant 0 : i32
      %dma_wait3A_48 = arith.constant 0 : i32
      %dma_wait3A_49 = tpu.memref_slice %arg8[%dma_wait3A, %dma_wait3A_48] : memref<128x128xf32, #tpu.memory_space<vmem>> -> memref<120x128xf32, #tpu.memory_space<vmem>>
      %dma_wait3A_50 = arith.constant 0 : i32
      %dma_wait3A_51 = tpu.memref_slice %arg6[%add3A_12, %dma_wait3A_50] : memref<10112x128xf32, #tpu.memory_space<vmem_shared>> -> memref<120x128xf32, #tpu.memory_space<vmem_shared>>
      %dma_wait3A_52 = arith.constant 0 : i32
      %dma_wait3A_53 = tpu.memref_slice %arg6[%add3A_12, %dma_wait3A_52] : memref<10112x128xf32, #tpu.memory_space<vmem_shared>> -> memref<120x128xf32, #tpu.memory_space<vmem_shared>>
      %dma_wait3A_54 = arith.constant 0 : i32
      %dma_wait3A_55 = arith.constant 0 : i32
      %dma_wait3A_56 = tpu.memref_slice %arg8[%dma_wait3A_54, %dma_wait3A_55] : memref<128x128xf32, #tpu.memory_space<vmem>> -> memref<120x128xf32, #tpu.memory_space<vmem>>
      tpu.wait_dma2 semaphore(%run_scoped3A : memref<!tpu.dma_semaphore, #tpu.memory_space<semaphore_mem>>) src(%dma_wait3A_56 : memref<120x128xf32, #tpu.memory_space<vmem>>) dst(%dma_wait3A_53 : memref<120x128xf32, #tpu.memory_space<vmem_shared>>)
      tpu.yield
    }) : () -> ()
    "tpu.region"() ({
      %run_scoped3A = tpu.sem_alloc : memref<!tpu.dma_semaphore, #tpu.memory_space<semaphore_mem>>
      tpu.enqueue_dma source(%arg4 : memref<128x128xf32, #tpu.memory_space<hbm>>) target(%arg8 : memref<128x128xf32, #tpu.memory_space<vmem>>) target_semaphore(%run_scoped3A : memref<!tpu.dma_semaphore, #tpu.memory_space<semaphore_mem>>)
      tpu.wait_dma2 semaphore(%run_scoped3A : memref<!tpu.dma_semaphore, #tpu.memory_space<semaphore_mem>>) src(%arg4 : memref<128x128xf32, #tpu.memory_space<hbm>>) dst(%arg8 : memref<128x128xf32, #tpu.memory_space<vmem>>)
      tpu.yield
    }) : () -> ()
    %barrier3A = arith.constant 0 : index
    tpu.barrier barrier_id(%barrier3A)
    %scan3A = arith.constant 0 : i32
    %scan3A_13 = arith.constant 0 : i32
    %scan3A_14 = arith.constant 79 : i32
    %scan3A_15 = arith.addi %scan3A_13, %scan3A_14 : i32
    %scan3A_16 = arith.constant 1 : i32
    scf.for %scan3A_39 = %scan3A_13 to %scan3A_15 step %scan3A_16  : i32 {
      "tpu.region"() ({
        %run_scoped3A = tpu.sem_alloc : memref<!tpu.dma_semaphore, #tpu.memory_space<semaphore_mem>>
        %dma_start3A = arith.constant 0 : i32
        %dma_start3A_40 = tpu.memref_slice %arg2[%add3A, %scan3A_39, %dma_start3A] : memref<32x79x128xi32, #tpu.memory_space<hbm>> -> memref<1x1x128xi32, #tpu.memory_space<hbm>>
        %dma_start3A_41 = tpu.memref_squeeze %dma_start3A_40 : memref<1x1x128xi32, #tpu.memory_space<hbm>> -> memref<128xi32, #tpu.memory_space<hbm>>
        %dma_start3A_42 = arith.constant 0 : i32
        %dma_start3A_43 = tpu.memref_slice %arg2[%add3A, %scan3A_39, %dma_start3A_42] : memref<32x79x128xi32, #tpu.memory_space<hbm>> -> memref<1x1x128xi32, #tpu.memory_space<hbm>>
        %dma_start3A_44 = tpu.memref_squeeze %dma_start3A_43 : memref<1x1x128xi32, #tpu.memory_space<hbm>> -> memref<128xi32, #tpu.memory_space<hbm>>
        tpu.enqueue_dma source(%dma_start3A_44 : memref<128xi32, #tpu.memory_space<hbm>>) target(%arg7 : memref<128xi32, #tpu.memory_space<vmem>>) target_semaphore(%run_scoped3A : memref<!tpu.dma_semaphore, #tpu.memory_space<semaphore_mem>>)
        %dma_wait3A = arith.constant 0 : i32
        %dma_wait3A_45 = tpu.memref_slice %arg2[%add3A, %scan3A_39, %dma_wait3A] : memref<32x79x128xi32, #tpu.memory_space<hbm>> -> memref<1x1x128xi32, #tpu.memory_space<hbm>>
        %dma_wait3A_46 = tpu.memref_squeeze %dma_wait3A_45 : memref<1x1x128xi32, #tpu.memory_space<hbm>> -> memref<128xi32, #tpu.memory_space<hbm>>
        %dma_wait3A_47 = arith.constant 0 : i32
        %dma_wait3A_48 = tpu.memref_slice %arg2[%add3A, %scan3A_39, %dma_wait3A_47] : memref<32x79x128xi32, #tpu.memory_space<hbm>> -> memref<1x1x128xi32, #tpu.memory_space<hbm>>
        %dma_wait3A_49 = tpu.memref_squeeze %dma_wait3A_48 : memref<1x1x128xi32, #tpu.memory_space<hbm>> -> memref<128xi32, #tpu.memory_space<hbm>>
        tpu.wait_dma2 semaphore(%run_scoped3A : memref<!tpu.dma_semaphore, #tpu.memory_space<semaphore_mem>>) src(%dma_wait3A_49 : memref<128xi32, #tpu.memory_space<hbm>>) dst(%arg7 : memref<128xi32, #tpu.memory_space<vmem>>)
        tpu.yield
      }) : () -> ()
      "tpu.region"() ({
        %run_scoped3A = tpu.sem_alloc : memref<!tpu.dma_semaphore, #tpu.memory_space<semaphore_mem>>
        %dma_start3A = arith.constant 0 : i32
        %dma_start3A_40 = arith.constant 0 : i32
        %dma_start3A_41 = tpu.memref_slice %arg6[%dma_start3A, %dma_start3A_40] : memref<10112x128xf32, #tpu.memory_space<vmem_shared>> -> memref<10112x128xf32, #tpu.memory_space<vmem_shared>>
        tpu.enqueue_indirect_dma source(%arg8 : memref<128x128xf32, #tpu.memory_space<vmem>>) target(%dma_start3A_41 : memref<10112x128xf32, #tpu.memory_space<vmem_shared>>) offsets(%arg7 : memref<128xi32, #tpu.memory_space<vmem>>) semaphore(%run_scoped3A : memref<!tpu.dma_semaphore, #tpu.memory_space<semaphore_mem>>) {add = true}
        %dma_wait3A = arith.constant 0 : i32
        %dma_wait3A_42 = arith.constant 0 : i32
        %dma_wait3A_43 = tpu.memref_slice %arg6[%dma_wait3A, %dma_wait3A_42] : memref<10112x128xf32, #tpu.memory_space<vmem_shared>> -> memref<10112x128xf32, #tpu.memory_space<vmem_shared>>
        tpu.wait_indirect_dma semaphore(%run_scoped3A : memref<!tpu.dma_semaphore, #tpu.memory_space<semaphore_mem>>) src(%arg8 : memref<128x128xf32, #tpu.memory_space<vmem>>) dst(%dma_wait3A_43 : memref<10112x128xf32, #tpu.memory_space<vmem_shared>>)
        tpu.yield
      }) : () -> ()
    }
    %scan3A_17 = arith.constant 79 : i32
    %barrier3A_18 = arith.constant 0 : index
    tpu.barrier barrier_id(%barrier3A_18)
    %add3A_19 = arith.constant 0 : i32
    %add3A_20 = arith.addi %mul3A_2, %add3A_19 : i32
    "tpu.region"() ({
      %run_scoped3A = tpu.sem_alloc : memref<!tpu.dma_semaphore, #tpu.memory_space<semaphore_mem>>
      %dma_start3A = arith.constant 0 : i32
      %dma_start3A_39 = arith.constant 0 : i32
      %dma_start3A_40 = tpu.memref_slice %arg8[%dma_start3A, %dma_start3A_39] : memref<128x128xf32, #tpu.memory_space<vmem>> -> memref<128x128xf32, #tpu.memory_space<vmem>>
      %dma_start3A_41 = arith.constant 0 : i32
      %dma_start3A_42 = tpu.memref_slice %arg6[%add3A_20, %dma_start3A_41] : memref<10112x128xf32, #tpu.memory_space<vmem_shared>> -> memref<128x128xf32, #tpu.memory_space<vmem_shared>>
      %dma_start3A_43 = arith.constant 0 : i32
      %dma_start3A_44 = arith.constant 0 : i32
      %dma_start3A_45 = tpu.memref_slice %arg8[%dma_start3A_43, %dma_start3A_44] : memref<128x128xf32, #tpu.memory_space<vmem>> -> memref<128x128xf32, #tpu.memory_space<vmem>>
      %dma_start3A_46 = arith.constant 0 : i32
      %dma_start3A_47 = tpu.memref_slice %arg6[%add3A_20, %dma_start3A_46] : memref<10112x128xf32, #tpu.memory_space<vmem_shared>> -> memref<128x128xf32, #tpu.memory_space<vmem_shared>>
      tpu.enqueue_dma source(%dma_start3A_47 : memref<128x128xf32, #tpu.memory_space<vmem_shared>>) target(%dma_start3A_45 : memref<128x128xf32, #tpu.memory_space<vmem>>) target_semaphore(%run_scoped3A : memref<!tpu.dma_semaphore, #tpu.memory_space<semaphore_mem>>)
      %dma_wait3A = arith.constant 0 : i32
      %dma_wait3A_48 = arith.constant 0 : i32
      %dma_wait3A_49 = tpu.memref_slice %arg8[%dma_wait3A, %dma_wait3A_48] : memref<128x128xf32, #tpu.memory_space<vmem>> -> memref<128x128xf32, #tpu.memory_space<vmem>>
      %dma_wait3A_50 = arith.constant 0 : i32
      %dma_wait3A_51 = tpu.memref_slice %arg6[%add3A_20, %dma_wait3A_50] : memref<10112x128xf32, #tpu.memory_space<vmem_shared>> -> memref<128x128xf32, #tpu.memory_space<vmem_shared>>
      %dma_wait3A_52 = arith.constant 0 : i32
      %dma_wait3A_53 = arith.constant 0 : i32
      %dma_wait3A_54 = tpu.memref_slice %arg8[%dma_wait3A_52, %dma_wait3A_53] : memref<128x128xf32, #tpu.memory_space<vmem>> -> memref<128x128xf32, #tpu.memory_space<vmem>>
      %dma_wait3A_55 = arith.constant 0 : i32
      %dma_wait3A_56 = tpu.memref_slice %arg6[%add3A_20, %dma_wait3A_55] : memref<10112x128xf32, #tpu.memory_space<vmem_shared>> -> memref<128x128xf32, #tpu.memory_space<vmem_shared>>
      tpu.wait_dma2 semaphore(%run_scoped3A : memref<!tpu.dma_semaphore, #tpu.memory_space<semaphore_mem>>) src(%dma_wait3A_56 : memref<128x128xf32, #tpu.memory_space<vmem_shared>>) dst(%dma_wait3A_54 : memref<128x128xf32, #tpu.memory_space<vmem>>)
      tpu.yield
    }) : () -> ()
    %add3A_21 = arith.constant 0 : i32
    %add3A_22 = arith.addi %mul3A_2, %add3A_21 : i32
    "tpu.region"() ({
      %run_scoped3A = tpu.sem_alloc : memref<!tpu.dma_semaphore, #tpu.memory_space<semaphore_mem>>
      %dma_start3A = arith.constant 0 : i32
      %dma_start3A_39 = arith.constant 0 : i32
      %dma_start3A_40 = tpu.memref_slice %arg8[%dma_start3A, %dma_start3A_39] : memref<128x128xf32, #tpu.memory_space<vmem>> -> memref<128x128xf32, #tpu.memory_space<vmem>>
      %dma_start3A_41 = arith.constant 0 : i32
      %dma_start3A_42 = tpu.memref_slice %arg5[%arg0, %add3A_22, %dma_start3A_41] : memref<2x10112x128xf32, #tpu.memory_space<hbm>> -> memref<1x128x128xf32, #tpu.memory_space<hbm>>
      %dma_start3A_43 = tpu.memref_squeeze %dma_start3A_42 : memref<1x128x128xf32, #tpu.memory_space<hbm>> -> memref<128x128xf32, #tpu.memory_space<hbm>>
      %dma_start3A_44 = arith.constant 0 : i32
      %dma_start3A_45 = tpu.memref_slice %arg5[%arg0, %add3A_22, %dma_start3A_44] : memref<2x10112x128xf32, #tpu.memory_space<hbm>> -> memref<1x128x128xf32, #tpu.memory_space<hbm>>
      %dma_start3A_46 = tpu.memref_squeeze %dma_start3A_45 : memref<1x128x128xf32, #tpu.memory_space<hbm>> -> memref<128x128xf32, #tpu.memory_space<hbm>>
      %dma_start3A_47 = arith.constant 0 : i32
      %dma_start3A_48 = arith.constant 0 : i32
      %dma_start3A_49 = tpu.memref_slice %arg8[%dma_start3A_47, %dma_start3A_48] : memref<128x128xf32, #tpu.memory_space<vmem>> -> memref<128x128xf32, #tpu.memory_space<vmem>>
      tpu.enqueue_dma source(%dma_start3A_49 : memref<128x128xf32, #tpu.memory_space<vmem>>) target(%dma_start3A_46 : memref<128x128xf32, #tpu.memory_space<hbm>>) target_semaphore(%run_scoped3A : memref<!tpu.dma_semaphore, #tpu.memory_space<semaphore_mem>>)
      %dma_wait3A = arith.constant 0 : i32
      %dma_wait3A_50 = arith.constant 0 : i32
      %dma_wait3A_51 = tpu.memref_slice %arg8[%dma_wait3A, %dma_wait3A_50] : memref<128x128xf32, #tpu.memory_space<vmem>> -> memref<128x128xf32, #tpu.memory_space<vmem>>
      %dma_wait3A_52 = arith.constant 0 : i32
      %dma_wait3A_53 = tpu.memref_slice %arg5[%arg0, %add3A_22, %dma_wait3A_52] : memref<2x10112x128xf32, #tpu.memory_space<hbm>> -> memref<1x128x128xf32, #tpu.memory_space<hbm>>
      %dma_wait3A_54 = tpu.memref_squeeze %dma_wait3A_53 : memref<1x128x128xf32, #tpu.memory_space<hbm>> -> memref<128x128xf32, #tpu.memory_space<hbm>>
      %dma_wait3A_55 = arith.constant 0 : i32
      %dma_wait3A_56 = tpu.memref_slice %arg5[%arg0, %add3A_22, %dma_wait3A_55] : memref<2x10112x128xf32, #tpu.memory_space<hbm>> -> memref<1x128x128xf32, #tpu.memory_space<hbm>>
      %dma_wait3A_57 = tpu.memref_squeeze %dma_wait3A_56 : memref<1x128x128xf32, #tpu.memory_space<hbm>> -> memref<128x128xf32, #tpu.memory_space<hbm>>
      %dma_wait3A_58 = arith.constant 0 : i32
      %dma_wait3A_59 = arith.constant 0 : i32
      %dma_wait3A_60 = tpu.memref_slice %arg8[%dma_wait3A_58, %dma_wait3A_59] : memref<128x128xf32, #tpu.memory_space<vmem>> -> memref<128x128xf32, #tpu.memory_space<vmem>>
      tpu.wait_dma2 semaphore(%run_scoped3A : memref<!tpu.dma_semaphore, #tpu.memory_space<semaphore_mem>>) src(%dma_wait3A_60 : memref<128x128xf32, #tpu.memory_space<vmem>>) dst(%dma_wait3A_57 : memref<128x128xf32, #tpu.memory_space<hbm>>)
      tpu.yield
    }) : () -> ()
    %add3A_23 = arith.constant 128 : i32
    %add3A_24 = arith.addi %mul3A_2, %add3A_23 : i32
    "tpu.region"() ({
      %run_scoped3A = tpu.sem_alloc : memref<!tpu.dma_semaphore, #tpu.memory_space<semaphore_mem>>
      %dma_start3A = arith.constant 0 : i32
      %dma_start3A_39 = arith.constant 0 : i32
      %dma_start3A_40 = tpu.memref_slice %arg8[%dma_start3A, %dma_start3A_39] : memref<128x128xf32, #tpu.memory_space<vmem>> -> memref<128x128xf32, #tpu.memory_space<vmem>>
      %dma_start3A_41 = arith.constant 0 : i32
      %dma_start3A_42 = tpu.memref_slice %arg6[%add3A_24, %dma_start3A_41] : memref<10112x128xf32, #tpu.memory_space<vmem_shared>> -> memref<128x128xf32, #tpu.memory_space<vmem_shared>>
      %dma_start3A_43 = arith.constant 0 : i32
      %dma_start3A_44 = arith.constant 0 : i32
      %dma_start3A_45 = tpu.memref_slice %arg8[%dma_start3A_43, %dma_start3A_44] : memref<128x128xf32, #tpu.memory_space<vmem>> -> memref<128x128xf32, #tpu.memory_space<vmem>>
      %dma_start3A_46 = arith.constant 0 : i32
      %dma_start3A_47 = tpu.memref_slice %arg6[%add3A_24, %dma_start3A_46] : memref<10112x128xf32, #tpu.memory_space<vmem_shared>> -> memref<128x128xf32, #tpu.memory_space<vmem_shared>>
      tpu.enqueue_dma source(%dma_start3A_47 : memref<128x128xf32, #tpu.memory_space<vmem_shared>>) target(%dma_start3A_45 : memref<128x128xf32, #tpu.memory_space<vmem>>) target_semaphore(%run_scoped3A : memref<!tpu.dma_semaphore, #tpu.memory_space<semaphore_mem>>)
      %dma_wait3A = arith.constant 0 : i32
      %dma_wait3A_48 = arith.constant 0 : i32
      %dma_wait3A_49 = tpu.memref_slice %arg8[%dma_wait3A, %dma_wait3A_48] : memref<128x128xf32, #tpu.memory_space<vmem>> -> memref<128x128xf32, #tpu.memory_space<vmem>>
      %dma_wait3A_50 = arith.constant 0 : i32
      %dma_wait3A_51 = tpu.memref_slice %arg6[%add3A_24, %dma_wait3A_50] : memref<10112x128xf32, #tpu.memory_space<vmem_shared>> -> memref<128x128xf32, #tpu.memory_space<vmem_shared>>
      %dma_wait3A_52 = arith.constant 0 : i32
      %dma_wait3A_53 = arith.constant 0 : i32
      %dma_wait3A_54 = tpu.memref_slice %arg8[%dma_wait3A_52, %dma_wait3A_53] : memref<128x128xf32, #tpu.memory_space<vmem>> -> memref<128x128xf32, #tpu.memory_space<vmem>>
      %dma_wait3A_55 = arith.constant 0 : i32
      %dma_wait3A_56 = tpu.memref_slice %arg6[%add3A_24, %dma_wait3A_55] : memref<10112x128xf32, #tpu.memory_space<vmem_shared>> -> memref<128x128xf32, #tpu.memory_space<vmem_shared>>
      tpu.wait_dma2 semaphore(%run_scoped3A : memref<!tpu.dma_semaphore, #tpu.memory_space<semaphore_mem>>) src(%dma_wait3A_56 : memref<128x128xf32, #tpu.memory_space<vmem_shared>>) dst(%dma_wait3A_54 : memref<128x128xf32, #tpu.memory_space<vmem>>)
      tpu.yield
    }) : () -> ()
    %add3A_25 = arith.constant 128 : i32
    %add3A_26 = arith.addi %mul3A_2, %add3A_25 : i32
    "tpu.region"() ({
      %run_scoped3A = tpu.sem_alloc : memref<!tpu.dma_semaphore, #tpu.memory_space<semaphore_mem>>
      %dma_start3A = arith.constant 0 : i32
      %dma_start3A_39 = arith.constant 0 : i32
      %dma_start3A_40 = tpu.memref_slice %arg8[%dma_start3A, %dma_start3A_39] : memref<128x128xf32, #tpu.memory_space<vmem>> -> memref<128x128xf32, #tpu.memory_space<vmem>>
      %dma_start3A_41 = arith.constant 0 : i32
      %dma_start3A_42 = tpu.memref_slice %arg5[%arg0, %add3A_26, %dma_start3A_41] : memref<2x10112x128xf32, #tpu.memory_space<hbm>> -> memref<1x128x128xf32, #tpu.memory_space<hbm>>
      %dma_start3A_43 = tpu.memref_squeeze %dma_start3A_42 : memref<1x128x128xf32, #tpu.memory_space<hbm>> -> memref<128x128xf32, #tpu.memory_space<hbm>>
      %dma_start3A_44 = arith.constant 0 : i32
      %dma_start3A_45 = tpu.memref_slice %arg5[%arg0, %add3A_26, %dma_start3A_44] : memref<2x10112x128xf32, #tpu.memory_space<hbm>> -> memref<1x128x128xf32, #tpu.memory_space<hbm>>
      %dma_start3A_46 = tpu.memref_squeeze %dma_start3A_45 : memref<1x128x128xf32, #tpu.memory_space<hbm>> -> memref<128x128xf32, #tpu.memory_space<hbm>>
      %dma_start3A_47 = arith.constant 0 : i32
      %dma_start3A_48 = arith.constant 0 : i32
      %dma_start3A_49 = tpu.memref_slice %arg8[%dma_start3A_47, %dma_start3A_48] : memref<128x128xf32, #tpu.memory_space<vmem>> -> memref<128x128xf32, #tpu.memory_space<vmem>>
      tpu.enqueue_dma source(%dma_start3A_49 : memref<128x128xf32, #tpu.memory_space<vmem>>) target(%dma_start3A_46 : memref<128x128xf32, #tpu.memory_space<hbm>>) target_semaphore(%run_scoped3A : memref<!tpu.dma_semaphore, #tpu.memory_space<semaphore_mem>>)
      %dma_wait3A = arith.constant 0 : i32
      %dma_wait3A_50 = arith.constant 0 : i32
      %dma_wait3A_51 = tpu.memref_slice %arg8[%dma_wait3A, %dma_wait3A_50] : memref<128x128xf32, #tpu.memory_space<vmem>> -> memref<128x128xf32, #tpu.memory_space<vmem>>
      %dma_wait3A_52 = arith.constant 0 : i32
      %dma_wait3A_53 = tpu.memref_slice %arg5[%arg0, %add3A_26, %dma_wait3A_52] : memref<2x10112x128xf32, #tpu.memory_space<hbm>> -> memref<1x128x128xf32, #tpu.memory_space<hbm>>
      %dma_wait3A_54 = tpu.memref_squeeze %dma_wait3A_53 : memref<1x128x128xf32, #tpu.memory_space<hbm>> -> memref<128x128xf32, #tpu.memory_space<hbm>>
      %dma_wait3A_55 = arith.constant 0 : i32
      %dma_wait3A_56 = tpu.memref_slice %arg5[%arg0, %add3A_26, %dma_wait3A_55] : memref<2x10112x128xf32, #tpu.memory_space<hbm>> -> memref<1x128x128xf32, #tpu.memory_space<hbm>>
      %dma_wait3A_57 = tpu.memref_squeeze %dma_wait3A_56 : memref<1x128x128xf32, #tpu.memory_space<hbm>> -> memref<128x128xf32, #tpu.memory_space<hbm>>
      %dma_wait3A_58 = arith.constant 0 : i32
      %dma_wait3A_59 = arith.constant 0 : i32
      %dma_wait3A_60 = tpu.memref_slice %arg8[%dma_wait3A_58, %dma_wait3A_59] : memref<128x128xf32, #tpu.memory_space<vmem>> -> memref<128x128xf32, #tpu.memory_space<vmem>>
      tpu.wait_dma2 semaphore(%run_scoped3A : memref<!tpu.dma_semaphore, #tpu.memory_space<semaphore_mem>>) src(%dma_wait3A_60 : memref<128x128xf32, #tpu.memory_space<vmem>>) dst(%dma_wait3A_57 : memref<128x128xf32, #tpu.memory_space<hbm>>)
      tpu.yield
    }) : () -> ()
    %add3A_27 = arith.constant 256 : i32
    %add3A_28 = arith.addi %mul3A_2, %add3A_27 : i32
    "tpu.region"() ({
      %run_scoped3A = tpu.sem_alloc : memref<!tpu.dma_semaphore, #tpu.memory_space<semaphore_mem>>
      %dma_start3A = arith.constant 0 : i32
      %dma_start3A_39 = arith.constant 0 : i32
      %dma_start3A_40 = tpu.memref_slice %arg8[%dma_start3A, %dma_start3A_39] : memref<128x128xf32, #tpu.memory_space<vmem>> -> memref<128x128xf32, #tpu.memory_space<vmem>>
      %dma_start3A_41 = arith.constant 0 : i32
      %dma_start3A_42 = tpu.memref_slice %arg6[%add3A_28, %dma_start3A_41] : memref<10112x128xf32, #tpu.memory_space<vmem_shared>> -> memref<128x128xf32, #tpu.memory_space<vmem_shared>>
      %dma_start3A_43 = arith.constant 0 : i32
      %dma_start3A_44 = arith.constant 0 : i32
      %dma_start3A_45 = tpu.memref_slice %arg8[%dma_start3A_43, %dma_start3A_44] : memref<128x128xf32, #tpu.memory_space<vmem>> -> memref<128x128xf32, #tpu.memory_space<vmem>>
      %dma_start3A_46 = arith.constant 0 : i32
      %dma_start3A_47 = tpu.memref_slice %arg6[%add3A_28, %dma_start3A_46] : memref<10112x128xf32, #tpu.memory_space<vmem_shared>> -> memref<128x128xf32, #tpu.memory_space<vmem_shared>>
      tpu.enqueue_dma source(%dma_start3A_47 : memref<128x128xf32, #tpu.memory_space<vmem_shared>>) target(%dma_start3A_45 : memref<128x128xf32, #tpu.memory_space<vmem>>) target_semaphore(%run_scoped3A : memref<!tpu.dma_semaphore, #tpu.memory_space<semaphore_mem>>)
      %dma_wait3A = arith.constant 0 : i32
      %dma_wait3A_48 = arith.constant 0 : i32
      %dma_wait3A_49 = tpu.memref_slice %arg8[%dma_wait3A, %dma_wait3A_48] : memref<128x128xf32, #tpu.memory_space<vmem>> -> memref<128x128xf32, #tpu.memory_space<vmem>>
      %dma_wait3A_50 = arith.constant 0 : i32
      %dma_wait3A_51 = tpu.memref_slice %arg6[%add3A_28, %dma_wait3A_50] : memref<10112x128xf32, #tpu.memory_space<vmem_shared>> -> memref<128x128xf32, #tpu.memory_space<vmem_shared>>
      %dma_wait3A_52 = arith.constant 0 : i32
      %dma_wait3A_53 = arith.constant 0 : i32
      %dma_wait3A_54 = tpu.memref_slice %arg8[%dma_wait3A_52, %dma_wait3A_53] : memref<128x128xf32, #tpu.memory_space<vmem>> -> memref<128x128xf32, #tpu.memory_space<vmem>>
      %dma_wait3A_55 = arith.constant 0 : i32
      %dma_wait3A_56 = tpu.memref_slice %arg6[%add3A_28, %dma_wait3A_55] : memref<10112x128xf32, #tpu.memory_space<vmem_shared>> -> memref<128x128xf32, #tpu.memory_space<vmem_shared>>
      tpu.wait_dma2 semaphore(%run_scoped3A : memref<!tpu.dma_semaphore, #tpu.memory_space<semaphore_mem>>) src(%dma_wait3A_56 : memref<128x128xf32, #tpu.memory_space<vmem_shared>>) dst(%dma_wait3A_54 : memref<128x128xf32, #tpu.memory_space<vmem>>)
      tpu.yield
    }) : () -> ()
    %add3A_29 = arith.constant 256 : i32
    %add3A_30 = arith.addi %mul3A_2, %add3A_29 : i32
    "tpu.region"() ({
      %run_scoped3A = tpu.sem_alloc : memref<!tpu.dma_semaphore, #tpu.memory_space<semaphore_mem>>
      %dma_start3A = arith.constant 0 : i32
      %dma_start3A_39 = arith.constant 0 : i32
      %dma_start3A_40 = tpu.memref_slice %arg8[%dma_start3A, %dma_start3A_39] : memref<128x128xf32, #tpu.memory_space<vmem>> -> memref<128x128xf32, #tpu.memory_space<vmem>>
      %dma_start3A_41 = arith.constant 0 : i32
      %dma_start3A_42 = tpu.memref_slice %arg5[%arg0, %add3A_30, %dma_start3A_41] : memref<2x10112x128xf32, #tpu.memory_space<hbm>> -> memref<1x128x128xf32, #tpu.memory_space<hbm>>
      %dma_start3A_43 = tpu.memref_squeeze %dma_start3A_42 : memref<1x128x128xf32, #tpu.memory_space<hbm>> -> memref<128x128xf32, #tpu.memory_space<hbm>>
      %dma_start3A_44 = arith.constant 0 : i32
      %dma_start3A_45 = tpu.memref_slice %arg5[%arg0, %add3A_30, %dma_start3A_44] : memref<2x10112x128xf32, #tpu.memory_space<hbm>> -> memref<1x128x128xf32, #tpu.memory_space<hbm>>
      %dma_start3A_46 = tpu.memref_squeeze %dma_start3A_45 : memref<1x128x128xf32, #tpu.memory_space<hbm>> -> memref<128x128xf32, #tpu.memory_space<hbm>>
      %dma_start3A_47 = arith.constant 0 : i32
      %dma_start3A_48 = arith.constant 0 : i32
      %dma_start3A_49 = tpu.memref_slice %arg8[%dma_start3A_47, %dma_start3A_48] : memref<128x128xf32, #tpu.memory_space<vmem>> -> memref<128x128xf32, #tpu.memory_space<vmem>>
      tpu.enqueue_dma source(%dma_start3A_49 : memref<128x128xf32, #tpu.memory_space<vmem>>) target(%dma_start3A_46 : memref<128x128xf32, #tpu.memory_space<hbm>>) target_semaphore(%run_scoped3A : memref<!tpu.dma_semaphore, #tpu.memory_space<semaphore_mem>>)
      %dma_wait3A = arith.constant 0 : i32
      %dma_wait3A_50 = arith.constant 0 : i32
      %dma_wait3A_51 = tpu.memref_slice %arg8[%dma_wait3A, %dma_wait3A_50] : memref<128x128xf32, #tpu.memory_space<vmem>> -> memref<128x128xf32, #tpu.memory_space<vmem>>
      %dma_wait3A_52 = arith.constant 0 : i32
      %dma_wait3A_53 = tpu.memref_slice %arg5[%arg0, %add3A_30, %dma_wait3A_52] : memref<2x10112x128xf32, #tpu.memory_space<hbm>> -> memref<1x128x128xf32, #tpu.memory_space<hbm>>
      %dma_wait3A_54 = tpu.memref_squeeze %dma_wait3A_53 : memref<1x128x128xf32, #tpu.memory_space<hbm>> -> memref<128x128xf32, #tpu.memory_space<hbm>>
      %dma_wait3A_55 = arith.constant 0 : i32
      %dma_wait3A_56 = tpu.memref_slice %arg5[%arg0, %add3A_30, %dma_wait3A_55] : memref<2x10112x128xf32, #tpu.memory_space<hbm>> -> memref<1x128x128xf32, #tpu.memory_space<hbm>>
      %dma_wait3A_57 = tpu.memref_squeeze %dma_wait3A_56 : memref<1x128x128xf32, #tpu.memory_space<hbm>> -> memref<128x128xf32, #tpu.memory_space<hbm>>
      %dma_wait3A_58 = arith.constant 0 : i32
      %dma_wait3A_59 = arith.constant 0 : i32
      %dma_wait3A_60 = tpu.memref_slice %arg8[%dma_wait3A_58, %dma_wait3A_59] : memref<128x128xf32, #tpu.memory_space<vmem>> -> memref<128x128xf32, #tpu.memory_space<vmem>>
      tpu.wait_dma2 semaphore(%run_scoped3A : memref<!tpu.dma_semaphore, #tpu.memory_space<semaphore_mem>>) src(%dma_wait3A_60 : memref<128x128xf32, #tpu.memory_space<vmem>>) dst(%dma_wait3A_57 : memref<128x128xf32, #tpu.memory_space<hbm>>)
      tpu.yield
    }) : () -> ()
    %add3A_31 = arith.constant 384 : i32
    %add3A_32 = arith.addi %mul3A_2, %add3A_31 : i32
    "tpu.region"() ({
      %run_scoped3A = tpu.sem_alloc : memref<!tpu.dma_semaphore, #tpu.memory_space<semaphore_mem>>
      %dma_start3A = arith.constant 0 : i32
      %dma_start3A_39 = arith.constant 0 : i32
      %dma_start3A_40 = tpu.memref_slice %arg8[%dma_start3A, %dma_start3A_39] : memref<128x128xf32, #tpu.memory_space<vmem>> -> memref<128x128xf32, #tpu.memory_space<vmem>>
      %dma_start3A_41 = arith.constant 0 : i32
      %dma_start3A_42 = tpu.memref_slice %arg6[%add3A_32, %dma_start3A_41] : memref<10112x128xf32, #tpu.memory_space<vmem_shared>> -> memref<128x128xf32, #tpu.memory_space<vmem_shared>>
      %dma_start3A_43 = arith.constant 0 : i32
      %dma_start3A_44 = arith.constant 0 : i32
      %dma_start3A_45 = tpu.memref_slice %arg8[%dma_start3A_43, %dma_start3A_44] : memref<128x128xf32, #tpu.memory_space<vmem>> -> memref<128x128xf32, #tpu.memory_space<vmem>>
      %dma_start3A_46 = arith.constant 0 : i32
      %dma_start3A_47 = tpu.memref_slice %arg6[%add3A_32, %dma_start3A_46] : memref<10112x128xf32, #tpu.memory_space<vmem_shared>> -> memref<128x128xf32, #tpu.memory_space<vmem_shared>>
      tpu.enqueue_dma source(%dma_start3A_47 : memref<128x128xf32, #tpu.memory_space<vmem_shared>>) target(%dma_start3A_45 : memref<128x128xf32, #tpu.memory_space<vmem>>) target_semaphore(%run_scoped3A : memref<!tpu.dma_semaphore, #tpu.memory_space<semaphore_mem>>)
      %dma_wait3A = arith.constant 0 : i32
      %dma_wait3A_48 = arith.constant 0 : i32
      %dma_wait3A_49 = tpu.memref_slice %arg8[%dma_wait3A, %dma_wait3A_48] : memref<128x128xf32, #tpu.memory_space<vmem>> -> memref<128x128xf32, #tpu.memory_space<vmem>>
      %dma_wait3A_50 = arith.constant 0 : i32
      %dma_wait3A_51 = tpu.memref_slice %arg6[%add3A_32, %dma_wait3A_50] : memref<10112x128xf32, #tpu.memory_space<vmem_shared>> -> memref<128x128xf32, #tpu.memory_space<vmem_shared>>
      %dma_wait3A_52 = arith.constant 0 : i32
      %dma_wait3A_53 = arith.constant 0 : i32
      %dma_wait3A_54 = tpu.memref_slice %arg8[%dma_wait3A_52, %dma_wait3A_53] : memref<128x128xf32, #tpu.memory_space<vmem>> -> memref<128x128xf32, #tpu.memory_space<vmem>>
      %dma_wait3A_55 = arith.constant 0 : i32
      %dma_wait3A_56 = tpu.memref_slice %arg6[%add3A_32, %dma_wait3A_55] : memref<10112x128xf32, #tpu.memory_space<vmem_shared>> -> memref<128x128xf32, #tpu.memory_space<vmem_shared>>
      tpu.wait_dma2 semaphore(%run_scoped3A : memref<!tpu.dma_semaphore, #tpu.memory_space<semaphore_mem>>) src(%dma_wait3A_56 : memref<128x128xf32, #tpu.memory_space<vmem_shared>>) dst(%dma_wait3A_54 : memref<128x128xf32, #tpu.memory_space<vmem>>)
      tpu.yield
    }) : () -> ()
    %add3A_33 = arith.constant 384 : i32
    %add3A_34 = arith.addi %mul3A_2, %add3A_33 : i32
    "tpu.region"() ({
      %run_scoped3A = tpu.sem_alloc : memref<!tpu.dma_semaphore, #tpu.memory_space<semaphore_mem>>
      %dma_start3A = arith.constant 0 : i32
      %dma_start3A_39 = arith.constant 0 : i32
      %dma_start3A_40 = tpu.memref_slice %arg8[%dma_start3A, %dma_start3A_39] : memref<128x128xf32, #tpu.memory_space<vmem>> -> memref<128x128xf32, #tpu.memory_space<vmem>>
      %dma_start3A_41 = arith.constant 0 : i32
      %dma_start3A_42 = tpu.memref_slice %arg5[%arg0, %add3A_34, %dma_start3A_41] : memref<2x10112x128xf32, #tpu.memory_space<hbm>> -> memref<1x128x128xf32, #tpu.memory_space<hbm>>
      %dma_start3A_43 = tpu.memref_squeeze %dma_start3A_42 : memref<1x128x128xf32, #tpu.memory_space<hbm>> -> memref<128x128xf32, #tpu.memory_space<hbm>>
      %dma_start3A_44 = arith.constant 0 : i32
      %dma_start3A_45 = tpu.memref_slice %arg5[%arg0, %add3A_34, %dma_start3A_44] : memref<2x10112x128xf32, #tpu.memory_space<hbm>> -> memref<1x128x128xf32, #tpu.memory_space<hbm>>
      %dma_start3A_46 = tpu.memref_squeeze %dma_start3A_45 : memref<1x128x128xf32, #tpu.memory_space<hbm>> -> memref<128x128xf32, #tpu.memory_space<hbm>>
      %dma_start3A_47 = arith.constant 0 : i32
      %dma_start3A_48 = arith.constant 0 : i32
      %dma_start3A_49 = tpu.memref_slice %arg8[%dma_start3A_47, %dma_start3A_48] : memref<128x128xf32, #tpu.memory_space<vmem>> -> memref<128x128xf32, #tpu.memory_space<vmem>>
      tpu.enqueue_dma source(%dma_start3A_49 : memref<128x128xf32, #tpu.memory_space<vmem>>) target(%dma_start3A_46 : memref<128x128xf32, #tpu.memory_space<hbm>>) target_semaphore(%run_scoped3A : memref<!tpu.dma_semaphore, #tpu.memory_space<semaphore_mem>>)
      %dma_wait3A = arith.constant 0 : i32
      %dma_wait3A_50 = arith.constant 0 : i32
      %dma_wait3A_51 = tpu.memref_slice %arg8[%dma_wait3A, %dma_wait3A_50] : memref<128x128xf32, #tpu.memory_space<vmem>> -> memref<128x128xf32, #tpu.memory_space<vmem>>
      %dma_wait3A_52 = arith.constant 0 : i32
      %dma_wait3A_53 = tpu.memref_slice %arg5[%arg0, %add3A_34, %dma_wait3A_52] : memref<2x10112x128xf32, #tpu.memory_space<hbm>> -> memref<1x128x128xf32, #tpu.memory_space<hbm>>
      %dma_wait3A_54 = tpu.memref_squeeze %dma_wait3A_53 : memref<1x128x128xf32, #tpu.memory_space<hbm>> -> memref<128x128xf32, #tpu.memory_space<hbm>>
      %dma_wait3A_55 = arith.constant 0 : i32
      %dma_wait3A_56 = tpu.memref_slice %arg5[%arg0, %add3A_34, %dma_wait3A_55] : memref<2x10112x128xf32, #tpu.memory_space<hbm>> -> memref<1x128x128xf32, #tpu.memory_space<hbm>>
      %dma_wait3A_57 = tpu.memref_squeeze %dma_wait3A_56 : memref<1x128x128xf32, #tpu.memory_space<hbm>> -> memref<128x128xf32, #tpu.memory_space<hbm>>
      %dma_wait3A_58 = arith.constant 0 : i32
      %dma_wait3A_59 = arith.constant 0 : i32
      %dma_wait3A_60 = tpu.memref_slice %arg8[%dma_wait3A_58, %dma_wait3A_59] : memref<128x128xf32, #tpu.memory_space<vmem>> -> memref<128x128xf32, #tpu.memory_space<vmem>>
      tpu.wait_dma2 semaphore(%run_scoped3A : memref<!tpu.dma_semaphore, #tpu.memory_space<semaphore_mem>>) src(%dma_wait3A_60 : memref<128x128xf32, #tpu.memory_space<vmem>>) dst(%dma_wait3A_57 : memref<128x128xf32, #tpu.memory_space<hbm>>)
      tpu.yield
    }) : () -> ()
    %add3A_35 = arith.constant 512 : i32
    %add3A_36 = arith.addi %mul3A_2, %add3A_35 : i32
    "tpu.region"() ({
      %run_scoped3A = tpu.sem_alloc : memref<!tpu.dma_semaphore, #tpu.memory_space<semaphore_mem>>
      %dma_start3A = arith.constant 0 : i32
      %dma_start3A_39 = arith.constant 0 : i32
      %dma_start3A_40 = tpu.memref_slice %arg8[%dma_start3A, %dma_start3A_39] : memref<128x128xf32, #tpu.memory_space<vmem>> -> memref<120x128xf32, #tpu.memory_space<vmem>>
      %dma_start3A_41 = arith.constant 0 : i32
      %dma_start3A_42 = tpu.memref_slice %arg6[%add3A_36, %dma_start3A_41] : memref<10112x128xf32, #tpu.memory_space<vmem_shared>> -> memref<120x128xf32, #tpu.memory_space<vmem_shared>>
      %dma_start3A_43 = arith.constant 0 : i32
      %dma_start3A_44 = arith.constant 0 : i32
      %dma_start3A_45 = tpu.memref_slice %arg8[%dma_start3A_43, %dma_start3A_44] : memref<128x128xf32, #tpu.memory_space<vmem>> -> memref<120x128xf32, #tpu.memory_space<vmem>>
      %dma_start3A_46 = arith.constant 0 : i32
      %dma_start3A_47 = tpu.memref_slice %arg6[%add3A_36, %dma_start3A_46] : memref<10112x128xf32, #tpu.memory_space<vmem_shared>> -> memref<120x128xf32, #tpu.memory_space<vmem_shared>>
      tpu.enqueue_dma source(%dma_start3A_47 : memref<120x128xf32, #tpu.memory_space<vmem_shared>>) target(%dma_start3A_45 : memref<120x128xf32, #tpu.memory_space<vmem>>) target_semaphore(%run_scoped3A : memref<!tpu.dma_semaphore, #tpu.memory_space<semaphore_mem>>)
      %dma_wait3A = arith.constant 0 : i32
      %dma_wait3A_48 = arith.constant 0 : i32
      %dma_wait3A_49 = tpu.memref_slice %arg8[%dma_wait3A, %dma_wait3A_48] : memref<128x128xf32, #tpu.memory_space<vmem>> -> memref<120x128xf32, #tpu.memory_space<vmem>>
      %dma_wait3A_50 = arith.constant 0 : i32
      %dma_wait3A_51 = tpu.memref_slice %arg6[%add3A_36, %dma_wait3A_50] : memref<10112x128xf32, #tpu.memory_space<vmem_shared>> -> memref<120x128xf32, #tpu.memory_space<vmem_shared>>
      %dma_wait3A_52 = arith.constant 0 : i32
      %dma_wait3A_53 = arith.constant 0 : i32
      %dma_wait3A_54 = tpu.memref_slice %arg8[%dma_wait3A_52, %dma_wait3A_53] : memref<128x128xf32, #tpu.memory_space<vmem>> -> memref<120x128xf32, #tpu.memory_space<vmem>>
      %dma_wait3A_55 = arith.constant 0 : i32
      %dma_wait3A_56 = tpu.memref_slice %arg6[%add3A_36, %dma_wait3A_55] : memref<10112x128xf32, #tpu.memory_space<vmem_shared>> -> memref<120x128xf32, #tpu.memory_space<vmem_shared>>
      tpu.wait_dma2 semaphore(%run_scoped3A : memref<!tpu.dma_semaphore, #tpu.memory_space<semaphore_mem>>) src(%dma_wait3A_56 : memref<120x128xf32, #tpu.memory_space<vmem_shared>>) dst(%dma_wait3A_54 : memref<120x128xf32, #tpu.memory_space<vmem>>)
      tpu.yield
    }) : () -> ()
    %add3A_37 = arith.constant 512 : i32
    %add3A_38 = arith.addi %mul3A_2, %add3A_37 : i32
    "tpu.region"() ({
      %run_scoped3A = tpu.sem_alloc : memref<!tpu.dma_semaphore, #tpu.memory_space<semaphore_mem>>
      %dma_start3A = arith.constant 0 : i32
      %dma_start3A_39 = arith.constant 0 : i32
      %dma_start3A_40 = tpu.memref_slice %arg8[%dma_start3A, %dma_start3A_39] : memref<128x128xf32, #tpu.memory_space<vmem>> -> memref<120x128xf32, #tpu.memory_space<vmem>>
      %dma_start3A_41 = arith.constant 0 : i32
      %dma_start3A_42 = tpu.memref_slice %arg5[%arg0, %add3A_38, %dma_start3A_41] : memref<2x10112x128xf32, #tpu.memory_space<hbm>> -> memref<1x120x128xf32, #tpu.memory_space<hbm>>
      %dma_start3A_43 = tpu.memref_squeeze %dma_start3A_42 : memref<1x120x128xf32, #tpu.memory_space<hbm>> -> memref<120x128xf32, #tpu.memory_space<hbm>>
      %dma_start3A_44 = arith.constant 0 : i32
      %dma_start3A_45 = tpu.memref_slice %arg5[%arg0, %add3A_38, %dma_start3A_44] : memref<2x10112x128xf32, #tpu.memory_space<hbm>> -> memref<1x120x128xf32, #tpu.memory_space<hbm>>
      %dma_start3A_46 = tpu.memref_squeeze %dma_start3A_45 : memref<1x120x128xf32, #tpu.memory_space<hbm>> -> memref<120x128xf32, #tpu.memory_space<hbm>>
      %dma_start3A_47 = arith.constant 0 : i32
      %dma_start3A_48 = arith.constant 0 : i32
      %dma_start3A_49 = tpu.memref_slice %arg8[%dma_start3A_47, %dma_start3A_48] : memref<128x128xf32, #tpu.memory_space<vmem>> -> memref<120x128xf32, #tpu.memory_space<vmem>>
      tpu.enqueue_dma source(%dma_start3A_49 : memref<120x128xf32, #tpu.memory_space<vmem>>) target(%dma_start3A_46 : memref<120x128xf32, #tpu.memory_space<hbm>>) target_semaphore(%run_scoped3A : memref<!tpu.dma_semaphore, #tpu.memory_space<semaphore_mem>>)
      %dma_wait3A = arith.constant 0 : i32
      %dma_wait3A_50 = arith.constant 0 : i32
      %dma_wait3A_51 = tpu.memref_slice %arg8[%dma_wait3A, %dma_wait3A_50] : memref<128x128xf32, #tpu.memory_space<vmem>> -> memref<120x128xf32, #tpu.memory_space<vmem>>
      %dma_wait3A_52 = arith.constant 0 : i32
      %dma_wait3A_53 = tpu.memref_slice %arg5[%arg0, %add3A_38, %dma_wait3A_52] : memref<2x10112x128xf32, #tpu.memory_space<hbm>> -> memref<1x120x128xf32, #tpu.memory_space<hbm>>
      %dma_wait3A_54 = tpu.memref_squeeze %dma_wait3A_53 : memref<1x120x128xf32, #tpu.memory_space<hbm>> -> memref<120x128xf32, #tpu.memory_space<hbm>>
      %dma_wait3A_55 = arith.constant 0 : i32
      %dma_wait3A_56 = tpu.memref_slice %arg5[%arg0, %add3A_38, %dma_wait3A_55] : memref<2x10112x128xf32, #tpu.memory_space<hbm>> -> memref<1x120x128xf32, #tpu.memory_space<hbm>>
      %dma_wait3A_57 = tpu.memref_squeeze %dma_wait3A_56 : memref<1x120x128xf32, #tpu.memory_space<hbm>> -> memref<120x128xf32, #tpu.memory_space<hbm>>
      %dma_wait3A_58 = arith.constant 0 : i32
      %dma_wait3A_59 = arith.constant 0 : i32
      %dma_wait3A_60 = tpu.memref_slice %arg8[%dma_wait3A_58, %dma_wait3A_59] : memref<128x128xf32, #tpu.memory_space<vmem>> -> memref<120x128xf32, #tpu.memory_space<vmem>>
      tpu.wait_dma2 semaphore(%run_scoped3A : memref<!tpu.dma_semaphore, #tpu.memory_space<semaphore_mem>>) src(%dma_wait3A_60 : memref<120x128xf32, #tpu.memory_space<vmem>>) dst(%dma_wait3A_57 : memref<120x128xf32, #tpu.memory_space<hbm>>)
      tpu.yield
    }) : () -> ()
    return
  }
}

#map = affine_map<(d0, d1) -> (0, 0)>
#map1 = affine_map<(d0, d1) -> (0, 0, 0)>
module attributes {stable_mosaic.version = 14 : i64} {
  func.func @body(%arg0: i32, %arg1: i32, %arg2: memref<10000x128xf32, #tpu.memory_space<hbm>>, %arg3: memref<32x79x128xi32, #tpu.memory_space<hbm>>, %arg4: memref<32x79x128xi32, #tpu.memory_space<hbm>>, %arg5: memref<128x128xf32, #tpu.memory_space<hbm>>, %arg6: memref<2x10112x128xf32, #tpu.memory_space<hbm>>, %arg7: memref<10112x128xf32, #tpu.memory_space<vmem_shared>>, %arg8: memref<128xi32, #tpu.memory_space<vmem>>, %arg9: memref<128xi32, #tpu.memory_space<vmem>>, %arg10: memref<128x128xf32, #tpu.memory_space<vmem>>, %arg11: memref<!tpu.dma_semaphore, #tpu.memory_space<semaphore_mem>>) attributes {dimension_semantics = [#tpu.dimension_semantics<core_parallel>, #tpu.dimension_semantics<subcore_parallel>], iteration_bounds = array<i64: 2, 16>, scalar_prefetch = 0 : i64, scratch_operands = 5 : i64, tpu.core_type = #tpu.core_type<sc_vector_subcore>, window_params = [{transform_indices = #map}, {transform_indices = #map1}, {transform_indices = #map1}, {transform_indices = #map}, {transform_indices = #map1}]} {
    %mul3A = arith.constant 2 : i32
    %mul3A_0 = arith.muli %arg1, %mul3A : i32
    %add3A = arith.addi %mul3A_0, %arg0 : i32
    %mul3A_1 = arith.constant 632 : i32
    %mul3A_2 = arith.muli %arg1, %mul3A_1 : i32
    "tpu.region"() ({
      %run_scoped3A = tpu.sem_alloc : memref<!tpu.dma_semaphore, #tpu.memory_space<semaphore_mem>>
      tpu.enqueue_dma source(%arg5 : memref<128x128xf32, #tpu.memory_space<hbm>>) target(%arg10 : memref<128x128xf32, #tpu.memory_space<vmem>>) target_semaphore(%run_scoped3A : memref<!tpu.dma_semaphore, #tpu.memory_space<semaphore_mem>>)
      tpu.wait_dma2 semaphore(%run_scoped3A : memref<!tpu.dma_semaphore, #tpu.memory_space<semaphore_mem>>) src(%arg5 : memref<128x128xf32, #tpu.memory_space<hbm>>) dst(%arg10 : memref<128x128xf32, #tpu.memory_space<vmem>>)
      tpu.yield
    }) : () -> ()
    %add3A_3 = arith.constant 0 : i32
    %add3A_4 = arith.addi %mul3A_2, %add3A_3 : i32
    "tpu.region"() ({
      %run_scoped3A = tpu.sem_alloc : memref<!tpu.dma_semaphore, #tpu.memory_space<semaphore_mem>>
      %dma_start3A = arith.constant 0 : i32
      %dma_start3A_39 = arith.constant 0 : i32
      %dma_start3A_40 = tpu.memref_slice %arg10[%dma_start3A, %dma_start3A_39] : memref<128x128xf32, #tpu.memory_space<vmem>> -> memref<128x128xf32, #tpu.memory_space<vmem>>
      %dma_start3A_41 = arith.constant 0 : i32
      %dma_start3A_42 = tpu.memref_slice %arg7[%add3A_4, %dma_start3A_41] : memref<10112x128xf32, #tpu.memory_space<vmem_shared>> -> memref<128x128xf32, #tpu.memory_space<vmem_shared>>
      %dma_start3A_43 = arith.constant 0 : i32
      %dma_start3A_44 = tpu.memref_slice %arg7[%add3A_4, %dma_start3A_43] : memref<10112x128xf32, #tpu.memory_space<vmem_shared>> -> memref<128x128xf32, #tpu.memory_space<vmem_shared>>
      %dma_start3A_45 = arith.constant 0 : i32
      %dma_start3A_46 = arith.constant 0 : i32
      %dma_start3A_47 = tpu.memref_slice %arg10[%dma_start3A_45, %dma_start3A_46] : memref<128x128xf32, #tpu.memory_space<vmem>> -> memref<128x128xf32, #tpu.memory_space<vmem>>
      tpu.enqueue_dma source(%dma_start3A_47 : memref<128x128xf32, #tpu.memory_space<vmem>>) target(%dma_start3A_44 : memref<128x128xf32, #tpu.memory_space<vmem_shared>>) target_semaphore(%run_scoped3A : memref<!tpu.dma_semaphore, #tpu.memory_space<semaphore_mem>>)
      %dma_wait3A = arith.constant 0 : i32
      %dma_wait3A_48 = arith.constant 0 : i32
      %dma_wait3A_49 = tpu.memref_slice %arg10[%dma_wait3A, %dma_wait3A_48] : memref<128x128xf32, #tpu.memory_space<vmem>> -> memref<128x128xf32, #tpu.memory_space<vmem>>
      %dma_wait3A_50 = arith.constant 0 : i32
      %dma_wait3A_51 = tpu.memref_slice %arg7[%add3A_4, %dma_wait3A_50] : memref<10112x128xf32, #tpu.memory_space<vmem_shared>> -> memref<128x128xf32, #tpu.memory_space<vmem_shared>>
      %dma_wait3A_52 = arith.constant 0 : i32
      %dma_wait3A_53 = tpu.memref_slice %arg7[%add3A_4, %dma_wait3A_52] : memref<10112x128xf32, #tpu.memory_space<vmem_shared>> -> memref<128x128xf32, #tpu.memory_space<vmem_shared>>
      %dma_wait3A_54 = arith.constant 0 : i32
      %dma_wait3A_55 = arith.constant 0 : i32
      %dma_wait3A_56 = tpu.memref_slice %arg10[%dma_wait3A_54, %dma_wait3A_55] : memref<128x128xf32, #tpu.memory_space<vmem>> -> memref<128x128xf32, #tpu.memory_space<vmem>>
      tpu.wait_dma2 semaphore(%run_scoped3A : memref<!tpu.dma_semaphore, #tpu.memory_space<semaphore_mem>>) src(%dma_wait3A_56 : memref<128x128xf32, #tpu.memory_space<vmem>>) dst(%dma_wait3A_53 : memref<128x128xf32, #tpu.memory_space<vmem_shared>>)
      tpu.yield
    }) : () -> ()
    %add3A_5 = arith.constant 128 : i32
    %add3A_6 = arith.addi %mul3A_2, %add3A_5 : i32
    "tpu.region"() ({
      %run_scoped3A = tpu.sem_alloc : memref<!tpu.dma_semaphore, #tpu.memory_space<semaphore_mem>>
      %dma_start3A = arith.constant 0 : i32
      %dma_start3A_39 = arith.constant 0 : i32
      %dma_start3A_40 = tpu.memref_slice %arg10[%dma_start3A, %dma_start3A_39] : memref<128x128xf32, #tpu.memory_space<vmem>> -> memref<128x128xf32, #tpu.memory_space<vmem>>
      %dma_start3A_41 = arith.constant 0 : i32
      %dma_start3A_42 = tpu.memref_slice %arg7[%add3A_6, %dma_start3A_41] : memref<10112x128xf32, #tpu.memory_space<vmem_shared>> -> memref<128x128xf32, #tpu.memory_space<vmem_shared>>
      %dma_start3A_43 = arith.constant 0 : i32
      %dma_start3A_44 = tpu.memref_slice %arg7[%add3A_6, %dma_start3A_43] : memref<10112x128xf32, #tpu.memory_space<vmem_shared>> -> memref<128x128xf32, #tpu.memory_space<vmem_shared>>
      %dma_start3A_45 = arith.constant 0 : i32
      %dma_start3A_46 = arith.constant 0 : i32
      %dma_start3A_47 = tpu.memref_slice %arg10[%dma_start3A_45, %dma_start3A_46] : memref<128x128xf32, #tpu.memory_space<vmem>> -> memref<128x128xf32, #tpu.memory_space<vmem>>
      tpu.enqueue_dma source(%dma_start3A_47 : memref<128x128xf32, #tpu.memory_space<vmem>>) target(%dma_start3A_44 : memref<128x128xf32, #tpu.memory_space<vmem_shared>>) target_semaphore(%run_scoped3A : memref<!tpu.dma_semaphore, #tpu.memory_space<semaphore_mem>>)
      %dma_wait3A = arith.constant 0 : i32
      %dma_wait3A_48 = arith.constant 0 : i32
      %dma_wait3A_49 = tpu.memref_slice %arg10[%dma_wait3A, %dma_wait3A_48] : memref<128x128xf32, #tpu.memory_space<vmem>> -> memref<128x128xf32, #tpu.memory_space<vmem>>
      %dma_wait3A_50 = arith.constant 0 : i32
      %dma_wait3A_51 = tpu.memref_slice %arg7[%add3A_6, %dma_wait3A_50] : memref<10112x128xf32, #tpu.memory_space<vmem_shared>> -> memref<128x128xf32, #tpu.memory_space<vmem_shared>>
      %dma_wait3A_52 = arith.constant 0 : i32
      %dma_wait3A_53 = tpu.memref_slice %arg7[%add3A_6, %dma_wait3A_52] : memref<10112x128xf32, #tpu.memory_space<vmem_shared>> -> memref<128x128xf32, #tpu.memory_space<vmem_shared>>
      %dma_wait3A_54 = arith.constant 0 : i32
      %dma_wait3A_55 = arith.constant 0 : i32
      %dma_wait3A_56 = tpu.memref_slice %arg10[%dma_wait3A_54, %dma_wait3A_55] : memref<128x128xf32, #tpu.memory_space<vmem>> -> memref<128x128xf32, #tpu.memory_space<vmem>>
      tpu.wait_dma2 semaphore(%run_scoped3A : memref<!tpu.dma_semaphore, #tpu.memory_space<semaphore_mem>>) src(%dma_wait3A_56 : memref<128x128xf32, #tpu.memory_space<vmem>>) dst(%dma_wait3A_53 : memref<128x128xf32, #tpu.memory_space<vmem_shared>>)
      tpu.yield
    }) : () -> ()
    %add3A_7 = arith.constant 256 : i32
    %add3A_8 = arith.addi %mul3A_2, %add3A_7 : i32
    "tpu.region"() ({
      %run_scoped3A = tpu.sem_alloc : memref<!tpu.dma_semaphore, #tpu.memory_space<semaphore_mem>>
      %dma_start3A = arith.constant 0 : i32
      %dma_start3A_39 = arith.constant 0 : i32
      %dma_start3A_40 = tpu.memref_slice %arg10[%dma_start3A, %dma_start3A_39] : memref<128x128xf32, #tpu.memory_space<vmem>> -> memref<128x128xf32, #tpu.memory_space<vmem>>
      %dma_start3A_41 = arith.constant 0 : i32
      %dma_start3A_42 = tpu.memref_slice %arg7[%add3A_8, %dma_start3A_41] : memref<10112x128xf32, #tpu.memory_space<vmem_shared>> -> memref<128x128xf32, #tpu.memory_space<vmem_shared>>
      %dma_start3A_43 = arith.constant 0 : i32
      %dma_start3A_44 = tpu.memref_slice %arg7[%add3A_8, %dma_start3A_43] : memref<10112x128xf32, #tpu.memory_space<vmem_shared>> -> memref<128x128xf32, #tpu.memory_space<vmem_shared>>
      %dma_start3A_45 = arith.constant 0 : i32
      %dma_start3A_46 = arith.constant 0 : i32
      %dma_start3A_47 = tpu.memref_slice %arg10[%dma_start3A_45, %dma_start3A_46] : memref<128x128xf32, #tpu.memory_space<vmem>> -> memref<128x128xf32, #tpu.memory_space<vmem>>
      tpu.enqueue_dma source(%dma_start3A_47 : memref<128x128xf32, #tpu.memory_space<vmem>>) target(%dma_start3A_44 : memref<128x128xf32, #tpu.memory_space<vmem_shared>>) target_semaphore(%run_scoped3A : memref<!tpu.dma_semaphore, #tpu.memory_space<semaphore_mem>>)
      %dma_wait3A = arith.constant 0 : i32
      %dma_wait3A_48 = arith.constant 0 : i32
      %dma_wait3A_49 = tpu.memref_slice %arg10[%dma_wait3A, %dma_wait3A_48] : memref<128x128xf32, #tpu.memory_space<vmem>> -> memref<128x128xf32, #tpu.memory_space<vmem>>
      %dma_wait3A_50 = arith.constant 0 : i32
      %dma_wait3A_51 = tpu.memref_slice %arg7[%add3A_8, %dma_wait3A_50] : memref<10112x128xf32, #tpu.memory_space<vmem_shared>> -> memref<128x128xf32, #tpu.memory_space<vmem_shared>>
      %dma_wait3A_52 = arith.constant 0 : i32
      %dma_wait3A_53 = tpu.memref_slice %arg7[%add3A_8, %dma_wait3A_52] : memref<10112x128xf32, #tpu.memory_space<vmem_shared>> -> memref<128x128xf32, #tpu.memory_space<vmem_shared>>
      %dma_wait3A_54 = arith.constant 0 : i32
      %dma_wait3A_55 = arith.constant 0 : i32
      %dma_wait3A_56 = tpu.memref_slice %arg10[%dma_wait3A_54, %dma_wait3A_55] : memref<128x128xf32, #tpu.memory_space<vmem>> -> memref<128x128xf32, #tpu.memory_space<vmem>>
      tpu.wait_dma2 semaphore(%run_scoped3A : memref<!tpu.dma_semaphore, #tpu.memory_space<semaphore_mem>>) src(%dma_wait3A_56 : memref<128x128xf32, #tpu.memory_space<vmem>>) dst(%dma_wait3A_53 : memref<128x128xf32, #tpu.memory_space<vmem_shared>>)
      tpu.yield
    }) : () -> ()
    %add3A_9 = arith.constant 384 : i32
    %add3A_10 = arith.addi %mul3A_2, %add3A_9 : i32
    "tpu.region"() ({
      %run_scoped3A = tpu.sem_alloc : memref<!tpu.dma_semaphore, #tpu.memory_space<semaphore_mem>>
      %dma_start3A = arith.constant 0 : i32
      %dma_start3A_39 = arith.constant 0 : i32
      %dma_start3A_40 = tpu.memref_slice %arg10[%dma_start3A, %dma_start3A_39] : memref<128x128xf32, #tpu.memory_space<vmem>> -> memref<128x128xf32, #tpu.memory_space<vmem>>
      %dma_start3A_41 = arith.constant 0 : i32
      %dma_start3A_42 = tpu.memref_slice %arg7[%add3A_10, %dma_start3A_41] : memref<10112x128xf32, #tpu.memory_space<vmem_shared>> -> memref<128x128xf32, #tpu.memory_space<vmem_shared>>
      %dma_start3A_43 = arith.constant 0 : i32
      %dma_start3A_44 = tpu.memref_slice %arg7[%add3A_10, %dma_start3A_43] : memref<10112x128xf32, #tpu.memory_space<vmem_shared>> -> memref<128x128xf32, #tpu.memory_space<vmem_shared>>
      %dma_start3A_45 = arith.constant 0 : i32
      %dma_start3A_46 = arith.constant 0 : i32
      %dma_start3A_47 = tpu.memref_slice %arg10[%dma_start3A_45, %dma_start3A_46] : memref<128x128xf32, #tpu.memory_space<vmem>> -> memref<128x128xf32, #tpu.memory_space<vmem>>
      tpu.enqueue_dma source(%dma_start3A_47 : memref<128x128xf32, #tpu.memory_space<vmem>>) target(%dma_start3A_44 : memref<128x128xf32, #tpu.memory_space<vmem_shared>>) target_semaphore(%run_scoped3A : memref<!tpu.dma_semaphore, #tpu.memory_space<semaphore_mem>>)
      %dma_wait3A = arith.constant 0 : i32
      %dma_wait3A_48 = arith.constant 0 : i32
      %dma_wait3A_49 = tpu.memref_slice %arg10[%dma_wait3A, %dma_wait3A_48] : memref<128x128xf32, #tpu.memory_space<vmem>> -> memref<128x128xf32, #tpu.memory_space<vmem>>
      %dma_wait3A_50 = arith.constant 0 : i32
      %dma_wait3A_51 = tpu.memref_slice %arg7[%add3A_10, %dma_wait3A_50] : memref<10112x128xf32, #tpu.memory_space<vmem_shared>> -> memref<128x128xf32, #tpu.memory_space<vmem_shared>>
      %dma_wait3A_52 = arith.constant 0 : i32
      %dma_wait3A_53 = tpu.memref_slice %arg7[%add3A_10, %dma_wait3A_52] : memref<10112x128xf32, #tpu.memory_space<vmem_shared>> -> memref<128x128xf32, #tpu.memory_space<vmem_shared>>
      %dma_wait3A_54 = arith.constant 0 : i32
      %dma_wait3A_55 = arith.constant 0 : i32
      %dma_wait3A_56 = tpu.memref_slice %arg10[%dma_wait3A_54, %dma_wait3A_55] : memref<128x128xf32, #tpu.memory_space<vmem>> -> memref<128x128xf32, #tpu.memory_space<vmem>>
      tpu.wait_dma2 semaphore(%run_scoped3A : memref<!tpu.dma_semaphore, #tpu.memory_space<semaphore_mem>>) src(%dma_wait3A_56 : memref<128x128xf32, #tpu.memory_space<vmem>>) dst(%dma_wait3A_53 : memref<128x128xf32, #tpu.memory_space<vmem_shared>>)
      tpu.yield
    }) : () -> ()
    %add3A_11 = arith.constant 512 : i32
    %add3A_12 = arith.addi %mul3A_2, %add3A_11 : i32
    "tpu.region"() ({
      %run_scoped3A = tpu.sem_alloc : memref<!tpu.dma_semaphore, #tpu.memory_space<semaphore_mem>>
      %dma_start3A = arith.constant 0 : i32
      %dma_start3A_39 = arith.constant 0 : i32
      %dma_start3A_40 = tpu.memref_slice %arg10[%dma_start3A, %dma_start3A_39] : memref<128x128xf32, #tpu.memory_space<vmem>> -> memref<120x128xf32, #tpu.memory_space<vmem>>
      %dma_start3A_41 = arith.constant 0 : i32
      %dma_start3A_42 = tpu.memref_slice %arg7[%add3A_12, %dma_start3A_41] : memref<10112x128xf32, #tpu.memory_space<vmem_shared>> -> memref<120x128xf32, #tpu.memory_space<vmem_shared>>
      %dma_start3A_43 = arith.constant 0 : i32
      %dma_start3A_44 = tpu.memref_slice %arg7[%add3A_12, %dma_start3A_43] : memref<10112x128xf32, #tpu.memory_space<vmem_shared>> -> memref<120x128xf32, #tpu.memory_space<vmem_shared>>
      %dma_start3A_45 = arith.constant 0 : i32
      %dma_start3A_46 = arith.constant 0 : i32
      %dma_start3A_47 = tpu.memref_slice %arg10[%dma_start3A_45, %dma_start3A_46] : memref<128x128xf32, #tpu.memory_space<vmem>> -> memref<120x128xf32, #tpu.memory_space<vmem>>
      tpu.enqueue_dma source(%dma_start3A_47 : memref<120x128xf32, #tpu.memory_space<vmem>>) target(%dma_start3A_44 : memref<120x128xf32, #tpu.memory_space<vmem_shared>>) target_semaphore(%run_scoped3A : memref<!tpu.dma_semaphore, #tpu.memory_space<semaphore_mem>>)
      %dma_wait3A = arith.constant 0 : i32
      %dma_wait3A_48 = arith.constant 0 : i32
      %dma_wait3A_49 = tpu.memref_slice %arg10[%dma_wait3A, %dma_wait3A_48] : memref<128x128xf32, #tpu.memory_space<vmem>> -> memref<120x128xf32, #tpu.memory_space<vmem>>
      %dma_wait3A_50 = arith.constant 0 : i32
      %dma_wait3A_51 = tpu.memref_slice %arg7[%add3A_12, %dma_wait3A_50] : memref<10112x128xf32, #tpu.memory_space<vmem_shared>> -> memref<120x128xf32, #tpu.memory_space<vmem_shared>>
      %dma_wait3A_52 = arith.constant 0 : i32
      %dma_wait3A_53 = tpu.memref_slice %arg7[%add3A_12, %dma_wait3A_52] : memref<10112x128xf32, #tpu.memory_space<vmem_shared>> -> memref<120x128xf32, #tpu.memory_space<vmem_shared>>
      %dma_wait3A_54 = arith.constant 0 : i32
      %dma_wait3A_55 = arith.constant 0 : i32
      %dma_wait3A_56 = tpu.memref_slice %arg10[%dma_wait3A_54, %dma_wait3A_55] : memref<128x128xf32, #tpu.memory_space<vmem>> -> memref<120x128xf32, #tpu.memory_space<vmem>>
      tpu.wait_dma2 semaphore(%run_scoped3A : memref<!tpu.dma_semaphore, #tpu.memory_space<semaphore_mem>>) src(%dma_wait3A_56 : memref<120x128xf32, #tpu.memory_space<vmem>>) dst(%dma_wait3A_53 : memref<120x128xf32, #tpu.memory_space<vmem_shared>>)
      tpu.yield
    }) : () -> ()
    %barrier3A = arith.constant 0 : index
    tpu.barrier barrier_id(%barrier3A)
    %scan3A = arith.constant 0 : i32
    %scan3A_13 = arith.constant 0 : i32
    %scan3A_14 = arith.constant 79 : i32
    %scan3A_15 = arith.addi %scan3A_13, %scan3A_14 : i32
    %scan3A_16 = arith.constant 1 : i32
    scf.for %scan3A_39 = %scan3A_13 to %scan3A_15 step %scan3A_16  : i32 {
      "tpu.region"() ({
        %run_scoped3A = tpu.sem_alloc : memref<!tpu.dma_semaphore, #tpu.memory_space<semaphore_mem>>
        %dma_start3A_44 = arith.constant 0 : i32
        %dma_start3A_45 = tpu.memref_slice %arg3[%add3A, %scan3A_39, %dma_start3A_44] : memref<32x79x128xi32, #tpu.memory_space<hbm>> -> memref<1x1x128xi32, #tpu.memory_space<hbm>>
        %dma_start3A_46 = tpu.memref_squeeze %dma_start3A_45 : memref<1x1x128xi32, #tpu.memory_space<hbm>> -> memref<128xi32, #tpu.memory_space<hbm>>
        %dma_start3A_47 = arith.constant 0 : i32
        %dma_start3A_48 = tpu.memref_slice %arg3[%add3A, %scan3A_39, %dma_start3A_47] : memref<32x79x128xi32, #tpu.memory_space<hbm>> -> memref<1x1x128xi32, #tpu.memory_space<hbm>>
        %dma_start3A_49 = tpu.memref_squeeze %dma_start3A_48 : memref<1x1x128xi32, #tpu.memory_space<hbm>> -> memref<128xi32, #tpu.memory_space<hbm>>
        tpu.enqueue_dma source(%dma_start3A_49 : memref<128xi32, #tpu.memory_space<hbm>>) target(%arg8 : memref<128xi32, #tpu.memory_space<vmem>>) target_semaphore(%run_scoped3A : memref<!tpu.dma_semaphore, #tpu.memory_space<semaphore_mem>>)
        %dma_wait3A_50 = arith.constant 0 : i32
        %dma_wait3A_51 = tpu.memref_slice %arg3[%add3A, %scan3A_39, %dma_wait3A_50] : memref<32x79x128xi32, #tpu.memory_space<hbm>> -> memref<1x1x128xi32, #tpu.memory_space<hbm>>
        %dma_wait3A_52 = tpu.memref_squeeze %dma_wait3A_51 : memref<1x1x128xi32, #tpu.memory_space<hbm>> -> memref<128xi32, #tpu.memory_space<hbm>>
        %dma_wait3A_53 = arith.constant 0 : i32
        %dma_wait3A_54 = tpu.memref_slice %arg3[%add3A, %scan3A_39, %dma_wait3A_53] : memref<32x79x128xi32, #tpu.memory_space<hbm>> -> memref<1x1x128xi32, #tpu.memory_space<hbm>>
        %dma_wait3A_55 = tpu.memref_squeeze %dma_wait3A_54 : memref<1x1x128xi32, #tpu.memory_space<hbm>> -> memref<128xi32, #tpu.memory_space<hbm>>
        tpu.wait_dma2 semaphore(%run_scoped3A : memref<!tpu.dma_semaphore, #tpu.memory_space<semaphore_mem>>) src(%dma_wait3A_55 : memref<128xi32, #tpu.memory_space<hbm>>) dst(%arg8 : memref<128xi32, #tpu.memory_space<vmem>>)
        tpu.yield
      }) : () -> ()
      "tpu.region"() ({
        %run_scoped3A = tpu.sem_alloc : memref<!tpu.dma_semaphore, #tpu.memory_space<semaphore_mem>>
        %dma_start3A_44 = arith.constant 0 : i32
        %dma_start3A_45 = tpu.memref_slice %arg4[%add3A, %scan3A_39, %dma_start3A_44] : memref<32x79x128xi32, #tpu.memory_space<hbm>> -> memref<1x1x128xi32, #tpu.memory_space<hbm>>
        %dma_start3A_46 = tpu.memref_squeeze %dma_start3A_45 : memref<1x1x128xi32, #tpu.memory_space<hbm>> -> memref<128xi32, #tpu.memory_space<hbm>>
        %dma_start3A_47 = arith.constant 0 : i32
        %dma_start3A_48 = tpu.memref_slice %arg4[%add3A, %scan3A_39, %dma_start3A_47] : memref<32x79x128xi32, #tpu.memory_space<hbm>> -> memref<1x1x128xi32, #tpu.memory_space<hbm>>
        %dma_start3A_49 = tpu.memref_squeeze %dma_start3A_48 : memref<1x1x128xi32, #tpu.memory_space<hbm>> -> memref<128xi32, #tpu.memory_space<hbm>>
        tpu.enqueue_dma source(%dma_start3A_49 : memref<128xi32, #tpu.memory_space<hbm>>) target(%arg9 : memref<128xi32, #tpu.memory_space<vmem>>) target_semaphore(%run_scoped3A : memref<!tpu.dma_semaphore, #tpu.memory_space<semaphore_mem>>)
        %dma_wait3A_50 = arith.constant 0 : i32
        %dma_wait3A_51 = tpu.memref_slice %arg4[%add3A, %scan3A_39, %dma_wait3A_50] : memref<32x79x128xi32, #tpu.memory_space<hbm>> -> memref<1x1x128xi32, #tpu.memory_space<hbm>>
        %dma_wait3A_52 = tpu.memref_squeeze %dma_wait3A_51 : memref<1x1x128xi32, #tpu.memory_space<hbm>> -> memref<128xi32, #tpu.memory_space<hbm>>
        %dma_wait3A_53 = arith.constant 0 : i32
        %dma_wait3A_54 = tpu.memref_slice %arg4[%add3A, %scan3A_39, %dma_wait3A_53] : memref<32x79x128xi32, #tpu.memory_space<hbm>> -> memref<1x1x128xi32, #tpu.memory_space<hbm>>
        %dma_wait3A_55 = tpu.memref_squeeze %dma_wait3A_54 : memref<1x1x128xi32, #tpu.memory_space<hbm>> -> memref<128xi32, #tpu.memory_space<hbm>>
        tpu.wait_dma2 semaphore(%run_scoped3A : memref<!tpu.dma_semaphore, #tpu.memory_space<semaphore_mem>>) src(%dma_wait3A_55 : memref<128xi32, #tpu.memory_space<hbm>>) dst(%arg9 : memref<128xi32, #tpu.memory_space<vmem>>)
        tpu.yield
      }) : () -> ()
      %dma_start3A = arith.constant 0 : i32
      %dma_start3A_40 = arith.constant 0 : i32
      %dma_start3A_41 = tpu.memref_slice %arg2[%dma_start3A, %dma_start3A_40] : memref<10000x128xf32, #tpu.memory_space<hbm>> -> memref<10000x128xf32, #tpu.memory_space<hbm>>
      tpu.enqueue_indirect_dma source(%dma_start3A_41 : memref<10000x128xf32, #tpu.memory_space<hbm>>) target(%arg10 : memref<128x128xf32, #tpu.memory_space<vmem>>) offsets(%arg8 : memref<128xi32, #tpu.memory_space<vmem>>) semaphore(%arg11 : memref<!tpu.dma_semaphore, #tpu.memory_space<semaphore_mem>>)
      %dma_wait3A = arith.constant 0 : i32
      %dma_wait3A_42 = arith.constant 0 : i32
      %dma_wait3A_43 = tpu.memref_slice %arg2[%dma_wait3A, %dma_wait3A_42] : memref<10000x128xf32, #tpu.memory_space<hbm>> -> memref<10000x128xf32, #tpu.memory_space<hbm>>
      tpu.wait_indirect_dma semaphore(%arg11 : memref<!tpu.dma_semaphore, #tpu.memory_space<semaphore_mem>>) src(%dma_wait3A_43 : memref<10000x128xf32, #tpu.memory_space<hbm>>) dst(%arg10 : memref<128x128xf32, #tpu.memory_space<vmem>>)
      "tpu.region"() ({
        %run_scoped3A = tpu.sem_alloc : memref<!tpu.dma_semaphore, #tpu.memory_space<semaphore_mem>>
        %dma_start3A_44 = arith.constant 0 : i32
        %dma_start3A_45 = arith.constant 0 : i32
        %dma_start3A_46 = tpu.memref_slice %arg7[%dma_start3A_44, %dma_start3A_45] : memref<10112x128xf32, #tpu.memory_space<vmem_shared>> -> memref<10112x128xf32, #tpu.memory_space<vmem_shared>>
        tpu.enqueue_indirect_dma source(%arg10 : memref<128x128xf32, #tpu.memory_space<vmem>>) target(%dma_start3A_46 : memref<10112x128xf32, #tpu.memory_space<vmem_shared>>) offsets(%arg9 : memref<128xi32, #tpu.memory_space<vmem>>) semaphore(%run_scoped3A : memref<!tpu.dma_semaphore, #tpu.memory_space<semaphore_mem>>) {add = true}
        %dma_wait3A_47 = arith.constant 0 : i32
        %dma_wait3A_48 = arith.constant 0 : i32
        %dma_wait3A_49 = tpu.memref_slice %arg7[%dma_wait3A_47, %dma_wait3A_48] : memref<10112x128xf32, #tpu.memory_space<vmem_shared>> -> memref<10112x128xf32, #tpu.memory_space<vmem_shared>>
        tpu.wait_indirect_dma semaphore(%run_scoped3A : memref<!tpu.dma_semaphore, #tpu.memory_space<semaphore_mem>>) src(%arg10 : memref<128x128xf32, #tpu.memory_space<vmem>>) dst(%dma_wait3A_49 : memref<10112x128xf32, #tpu.memory_space<vmem_shared>>)
        tpu.yield
      }) : () -> ()
    }
    %scan3A_17 = arith.constant 79 : i32
    %barrier3A_18 = arith.constant 0 : index
    tpu.barrier barrier_id(%barrier3A_18)
    %add3A_19 = arith.constant 0 : i32
    %add3A_20 = arith.addi %mul3A_2, %add3A_19 : i32
    "tpu.region"() ({
      %run_scoped3A = tpu.sem_alloc : memref<!tpu.dma_semaphore, #tpu.memory_space<semaphore_mem>>
      %dma_start3A = arith.constant 0 : i32
      %dma_start3A_39 = arith.constant 0 : i32
      %dma_start3A_40 = tpu.memref_slice %arg10[%dma_start3A, %dma_start3A_39] : memref<128x128xf32, #tpu.memory_space<vmem>> -> memref<128x128xf32, #tpu.memory_space<vmem>>
      %dma_start3A_41 = arith.constant 0 : i32
      %dma_start3A_42 = tpu.memref_slice %arg7[%add3A_20, %dma_start3A_41] : memref<10112x128xf32, #tpu.memory_space<vmem_shared>> -> memref<128x128xf32, #tpu.memory_space<vmem_shared>>
      %dma_start3A_43 = arith.constant 0 : i32
      %dma_start3A_44 = arith.constant 0 : i32
      %dma_start3A_45 = tpu.memref_slice %arg10[%dma_start3A_43, %dma_start3A_44] : memref<128x128xf32, #tpu.memory_space<vmem>> -> memref<128x128xf32, #tpu.memory_space<vmem>>
      %dma_start3A_46 = arith.constant 0 : i32
      %dma_start3A_47 = tpu.memref_slice %arg7[%add3A_20, %dma_start3A_46] : memref<10112x128xf32, #tpu.memory_space<vmem_shared>> -> memref<128x128xf32, #tpu.memory_space<vmem_shared>>
      tpu.enqueue_dma source(%dma_start3A_47 : memref<128x128xf32, #tpu.memory_space<vmem_shared>>) target(%dma_start3A_45 : memref<128x128xf32, #tpu.memory_space<vmem>>) target_semaphore(%run_scoped3A : memref<!tpu.dma_semaphore, #tpu.memory_space<semaphore_mem>>)
      %dma_wait3A = arith.constant 0 : i32
      %dma_wait3A_48 = arith.constant 0 : i32
      %dma_wait3A_49 = tpu.memref_slice %arg10[%dma_wait3A, %dma_wait3A_48] : memref<128x128xf32, #tpu.memory_space<vmem>> -> memref<128x128xf32, #tpu.memory_space<vmem>>
      %dma_wait3A_50 = arith.constant 0 : i32
      %dma_wait3A_51 = tpu.memref_slice %arg7[%add3A_20, %dma_wait3A_50] : memref<10112x128xf32, #tpu.memory_space<vmem_shared>> -> memref<128x128xf32, #tpu.memory_space<vmem_shared>>
      %dma_wait3A_52 = arith.constant 0 : i32
      %dma_wait3A_53 = arith.constant 0 : i32
      %dma_wait3A_54 = tpu.memref_slice %arg10[%dma_wait3A_52, %dma_wait3A_53] : memref<128x128xf32, #tpu.memory_space<vmem>> -> memref<128x128xf32, #tpu.memory_space<vmem>>
      %dma_wait3A_55 = arith.constant 0 : i32
      %dma_wait3A_56 = tpu.memref_slice %arg7[%add3A_20, %dma_wait3A_55] : memref<10112x128xf32, #tpu.memory_space<vmem_shared>> -> memref<128x128xf32, #tpu.memory_space<vmem_shared>>
      tpu.wait_dma2 semaphore(%run_scoped3A : memref<!tpu.dma_semaphore, #tpu.memory_space<semaphore_mem>>) src(%dma_wait3A_56 : memref<128x128xf32, #tpu.memory_space<vmem_shared>>) dst(%dma_wait3A_54 : memref<128x128xf32, #tpu.memory_space<vmem>>)
      tpu.yield
    }) : () -> ()
    %add3A_21 = arith.constant 0 : i32
    %add3A_22 = arith.addi %mul3A_2, %add3A_21 : i32
    "tpu.region"() ({
      %run_scoped3A = tpu.sem_alloc : memref<!tpu.dma_semaphore, #tpu.memory_space<semaphore_mem>>
      %dma_start3A = arith.constant 0 : i32
      %dma_start3A_39 = arith.constant 0 : i32
      %dma_start3A_40 = tpu.memref_slice %arg10[%dma_start3A, %dma_start3A_39] : memref<128x128xf32, #tpu.memory_space<vmem>> -> memref<128x128xf32, #tpu.memory_space<vmem>>
      %dma_start3A_41 = arith.constant 0 : i32
      %dma_start3A_42 = tpu.memref_slice %arg6[%arg0, %add3A_22, %dma_start3A_41] : memref<2x10112x128xf32, #tpu.memory_space<hbm>> -> memref<1x128x128xf32, #tpu.memory_space<hbm>>
      %dma_start3A_43 = tpu.memref_squeeze %dma_start3A_42 : memref<1x128x128xf32, #tpu.memory_space<hbm>> -> memref<128x128xf32, #tpu.memory_space<hbm>>
      %dma_start3A_44 = arith.constant 0 : i32
      %dma_start3A_45 = tpu.memref_slice %arg6[%arg0, %add3A_22, %dma_start3A_44] : memref<2x10112x128xf32, #tpu.memory_space<hbm>> -> memref<1x128x128xf32, #tpu.memory_space<hbm>>
      %dma_start3A_46 = tpu.memref_squeeze %dma_start3A_45 : memref<1x128x128xf32, #tpu.memory_space<hbm>> -> memref<128x128xf32, #tpu.memory_space<hbm>>
      %dma_start3A_47 = arith.constant 0 : i32
      %dma_start3A_48 = arith.constant 0 : i32
      %dma_start3A_49 = tpu.memref_slice %arg10[%dma_start3A_47, %dma_start3A_48] : memref<128x128xf32, #tpu.memory_space<vmem>> -> memref<128x128xf32, #tpu.memory_space<vmem>>
      tpu.enqueue_dma source(%dma_start3A_49 : memref<128x128xf32, #tpu.memory_space<vmem>>) target(%dma_start3A_46 : memref<128x128xf32, #tpu.memory_space<hbm>>) target_semaphore(%run_scoped3A : memref<!tpu.dma_semaphore, #tpu.memory_space<semaphore_mem>>)
      %dma_wait3A = arith.constant 0 : i32
      %dma_wait3A_50 = arith.constant 0 : i32
      %dma_wait3A_51 = tpu.memref_slice %arg10[%dma_wait3A, %dma_wait3A_50] : memref<128x128xf32, #tpu.memory_space<vmem>> -> memref<128x128xf32, #tpu.memory_space<vmem>>
      %dma_wait3A_52 = arith.constant 0 : i32
      %dma_wait3A_53 = tpu.memref_slice %arg6[%arg0, %add3A_22, %dma_wait3A_52] : memref<2x10112x128xf32, #tpu.memory_space<hbm>> -> memref<1x128x128xf32, #tpu.memory_space<hbm>>
      %dma_wait3A_54 = tpu.memref_squeeze %dma_wait3A_53 : memref<1x128x128xf32, #tpu.memory_space<hbm>> -> memref<128x128xf32, #tpu.memory_space<hbm>>
      %dma_wait3A_55 = arith.constant 0 : i32
      %dma_wait3A_56 = tpu.memref_slice %arg6[%arg0, %add3A_22, %dma_wait3A_55] : memref<2x10112x128xf32, #tpu.memory_space<hbm>> -> memref<1x128x128xf32, #tpu.memory_space<hbm>>
      %dma_wait3A_57 = tpu.memref_squeeze %dma_wait3A_56 : memref<1x128x128xf32, #tpu.memory_space<hbm>> -> memref<128x128xf32, #tpu.memory_space<hbm>>
      %dma_wait3A_58 = arith.constant 0 : i32
      %dma_wait3A_59 = arith.constant 0 : i32
      %dma_wait3A_60 = tpu.memref_slice %arg10[%dma_wait3A_58, %dma_wait3A_59] : memref<128x128xf32, #tpu.memory_space<vmem>> -> memref<128x128xf32, #tpu.memory_space<vmem>>
      tpu.wait_dma2 semaphore(%run_scoped3A : memref<!tpu.dma_semaphore, #tpu.memory_space<semaphore_mem>>) src(%dma_wait3A_60 : memref<128x128xf32, #tpu.memory_space<vmem>>) dst(%dma_wait3A_57 : memref<128x128xf32, #tpu.memory_space<hbm>>)
      tpu.yield
    }) : () -> ()
    %add3A_23 = arith.constant 128 : i32
    %add3A_24 = arith.addi %mul3A_2, %add3A_23 : i32
    "tpu.region"() ({
      %run_scoped3A = tpu.sem_alloc : memref<!tpu.dma_semaphore, #tpu.memory_space<semaphore_mem>>
      %dma_start3A = arith.constant 0 : i32
      %dma_start3A_39 = arith.constant 0 : i32
      %dma_start3A_40 = tpu.memref_slice %arg10[%dma_start3A, %dma_start3A_39] : memref<128x128xf32, #tpu.memory_space<vmem>> -> memref<128x128xf32, #tpu.memory_space<vmem>>
      %dma_start3A_41 = arith.constant 0 : i32
      %dma_start3A_42 = tpu.memref_slice %arg7[%add3A_24, %dma_start3A_41] : memref<10112x128xf32, #tpu.memory_space<vmem_shared>> -> memref<128x128xf32, #tpu.memory_space<vmem_shared>>
      %dma_start3A_43 = arith.constant 0 : i32
      %dma_start3A_44 = arith.constant 0 : i32
      %dma_start3A_45 = tpu.memref_slice %arg10[%dma_start3A_43, %dma_start3A_44] : memref<128x128xf32, #tpu.memory_space<vmem>> -> memref<128x128xf32, #tpu.memory_space<vmem>>
      %dma_start3A_46 = arith.constant 0 : i32
      %dma_start3A_47 = tpu.memref_slice %arg7[%add3A_24, %dma_start3A_46] : memref<10112x128xf32, #tpu.memory_space<vmem_shared>> -> memref<128x128xf32, #tpu.memory_space<vmem_shared>>
      tpu.enqueue_dma source(%dma_start3A_47 : memref<128x128xf32, #tpu.memory_space<vmem_shared>>) target(%dma_start3A_45 : memref<128x128xf32, #tpu.memory_space<vmem>>) target_semaphore(%run_scoped3A : memref<!tpu.dma_semaphore, #tpu.memory_space<semaphore_mem>>)
      %dma_wait3A = arith.constant 0 : i32
      %dma_wait3A_48 = arith.constant 0 : i32
      %dma_wait3A_49 = tpu.memref_slice %arg10[%dma_wait3A, %dma_wait3A_48] : memref<128x128xf32, #tpu.memory_space<vmem>> -> memref<128x128xf32, #tpu.memory_space<vmem>>
      %dma_wait3A_50 = arith.constant 0 : i32
      %dma_wait3A_51 = tpu.memref_slice %arg7[%add3A_24, %dma_wait3A_50] : memref<10112x128xf32, #tpu.memory_space<vmem_shared>> -> memref<128x128xf32, #tpu.memory_space<vmem_shared>>
      %dma_wait3A_52 = arith.constant 0 : i32
      %dma_wait3A_53 = arith.constant 0 : i32
      %dma_wait3A_54 = tpu.memref_slice %arg10[%dma_wait3A_52, %dma_wait3A_53] : memref<128x128xf32, #tpu.memory_space<vmem>> -> memref<128x128xf32, #tpu.memory_space<vmem>>
      %dma_wait3A_55 = arith.constant 0 : i32
      %dma_wait3A_56 = tpu.memref_slice %arg7[%add3A_24, %dma_wait3A_55] : memref<10112x128xf32, #tpu.memory_space<vmem_shared>> -> memref<128x128xf32, #tpu.memory_space<vmem_shared>>
      tpu.wait_dma2 semaphore(%run_scoped3A : memref<!tpu.dma_semaphore, #tpu.memory_space<semaphore_mem>>) src(%dma_wait3A_56 : memref<128x128xf32, #tpu.memory_space<vmem_shared>>) dst(%dma_wait3A_54 : memref<128x128xf32, #tpu.memory_space<vmem>>)
      tpu.yield
    }) : () -> ()
    %add3A_25 = arith.constant 128 : i32
    %add3A_26 = arith.addi %mul3A_2, %add3A_25 : i32
    "tpu.region"() ({
      %run_scoped3A = tpu.sem_alloc : memref<!tpu.dma_semaphore, #tpu.memory_space<semaphore_mem>>
      %dma_start3A = arith.constant 0 : i32
      %dma_start3A_39 = arith.constant 0 : i32
      %dma_start3A_40 = tpu.memref_slice %arg10[%dma_start3A, %dma_start3A_39] : memref<128x128xf32, #tpu.memory_space<vmem>> -> memref<128x128xf32, #tpu.memory_space<vmem>>
      %dma_start3A_41 = arith.constant 0 : i32
      %dma_start3A_42 = tpu.memref_slice %arg6[%arg0, %add3A_26, %dma_start3A_41] : memref<2x10112x128xf32, #tpu.memory_space<hbm>> -> memref<1x128x128xf32, #tpu.memory_space<hbm>>
      %dma_start3A_43 = tpu.memref_squeeze %dma_start3A_42 : memref<1x128x128xf32, #tpu.memory_space<hbm>> -> memref<128x128xf32, #tpu.memory_space<hbm>>
      %dma_start3A_44 = arith.constant 0 : i32
      %dma_start3A_45 = tpu.memref_slice %arg6[%arg0, %add3A_26, %dma_start3A_44] : memref<2x10112x128xf32, #tpu.memory_space<hbm>> -> memref<1x128x128xf32, #tpu.memory_space<hbm>>
      %dma_start3A_46 = tpu.memref_squeeze %dma_start3A_45 : memref<1x128x128xf32, #tpu.memory_space<hbm>> -> memref<128x128xf32, #tpu.memory_space<hbm>>
      %dma_start3A_47 = arith.constant 0 : i32
      %dma_start3A_48 = arith.constant 0 : i32
      %dma_start3A_49 = tpu.memref_slice %arg10[%dma_start3A_47, %dma_start3A_48] : memref<128x128xf32, #tpu.memory_space<vmem>> -> memref<128x128xf32, #tpu.memory_space<vmem>>
      tpu.enqueue_dma source(%dma_start3A_49 : memref<128x128xf32, #tpu.memory_space<vmem>>) target(%dma_start3A_46 : memref<128x128xf32, #tpu.memory_space<hbm>>) target_semaphore(%run_scoped3A : memref<!tpu.dma_semaphore, #tpu.memory_space<semaphore_mem>>)
      %dma_wait3A = arith.constant 0 : i32
      %dma_wait3A_50 = arith.constant 0 : i32
      %dma_wait3A_51 = tpu.memref_slice %arg10[%dma_wait3A, %dma_wait3A_50] : memref<128x128xf32, #tpu.memory_space<vmem>> -> memref<128x128xf32, #tpu.memory_space<vmem>>
      %dma_wait3A_52 = arith.constant 0 : i32
      %dma_wait3A_53 = tpu.memref_slice %arg6[%arg0, %add3A_26, %dma_wait3A_52] : memref<2x10112x128xf32, #tpu.memory_space<hbm>> -> memref<1x128x128xf32, #tpu.memory_space<hbm>>
      %dma_wait3A_54 = tpu.memref_squeeze %dma_wait3A_53 : memref<1x128x128xf32, #tpu.memory_space<hbm>> -> memref<128x128xf32, #tpu.memory_space<hbm>>
      %dma_wait3A_55 = arith.constant 0 : i32
      %dma_wait3A_56 = tpu.memref_slice %arg6[%arg0, %add3A_26, %dma_wait3A_55] : memref<2x10112x128xf32, #tpu.memory_space<hbm>> -> memref<1x128x128xf32, #tpu.memory_space<hbm>>
      %dma_wait3A_57 = tpu.memref_squeeze %dma_wait3A_56 : memref<1x128x128xf32, #tpu.memory_space<hbm>> -> memref<128x128xf32, #tpu.memory_space<hbm>>
      %dma_wait3A_58 = arith.constant 0 : i32
      %dma_wait3A_59 = arith.constant 0 : i32
      %dma_wait3A_60 = tpu.memref_slice %arg10[%dma_wait3A_58, %dma_wait3A_59] : memref<128x128xf32, #tpu.memory_space<vmem>> -> memref<128x128xf32, #tpu.memory_space<vmem>>
      tpu.wait_dma2 semaphore(%run_scoped3A : memref<!tpu.dma_semaphore, #tpu.memory_space<semaphore_mem>>) src(%dma_wait3A_60 : memref<128x128xf32, #tpu.memory_space<vmem>>) dst(%dma_wait3A_57 : memref<128x128xf32, #tpu.memory_space<hbm>>)
      tpu.yield
    }) : () -> ()
    %add3A_27 = arith.constant 256 : i32
    %add3A_28 = arith.addi %mul3A_2, %add3A_27 : i32
    "tpu.region"() ({
      %run_scoped3A = tpu.sem_alloc : memref<!tpu.dma_semaphore, #tpu.memory_space<semaphore_mem>>
      %dma_start3A = arith.constant 0 : i32
      %dma_start3A_39 = arith.constant 0 : i32
      %dma_start3A_40 = tpu.memref_slice %arg10[%dma_start3A, %dma_start3A_39] : memref<128x128xf32, #tpu.memory_space<vmem>> -> memref<128x128xf32, #tpu.memory_space<vmem>>
      %dma_start3A_41 = arith.constant 0 : i32
      %dma_start3A_42 = tpu.memref_slice %arg7[%add3A_28, %dma_start3A_41] : memref<10112x128xf32, #tpu.memory_space<vmem_shared>> -> memref<128x128xf32, #tpu.memory_space<vmem_shared>>
      %dma_start3A_43 = arith.constant 0 : i32
      %dma_start3A_44 = arith.constant 0 : i32
      %dma_start3A_45 = tpu.memref_slice %arg10[%dma_start3A_43, %dma_start3A_44] : memref<128x128xf32, #tpu.memory_space<vmem>> -> memref<128x128xf32, #tpu.memory_space<vmem>>
      %dma_start3A_46 = arith.constant 0 : i32
      %dma_start3A_47 = tpu.memref_slice %arg7[%add3A_28, %dma_start3A_46] : memref<10112x128xf32, #tpu.memory_space<vmem_shared>> -> memref<128x128xf32, #tpu.memory_space<vmem_shared>>
      tpu.enqueue_dma source(%dma_start3A_47 : memref<128x128xf32, #tpu.memory_space<vmem_shared>>) target(%dma_start3A_45 : memref<128x128xf32, #tpu.memory_space<vmem>>) target_semaphore(%run_scoped3A : memref<!tpu.dma_semaphore, #tpu.memory_space<semaphore_mem>>)
      %dma_wait3A = arith.constant 0 : i32
      %dma_wait3A_48 = arith.constant 0 : i32
      %dma_wait3A_49 = tpu.memref_slice %arg10[%dma_wait3A, %dma_wait3A_48] : memref<128x128xf32, #tpu.memory_space<vmem>> -> memref<128x128xf32, #tpu.memory_space<vmem>>
      %dma_wait3A_50 = arith.constant 0 : i32
      %dma_wait3A_51 = tpu.memref_slice %arg7[%add3A_28, %dma_wait3A_50] : memref<10112x128xf32, #tpu.memory_space<vmem_shared>> -> memref<128x128xf32, #tpu.memory_space<vmem_shared>>
      %dma_wait3A_52 = arith.constant 0 : i32
      %dma_wait3A_53 = arith.constant 0 : i32
      %dma_wait3A_54 = tpu.memref_slice %arg10[%dma_wait3A_52, %dma_wait3A_53] : memref<128x128xf32, #tpu.memory_space<vmem>> -> memref<128x128xf32, #tpu.memory_space<vmem>>
      %dma_wait3A_55 = arith.constant 0 : i32
      %dma_wait3A_56 = tpu.memref_slice %arg7[%add3A_28, %dma_wait3A_55] : memref<10112x128xf32, #tpu.memory_space<vmem_shared>> -> memref<128x128xf32, #tpu.memory_space<vmem_shared>>
      tpu.wait_dma2 semaphore(%run_scoped3A : memref<!tpu.dma_semaphore, #tpu.memory_space<semaphore_mem>>) src(%dma_wait3A_56 : memref<128x128xf32, #tpu.memory_space<vmem_shared>>) dst(%dma_wait3A_54 : memref<128x128xf32, #tpu.memory_space<vmem>>)
      tpu.yield
    }) : () -> ()
    %add3A_29 = arith.constant 256 : i32
    %add3A_30 = arith.addi %mul3A_2, %add3A_29 : i32
    "tpu.region"() ({
      %run_scoped3A = tpu.sem_alloc : memref<!tpu.dma_semaphore, #tpu.memory_space<semaphore_mem>>
      %dma_start3A = arith.constant 0 : i32
      %dma_start3A_39 = arith.constant 0 : i32
      %dma_start3A_40 = tpu.memref_slice %arg10[%dma_start3A, %dma_start3A_39] : memref<128x128xf32, #tpu.memory_space<vmem>> -> memref<128x128xf32, #tpu.memory_space<vmem>>
      %dma_start3A_41 = arith.constant 0 : i32
      %dma_start3A_42 = tpu.memref_slice %arg6[%arg0, %add3A_30, %dma_start3A_41] : memref<2x10112x128xf32, #tpu.memory_space<hbm>> -> memref<1x128x128xf32, #tpu.memory_space<hbm>>
      %dma_start3A_43 = tpu.memref_squeeze %dma_start3A_42 : memref<1x128x128xf32, #tpu.memory_space<hbm>> -> memref<128x128xf32, #tpu.memory_space<hbm>>
      %dma_start3A_44 = arith.constant 0 : i32
      %dma_start3A_45 = tpu.memref_slice %arg6[%arg0, %add3A_30, %dma_start3A_44] : memref<2x10112x128xf32, #tpu.memory_space<hbm>> -> memref<1x128x128xf32, #tpu.memory_space<hbm>>
      %dma_start3A_46 = tpu.memref_squeeze %dma_start3A_45 : memref<1x128x128xf32, #tpu.memory_space<hbm>> -> memref<128x128xf32, #tpu.memory_space<hbm>>
      %dma_start3A_47 = arith.constant 0 : i32
      %dma_start3A_48 = arith.constant 0 : i32
      %dma_start3A_49 = tpu.memref_slice %arg10[%dma_start3A_47, %dma_start3A_48] : memref<128x128xf32, #tpu.memory_space<vmem>> -> memref<128x128xf32, #tpu.memory_space<vmem>>
      tpu.enqueue_dma source(%dma_start3A_49 : memref<128x128xf32, #tpu.memory_space<vmem>>) target(%dma_start3A_46 : memref<128x128xf32, #tpu.memory_space<hbm>>) target_semaphore(%run_scoped3A : memref<!tpu.dma_semaphore, #tpu.memory_space<semaphore_mem>>)
      %dma_wait3A = arith.constant 0 : i32
      %dma_wait3A_50 = arith.constant 0 : i32
      %dma_wait3A_51 = tpu.memref_slice %arg10[%dma_wait3A, %dma_wait3A_50] : memref<128x128xf32, #tpu.memory_space<vmem>> -> memref<128x128xf32, #tpu.memory_space<vmem>>
      %dma_wait3A_52 = arith.constant 0 : i32
      %dma_wait3A_53 = tpu.memref_slice %arg6[%arg0, %add3A_30, %dma_wait3A_52] : memref<2x10112x128xf32, #tpu.memory_space<hbm>> -> memref<1x128x128xf32, #tpu.memory_space<hbm>>
      %dma_wait3A_54 = tpu.memref_squeeze %dma_wait3A_53 : memref<1x128x128xf32, #tpu.memory_space<hbm>> -> memref<128x128xf32, #tpu.memory_space<hbm>>
      %dma_wait3A_55 = arith.constant 0 : i32
      %dma_wait3A_56 = tpu.memref_slice %arg6[%arg0, %add3A_30, %dma_wait3A_55] : memref<2x10112x128xf32, #tpu.memory_space<hbm>> -> memref<1x128x128xf32, #tpu.memory_space<hbm>>
      %dma_wait3A_57 = tpu.memref_squeeze %dma_wait3A_56 : memref<1x128x128xf32, #tpu.memory_space<hbm>> -> memref<128x128xf32, #tpu.memory_space<hbm>>
      %dma_wait3A_58 = arith.constant 0 : i32
      %dma_wait3A_59 = arith.constant 0 : i32
      %dma_wait3A_60 = tpu.memref_slice %arg10[%dma_wait3A_58, %dma_wait3A_59] : memref<128x128xf32, #tpu.memory_space<vmem>> -> memref<128x128xf32, #tpu.memory_space<vmem>>
      tpu.wait_dma2 semaphore(%run_scoped3A : memref<!tpu.dma_semaphore, #tpu.memory_space<semaphore_mem>>) src(%dma_wait3A_60 : memref<128x128xf32, #tpu.memory_space<vmem>>) dst(%dma_wait3A_57 : memref<128x128xf32, #tpu.memory_space<hbm>>)
      tpu.yield
    }) : () -> ()
    %add3A_31 = arith.constant 384 : i32
    %add3A_32 = arith.addi %mul3A_2, %add3A_31 : i32
    "tpu.region"() ({
      %run_scoped3A = tpu.sem_alloc : memref<!tpu.dma_semaphore, #tpu.memory_space<semaphore_mem>>
      %dma_start3A = arith.constant 0 : i32
      %dma_start3A_39 = arith.constant 0 : i32
      %dma_start3A_40 = tpu.memref_slice %arg10[%dma_start3A, %dma_start3A_39] : memref<128x128xf32, #tpu.memory_space<vmem>> -> memref<128x128xf32, #tpu.memory_space<vmem>>
      %dma_start3A_41 = arith.constant 0 : i32
      %dma_start3A_42 = tpu.memref_slice %arg7[%add3A_32, %dma_start3A_41] : memref<10112x128xf32, #tpu.memory_space<vmem_shared>> -> memref<128x128xf32, #tpu.memory_space<vmem_shared>>
      %dma_start3A_43 = arith.constant 0 : i32
      %dma_start3A_44 = arith.constant 0 : i32
      %dma_start3A_45 = tpu.memref_slice %arg10[%dma_start3A_43, %dma_start3A_44] : memref<128x128xf32, #tpu.memory_space<vmem>> -> memref<128x128xf32, #tpu.memory_space<vmem>>
      %dma_start3A_46 = arith.constant 0 : i32
      %dma_start3A_47 = tpu.memref_slice %arg7[%add3A_32, %dma_start3A_46] : memref<10112x128xf32, #tpu.memory_space<vmem_shared>> -> memref<128x128xf32, #tpu.memory_space<vmem_shared>>
      tpu.enqueue_dma source(%dma_start3A_47 : memref<128x128xf32, #tpu.memory_space<vmem_shared>>) target(%dma_start3A_45 : memref<128x128xf32, #tpu.memory_space<vmem>>) target_semaphore(%run_scoped3A : memref<!tpu.dma_semaphore, #tpu.memory_space<semaphore_mem>>)
      %dma_wait3A = arith.constant 0 : i32
      %dma_wait3A_48 = arith.constant 0 : i32
      %dma_wait3A_49 = tpu.memref_slice %arg10[%dma_wait3A, %dma_wait3A_48] : memref<128x128xf32, #tpu.memory_space<vmem>> -> memref<128x128xf32, #tpu.memory_space<vmem>>
      %dma_wait3A_50 = arith.constant 0 : i32
      %dma_wait3A_51 = tpu.memref_slice %arg7[%add3A_32, %dma_wait3A_50] : memref<10112x128xf32, #tpu.memory_space<vmem_shared>> -> memref<128x128xf32, #tpu.memory_space<vmem_shared>>
      %dma_wait3A_52 = arith.constant 0 : i32
      %dma_wait3A_53 = arith.constant 0 : i32
      %dma_wait3A_54 = tpu.memref_slice %arg10[%dma_wait3A_52, %dma_wait3A_53] : memref<128x128xf32, #tpu.memory_space<vmem>> -> memref<128x128xf32, #tpu.memory_space<vmem>>
      %dma_wait3A_55 = arith.constant 0 : i32
      %dma_wait3A_56 = tpu.memref_slice %arg7[%add3A_32, %dma_wait3A_55] : memref<10112x128xf32, #tpu.memory_space<vmem_shared>> -> memref<128x128xf32, #tpu.memory_space<vmem_shared>>
      tpu.wait_dma2 semaphore(%run_scoped3A : memref<!tpu.dma_semaphore, #tpu.memory_space<semaphore_mem>>) src(%dma_wait3A_56 : memref<128x128xf32, #tpu.memory_space<vmem_shared>>) dst(%dma_wait3A_54 : memref<128x128xf32, #tpu.memory_space<vmem>>)
      tpu.yield
    }) : () -> ()
    %add3A_33 = arith.constant 384 : i32
    %add3A_34 = arith.addi %mul3A_2, %add3A_33 : i32
    "tpu.region"() ({
      %run_scoped3A = tpu.sem_alloc : memref<!tpu.dma_semaphore, #tpu.memory_space<semaphore_mem>>
      %dma_start3A = arith.constant 0 : i32
      %dma_start3A_39 = arith.constant 0 : i32
      %dma_start3A_40 = tpu.memref_slice %arg10[%dma_start3A, %dma_start3A_39] : memref<128x128xf32, #tpu.memory_space<vmem>> -> memref<128x128xf32, #tpu.memory_space<vmem>>
      %dma_start3A_41 = arith.constant 0 : i32
      %dma_start3A_42 = tpu.memref_slice %arg6[%arg0, %add3A_34, %dma_start3A_41] : memref<2x10112x128xf32, #tpu.memory_space<hbm>> -> memref<1x128x128xf32, #tpu.memory_space<hbm>>
      %dma_start3A_43 = tpu.memref_squeeze %dma_start3A_42 : memref<1x128x128xf32, #tpu.memory_space<hbm>> -> memref<128x128xf32, #tpu.memory_space<hbm>>
      %dma_start3A_44 = arith.constant 0 : i32
      %dma_start3A_45 = tpu.memref_slice %arg6[%arg0, %add3A_34, %dma_start3A_44] : memref<2x10112x128xf32, #tpu.memory_space<hbm>> -> memref<1x128x128xf32, #tpu.memory_space<hbm>>
      %dma_start3A_46 = tpu.memref_squeeze %dma_start3A_45 : memref<1x128x128xf32, #tpu.memory_space<hbm>> -> memref<128x128xf32, #tpu.memory_space<hbm>>
      %dma_start3A_47 = arith.constant 0 : i32
      %dma_start3A_48 = arith.constant 0 : i32
      %dma_start3A_49 = tpu.memref_slice %arg10[%dma_start3A_47, %dma_start3A_48] : memref<128x128xf32, #tpu.memory_space<vmem>> -> memref<128x128xf32, #tpu.memory_space<vmem>>
      tpu.enqueue_dma source(%dma_start3A_49 : memref<128x128xf32, #tpu.memory_space<vmem>>) target(%dma_start3A_46 : memref<128x128xf32, #tpu.memory_space<hbm>>) target_semaphore(%run_scoped3A : memref<!tpu.dma_semaphore, #tpu.memory_space<semaphore_mem>>)
      %dma_wait3A = arith.constant 0 : i32
      %dma_wait3A_50 = arith.constant 0 : i32
      %dma_wait3A_51 = tpu.memref_slice %arg10[%dma_wait3A, %dma_wait3A_50] : memref<128x128xf32, #tpu.memory_space<vmem>> -> memref<128x128xf32, #tpu.memory_space<vmem>>
      %dma_wait3A_52 = arith.constant 0 : i32
      %dma_wait3A_53 = tpu.memref_slice %arg6[%arg0, %add3A_34, %dma_wait3A_52] : memref<2x10112x128xf32, #tpu.memory_space<hbm>> -> memref<1x128x128xf32, #tpu.memory_space<hbm>>
      %dma_wait3A_54 = tpu.memref_squeeze %dma_wait3A_53 : memref<1x128x128xf32, #tpu.memory_space<hbm>> -> memref<128x128xf32, #tpu.memory_space<hbm>>
      %dma_wait3A_55 = arith.constant 0 : i32
      %dma_wait3A_56 = tpu.memref_slice %arg6[%arg0, %add3A_34, %dma_wait3A_55] : memref<2x10112x128xf32, #tpu.memory_space<hbm>> -> memref<1x128x128xf32, #tpu.memory_space<hbm>>
      %dma_wait3A_57 = tpu.memref_squeeze %dma_wait3A_56 : memref<1x128x128xf32, #tpu.memory_space<hbm>> -> memref<128x128xf32, #tpu.memory_space<hbm>>
      %dma_wait3A_58 = arith.constant 0 : i32
      %dma_wait3A_59 = arith.constant 0 : i32
      %dma_wait3A_60 = tpu.memref_slice %arg10[%dma_wait3A_58, %dma_wait3A_59] : memref<128x128xf32, #tpu.memory_space<vmem>> -> memref<128x128xf32, #tpu.memory_space<vmem>>
      tpu.wait_dma2 semaphore(%run_scoped3A : memref<!tpu.dma_semaphore, #tpu.memory_space<semaphore_mem>>) src(%dma_wait3A_60 : memref<128x128xf32, #tpu.memory_space<vmem>>) dst(%dma_wait3A_57 : memref<128x128xf32, #tpu.memory_space<hbm>>)
      tpu.yield
    }) : () -> ()
    %add3A_35 = arith.constant 512 : i32
    %add3A_36 = arith.addi %mul3A_2, %add3A_35 : i32
    "tpu.region"() ({
      %run_scoped3A = tpu.sem_alloc : memref<!tpu.dma_semaphore, #tpu.memory_space<semaphore_mem>>
      %dma_start3A = arith.constant 0 : i32
      %dma_start3A_39 = arith.constant 0 : i32
      %dma_start3A_40 = tpu.memref_slice %arg10[%dma_start3A, %dma_start3A_39] : memref<128x128xf32, #tpu.memory_space<vmem>> -> memref<120x128xf32, #tpu.memory_space<vmem>>
      %dma_start3A_41 = arith.constant 0 : i32
      %dma_start3A_42 = tpu.memref_slice %arg7[%add3A_36, %dma_start3A_41] : memref<10112x128xf32, #tpu.memory_space<vmem_shared>> -> memref<120x128xf32, #tpu.memory_space<vmem_shared>>
      %dma_start3A_43 = arith.constant 0 : i32
      %dma_start3A_44 = arith.constant 0 : i32
      %dma_start3A_45 = tpu.memref_slice %arg10[%dma_start3A_43, %dma_start3A_44] : memref<128x128xf32, #tpu.memory_space<vmem>> -> memref<120x128xf32, #tpu.memory_space<vmem>>
      %dma_start3A_46 = arith.constant 0 : i32
      %dma_start3A_47 = tpu.memref_slice %arg7[%add3A_36, %dma_start3A_46] : memref<10112x128xf32, #tpu.memory_space<vmem_shared>> -> memref<120x128xf32, #tpu.memory_space<vmem_shared>>
      tpu.enqueue_dma source(%dma_start3A_47 : memref<120x128xf32, #tpu.memory_space<vmem_shared>>) target(%dma_start3A_45 : memref<120x128xf32, #tpu.memory_space<vmem>>) target_semaphore(%run_scoped3A : memref<!tpu.dma_semaphore, #tpu.memory_space<semaphore_mem>>)
      %dma_wait3A = arith.constant 0 : i32
      %dma_wait3A_48 = arith.constant 0 : i32
      %dma_wait3A_49 = tpu.memref_slice %arg10[%dma_wait3A, %dma_wait3A_48] : memref<128x128xf32, #tpu.memory_space<vmem>> -> memref<120x128xf32, #tpu.memory_space<vmem>>
      %dma_wait3A_50 = arith.constant 0 : i32
      %dma_wait3A_51 = tpu.memref_slice %arg7[%add3A_36, %dma_wait3A_50] : memref<10112x128xf32, #tpu.memory_space<vmem_shared>> -> memref<120x128xf32, #tpu.memory_space<vmem_shared>>
      %dma_wait3A_52 = arith.constant 0 : i32
      %dma_wait3A_53 = arith.constant 0 : i32
      %dma_wait3A_54 = tpu.memref_slice %arg10[%dma_wait3A_52, %dma_wait3A_53] : memref<128x128xf32, #tpu.memory_space<vmem>> -> memref<120x128xf32, #tpu.memory_space<vmem>>
      %dma_wait3A_55 = arith.constant 0 : i32
      %dma_wait3A_56 = tpu.memref_slice %arg7[%add3A_36, %dma_wait3A_55] : memref<10112x128xf32, #tpu.memory_space<vmem_shared>> -> memref<120x128xf32, #tpu.memory_space<vmem_shared>>
      tpu.wait_dma2 semaphore(%run_scoped3A : memref<!tpu.dma_semaphore, #tpu.memory_space<semaphore_mem>>) src(%dma_wait3A_56 : memref<120x128xf32, #tpu.memory_space<vmem_shared>>) dst(%dma_wait3A_54 : memref<120x128xf32, #tpu.memory_space<vmem>>)
      tpu.yield
    }) : () -> ()
    %add3A_37 = arith.constant 512 : i32
    %add3A_38 = arith.addi %mul3A_2, %add3A_37 : i32
    "tpu.region"() ({
      %run_scoped3A = tpu.sem_alloc : memref<!tpu.dma_semaphore, #tpu.memory_space<semaphore_mem>>
      %dma_start3A = arith.constant 0 : i32
      %dma_start3A_39 = arith.constant 0 : i32
      %dma_start3A_40 = tpu.memref_slice %arg10[%dma_start3A, %dma_start3A_39] : memref<128x128xf32, #tpu.memory_space<vmem>> -> memref<120x128xf32, #tpu.memory_space<vmem>>
      %dma_start3A_41 = arith.constant 0 : i32
      %dma_start3A_42 = tpu.memref_slice %arg6[%arg0, %add3A_38, %dma_start3A_41] : memref<2x10112x128xf32, #tpu.memory_space<hbm>> -> memref<1x120x128xf32, #tpu.memory_space<hbm>>
      %dma_start3A_43 = tpu.memref_squeeze %dma_start3A_42 : memref<1x120x128xf32, #tpu.memory_space<hbm>> -> memref<120x128xf32, #tpu.memory_space<hbm>>
      %dma_start3A_44 = arith.constant 0 : i32
      %dma_start3A_45 = tpu.memref_slice %arg6[%arg0, %add3A_38, %dma_start3A_44] : memref<2x10112x128xf32, #tpu.memory_space<hbm>> -> memref<1x120x128xf32, #tpu.memory_space<hbm>>
      %dma_start3A_46 = tpu.memref_squeeze %dma_start3A_45 : memref<1x120x128xf32, #tpu.memory_space<hbm>> -> memref<120x128xf32, #tpu.memory_space<hbm>>
      %dma_start3A_47 = arith.constant 0 : i32
      %dma_start3A_48 = arith.constant 0 : i32
      %dma_start3A_49 = tpu.memref_slice %arg10[%dma_start3A_47, %dma_start3A_48] : memref<128x128xf32, #tpu.memory_space<vmem>> -> memref<120x128xf32, #tpu.memory_space<vmem>>
      tpu.enqueue_dma source(%dma_start3A_49 : memref<120x128xf32, #tpu.memory_space<vmem>>) target(%dma_start3A_46 : memref<120x128xf32, #tpu.memory_space<hbm>>) target_semaphore(%run_scoped3A : memref<!tpu.dma_semaphore, #tpu.memory_space<semaphore_mem>>)
      %dma_wait3A = arith.constant 0 : i32
      %dma_wait3A_50 = arith.constant 0 : i32
      %dma_wait3A_51 = tpu.memref_slice %arg10[%dma_wait3A, %dma_wait3A_50] : memref<128x128xf32, #tpu.memory_space<vmem>> -> memref<120x128xf32, #tpu.memory_space<vmem>>
      %dma_wait3A_52 = arith.constant 0 : i32
      %dma_wait3A_53 = tpu.memref_slice %arg6[%arg0, %add3A_38, %dma_wait3A_52] : memref<2x10112x128xf32, #tpu.memory_space<hbm>> -> memref<1x120x128xf32, #tpu.memory_space<hbm>>
      %dma_wait3A_54 = tpu.memref_squeeze %dma_wait3A_53 : memref<1x120x128xf32, #tpu.memory_space<hbm>> -> memref<120x128xf32, #tpu.memory_space<hbm>>
      %dma_wait3A_55 = arith.constant 0 : i32
      %dma_wait3A_56 = tpu.memref_slice %arg6[%arg0, %add3A_38, %dma_wait3A_55] : memref<2x10112x128xf32, #tpu.memory_space<hbm>> -> memref<1x120x128xf32, #tpu.memory_space<hbm>>
      %dma_wait3A_57 = tpu.memref_squeeze %dma_wait3A_56 : memref<1x120x128xf32, #tpu.memory_space<hbm>> -> memref<120x128xf32, #tpu.memory_space<hbm>>
      %dma_wait3A_58 = arith.constant 0 : i32
      %dma_wait3A_59 = arith.constant 0 : i32
      %dma_wait3A_60 = tpu.memref_slice %arg10[%dma_wait3A_58, %dma_wait3A_59] : memref<128x128xf32, #tpu.memory_space<vmem>> -> memref<120x128xf32, #tpu.memory_space<vmem>>
      tpu.wait_dma2 semaphore(%run_scoped3A : memref<!tpu.dma_semaphore, #tpu.memory_space<semaphore_mem>>) src(%dma_wait3A_60 : memref<120x128xf32, #tpu.memory_space<vmem>>) dst(%dma_wait3A_57 : memref<120x128xf32, #tpu.memory_space<hbm>>)
      tpu.yield
    }) : () -> ()
    return
  }
}

#map = affine_map<(d0, d1) -> (0, 0)>
#map1 = affine_map<(d0, d1) -> (0, 0, 0)>
module attributes {stable_mosaic.version = 14 : i64} {
  func.func @body(%arg0: i32, %arg1: i32, %arg2: memref<10000x128xf32, #tpu.memory_space<hbm>>, %arg3: memref<32x79x128xi32, #tpu.memory_space<hbm>>, %arg4: memref<32x79x128xi32, #tpu.memory_space<hbm>>, %arg5: memref<128x128xf32, #tpu.memory_space<hbm>>, %arg6: memref<2x10112x128xf32, #tpu.memory_space<hbm>>, %arg7: memref<10112x128xf32, #tpu.memory_space<vmem_shared>>, %arg8: memref<128xi32, #tpu.memory_space<vmem>>, %arg9: memref<128xi32, #tpu.memory_space<vmem>>, %arg10: memref<128x128xf32, #tpu.memory_space<vmem>>, %arg11: memref<!tpu.dma_semaphore, #tpu.memory_space<semaphore_mem>>) attributes {dimension_semantics = [#tpu.dimension_semantics<core_parallel>, #tpu.dimension_semantics<subcore_parallel>], iteration_bounds = array<i64: 2, 16>, scalar_prefetch = 0 : i64, scratch_operands = 5 : i64, tpu.core_type = #tpu.core_type<sc_vector_subcore>, window_params = [{transform_indices = #map}, {transform_indices = #map1}, {transform_indices = #map1}, {transform_indices = #map}, {transform_indices = #map1}]} {
    %mul3A = arith.constant 2 : i32
    %mul3A_0 = arith.muli %arg1, %mul3A : i32
    %add3A = arith.addi %mul3A_0, %arg0 : i32
    %mul3A_1 = arith.constant 632 : i32
    %mul3A_2 = arith.muli %arg1, %mul3A_1 : i32
    "tpu.region"() ({
      %run_scoped3A = tpu.sem_alloc : memref<!tpu.dma_semaphore, #tpu.memory_space<semaphore_mem>>
      tpu.enqueue_dma source(%arg5 : memref<128x128xf32, #tpu.memory_space<hbm>>) target(%arg10 : memref<128x128xf32, #tpu.memory_space<vmem>>) target_semaphore(%run_scoped3A : memref<!tpu.dma_semaphore, #tpu.memory_space<semaphore_mem>>)
      tpu.wait_dma2 semaphore(%run_scoped3A : memref<!tpu.dma_semaphore, #tpu.memory_space<semaphore_mem>>) src(%arg5 : memref<128x128xf32, #tpu.memory_space<hbm>>) dst(%arg10 : memref<128x128xf32, #tpu.memory_space<vmem>>)
      tpu.yield
    }) : () -> ()
    %add3A_3 = arith.constant 0 : i32
    %add3A_4 = arith.addi %mul3A_2, %add3A_3 : i32
    "tpu.region"() ({
      %run_scoped3A = tpu.sem_alloc : memref<!tpu.dma_semaphore, #tpu.memory_space<semaphore_mem>>
      %dma_start3A = arith.constant 0 : i32
      %dma_start3A_39 = arith.constant 0 : i32
      %dma_start3A_40 = tpu.memref_slice %arg10[%dma_start3A, %dma_start3A_39] : memref<128x128xf32, #tpu.memory_space<vmem>> -> memref<128x128xf32, #tpu.memory_space<vmem>>
      %dma_start3A_41 = arith.constant 0 : i32
      %dma_start3A_42 = tpu.memref_slice %arg7[%add3A_4, %dma_start3A_41] : memref<10112x128xf32, #tpu.memory_space<vmem_shared>> -> memref<128x128xf32, #tpu.memory_space<vmem_shared>>
      %dma_start3A_43 = arith.constant 0 : i32
      %dma_start3A_44 = tpu.memref_slice %arg7[%add3A_4, %dma_start3A_43] : memref<10112x128xf32, #tpu.memory_space<vmem_shared>> -> memref<128x128xf32, #tpu.memory_space<vmem_shared>>
      %dma_start3A_45 = arith.constant 0 : i32
      %dma_start3A_46 = arith.constant 0 : i32
      %dma_start3A_47 = tpu.memref_slice %arg10[%dma_start3A_45, %dma_start3A_46] : memref<128x128xf32, #tpu.memory_space<vmem>> -> memref<128x128xf32, #tpu.memory_space<vmem>>
      tpu.enqueue_dma source(%dma_start3A_47 : memref<128x128xf32, #tpu.memory_space<vmem>>) target(%dma_start3A_44 : memref<128x128xf32, #tpu.memory_space<vmem_shared>>) target_semaphore(%run_scoped3A : memref<!tpu.dma_semaphore, #tpu.memory_space<semaphore_mem>>)
      %dma_wait3A = arith.constant 0 : i32
      %dma_wait3A_48 = arith.constant 0 : i32
      %dma_wait3A_49 = tpu.memref_slice %arg10[%dma_wait3A, %dma_wait3A_48] : memref<128x128xf32, #tpu.memory_space<vmem>> -> memref<128x128xf32, #tpu.memory_space<vmem>>
      %dma_wait3A_50 = arith.constant 0 : i32
      %dma_wait3A_51 = tpu.memref_slice %arg7[%add3A_4, %dma_wait3A_50] : memref<10112x128xf32, #tpu.memory_space<vmem_shared>> -> memref<128x128xf32, #tpu.memory_space<vmem_shared>>
      %dma_wait3A_52 = arith.constant 0 : i32
      %dma_wait3A_53 = tpu.memref_slice %arg7[%add3A_4, %dma_wait3A_52] : memref<10112x128xf32, #tpu.memory_space<vmem_shared>> -> memref<128x128xf32, #tpu.memory_space<vmem_shared>>
      %dma_wait3A_54 = arith.constant 0 : i32
      %dma_wait3A_55 = arith.constant 0 : i32
      %dma_wait3A_56 = tpu.memref_slice %arg10[%dma_wait3A_54, %dma_wait3A_55] : memref<128x128xf32, #tpu.memory_space<vmem>> -> memref<128x128xf32, #tpu.memory_space<vmem>>
      tpu.wait_dma2 semaphore(%run_scoped3A : memref<!tpu.dma_semaphore, #tpu.memory_space<semaphore_mem>>) src(%dma_wait3A_56 : memref<128x128xf32, #tpu.memory_space<vmem>>) dst(%dma_wait3A_53 : memref<128x128xf32, #tpu.memory_space<vmem_shared>>)
      tpu.yield
    }) : () -> ()
    %add3A_5 = arith.constant 128 : i32
    %add3A_6 = arith.addi %mul3A_2, %add3A_5 : i32
    "tpu.region"() ({
      %run_scoped3A = tpu.sem_alloc : memref<!tpu.dma_semaphore, #tpu.memory_space<semaphore_mem>>
      %dma_start3A = arith.constant 0 : i32
      %dma_start3A_39 = arith.constant 0 : i32
      %dma_start3A_40 = tpu.memref_slice %arg10[%dma_start3A, %dma_start3A_39] : memref<128x128xf32, #tpu.memory_space<vmem>> -> memref<128x128xf32, #tpu.memory_space<vmem>>
      %dma_start3A_41 = arith.constant 0 : i32
      %dma_start3A_42 = tpu.memref_slice %arg7[%add3A_6, %dma_start3A_41] : memref<10112x128xf32, #tpu.memory_space<vmem_shared>> -> memref<128x128xf32, #tpu.memory_space<vmem_shared>>
      %dma_start3A_43 = arith.constant 0 : i32
      %dma_start3A_44 = tpu.memref_slice %arg7[%add3A_6, %dma_start3A_43] : memref<10112x128xf32, #tpu.memory_space<vmem_shared>> -> memref<128x128xf32, #tpu.memory_space<vmem_shared>>
      %dma_start3A_45 = arith.constant 0 : i32
      %dma_start3A_46 = arith.constant 0 : i32
      %dma_start3A_47 = tpu.memref_slice %arg10[%dma_start3A_45, %dma_start3A_46] : memref<128x128xf32, #tpu.memory_space<vmem>> -> memref<128x128xf32, #tpu.memory_space<vmem>>
      tpu.enqueue_dma source(%dma_start3A_47 : memref<128x128xf32, #tpu.memory_space<vmem>>) target(%dma_start3A_44 : memref<128x128xf32, #tpu.memory_space<vmem_shared>>) target_semaphore(%run_scoped3A : memref<!tpu.dma_semaphore, #tpu.memory_space<semaphore_mem>>)
      %dma_wait3A = arith.constant 0 : i32
      %dma_wait3A_48 = arith.constant 0 : i32
      %dma_wait3A_49 = tpu.memref_slice %arg10[%dma_wait3A, %dma_wait3A_48] : memref<128x128xf32, #tpu.memory_space<vmem>> -> memref<128x128xf32, #tpu.memory_space<vmem>>
      %dma_wait3A_50 = arith.constant 0 : i32
      %dma_wait3A_51 = tpu.memref_slice %arg7[%add3A_6, %dma_wait3A_50] : memref<10112x128xf32, #tpu.memory_space<vmem_shared>> -> memref<128x128xf32, #tpu.memory_space<vmem_shared>>
      %dma_wait3A_52 = arith.constant 0 : i32
      %dma_wait3A_53 = tpu.memref_slice %arg7[%add3A_6, %dma_wait3A_52] : memref<10112x128xf32, #tpu.memory_space<vmem_shared>> -> memref<128x128xf32, #tpu.memory_space<vmem_shared>>
      %dma_wait3A_54 = arith.constant 0 : i32
      %dma_wait3A_55 = arith.constant 0 : i32
      %dma_wait3A_56 = tpu.memref_slice %arg10[%dma_wait3A_54, %dma_wait3A_55] : memref<128x128xf32, #tpu.memory_space<vmem>> -> memref<128x128xf32, #tpu.memory_space<vmem>>
      tpu.wait_dma2 semaphore(%run_scoped3A : memref<!tpu.dma_semaphore, #tpu.memory_space<semaphore_mem>>) src(%dma_wait3A_56 : memref<128x128xf32, #tpu.memory_space<vmem>>) dst(%dma_wait3A_53 : memref<128x128xf32, #tpu.memory_space<vmem_shared>>)
      tpu.yield
    }) : () -> ()
    %add3A_7 = arith.constant 256 : i32
    %add3A_8 = arith.addi %mul3A_2, %add3A_7 : i32
    "tpu.region"() ({
      %run_scoped3A = tpu.sem_alloc : memref<!tpu.dma_semaphore, #tpu.memory_space<semaphore_mem>>
      %dma_start3A = arith.constant 0 : i32
      %dma_start3A_39 = arith.constant 0 : i32
      %dma_start3A_40 = tpu.memref_slice %arg10[%dma_start3A, %dma_start3A_39] : memref<128x128xf32, #tpu.memory_space<vmem>> -> memref<128x128xf32, #tpu.memory_space<vmem>>
      %dma_start3A_41 = arith.constant 0 : i32
      %dma_start3A_42 = tpu.memref_slice %arg7[%add3A_8, %dma_start3A_41] : memref<10112x128xf32, #tpu.memory_space<vmem_shared>> -> memref<128x128xf32, #tpu.memory_space<vmem_shared>>
      %dma_start3A_43 = arith.constant 0 : i32
      %dma_start3A_44 = tpu.memref_slice %arg7[%add3A_8, %dma_start3A_43] : memref<10112x128xf32, #tpu.memory_space<vmem_shared>> -> memref<128x128xf32, #tpu.memory_space<vmem_shared>>
      %dma_start3A_45 = arith.constant 0 : i32
      %dma_start3A_46 = arith.constant 0 : i32
      %dma_start3A_47 = tpu.memref_slice %arg10[%dma_start3A_45, %dma_start3A_46] : memref<128x128xf32, #tpu.memory_space<vmem>> -> memref<128x128xf32, #tpu.memory_space<vmem>>
      tpu.enqueue_dma source(%dma_start3A_47 : memref<128x128xf32, #tpu.memory_space<vmem>>) target(%dma_start3A_44 : memref<128x128xf32, #tpu.memory_space<vmem_shared>>) target_semaphore(%run_scoped3A : memref<!tpu.dma_semaphore, #tpu.memory_space<semaphore_mem>>)
      %dma_wait3A = arith.constant 0 : i32
      %dma_wait3A_48 = arith.constant 0 : i32
      %dma_wait3A_49 = tpu.memref_slice %arg10[%dma_wait3A, %dma_wait3A_48] : memref<128x128xf32, #tpu.memory_space<vmem>> -> memref<128x128xf32, #tpu.memory_space<vmem>>
      %dma_wait3A_50 = arith.constant 0 : i32
      %dma_wait3A_51 = tpu.memref_slice %arg7[%add3A_8, %dma_wait3A_50] : memref<10112x128xf32, #tpu.memory_space<vmem_shared>> -> memref<128x128xf32, #tpu.memory_space<vmem_shared>>
      %dma_wait3A_52 = arith.constant 0 : i32
      %dma_wait3A_53 = tpu.memref_slice %arg7[%add3A_8, %dma_wait3A_52] : memref<10112x128xf32, #tpu.memory_space<vmem_shared>> -> memref<128x128xf32, #tpu.memory_space<vmem_shared>>
      %dma_wait3A_54 = arith.constant 0 : i32
      %dma_wait3A_55 = arith.constant 0 : i32
      %dma_wait3A_56 = tpu.memref_slice %arg10[%dma_wait3A_54, %dma_wait3A_55] : memref<128x128xf32, #tpu.memory_space<vmem>> -> memref<128x128xf32, #tpu.memory_space<vmem>>
      tpu.wait_dma2 semaphore(%run_scoped3A : memref<!tpu.dma_semaphore, #tpu.memory_space<semaphore_mem>>) src(%dma_wait3A_56 : memref<128x128xf32, #tpu.memory_space<vmem>>) dst(%dma_wait3A_53 : memref<128x128xf32, #tpu.memory_space<vmem_shared>>)
      tpu.yield
    }) : () -> ()
    %add3A_9 = arith.constant 384 : i32
    %add3A_10 = arith.addi %mul3A_2, %add3A_9 : i32
    "tpu.region"() ({
      %run_scoped3A = tpu.sem_alloc : memref<!tpu.dma_semaphore, #tpu.memory_space<semaphore_mem>>
      %dma_start3A = arith.constant 0 : i32
      %dma_start3A_39 = arith.constant 0 : i32
      %dma_start3A_40 = tpu.memref_slice %arg10[%dma_start3A, %dma_start3A_39] : memref<128x128xf32, #tpu.memory_space<vmem>> -> memref<128x128xf32, #tpu.memory_space<vmem>>
      %dma_start3A_41 = arith.constant 0 : i32
      %dma_start3A_42 = tpu.memref_slice %arg7[%add3A_10, %dma_start3A_41] : memref<10112x128xf32, #tpu.memory_space<vmem_shared>> -> memref<128x128xf32, #tpu.memory_space<vmem_shared>>
      %dma_start3A_43 = arith.constant 0 : i32
      %dma_start3A_44 = tpu.memref_slice %arg7[%add3A_10, %dma_start3A_43] : memref<10112x128xf32, #tpu.memory_space<vmem_shared>> -> memref<128x128xf32, #tpu.memory_space<vmem_shared>>
      %dma_start3A_45 = arith.constant 0 : i32
      %dma_start3A_46 = arith.constant 0 : i32
      %dma_start3A_47 = tpu.memref_slice %arg10[%dma_start3A_45, %dma_start3A_46] : memref<128x128xf32, #tpu.memory_space<vmem>> -> memref<128x128xf32, #tpu.memory_space<vmem>>
      tpu.enqueue_dma source(%dma_start3A_47 : memref<128x128xf32, #tpu.memory_space<vmem>>) target(%dma_start3A_44 : memref<128x128xf32, #tpu.memory_space<vmem_shared>>) target_semaphore(%run_scoped3A : memref<!tpu.dma_semaphore, #tpu.memory_space<semaphore_mem>>)
      %dma_wait3A = arith.constant 0 : i32
      %dma_wait3A_48 = arith.constant 0 : i32
      %dma_wait3A_49 = tpu.memref_slice %arg10[%dma_wait3A, %dma_wait3A_48] : memref<128x128xf32, #tpu.memory_space<vmem>> -> memref<128x128xf32, #tpu.memory_space<vmem>>
      %dma_wait3A_50 = arith.constant 0 : i32
      %dma_wait3A_51 = tpu.memref_slice %arg7[%add3A_10, %dma_wait3A_50] : memref<10112x128xf32, #tpu.memory_space<vmem_shared>> -> memref<128x128xf32, #tpu.memory_space<vmem_shared>>
      %dma_wait3A_52 = arith.constant 0 : i32
      %dma_wait3A_53 = tpu.memref_slice %arg7[%add3A_10, %dma_wait3A_52] : memref<10112x128xf32, #tpu.memory_space<vmem_shared>> -> memref<128x128xf32, #tpu.memory_space<vmem_shared>>
      %dma_wait3A_54 = arith.constant 0 : i32
      %dma_wait3A_55 = arith.constant 0 : i32
      %dma_wait3A_56 = tpu.memref_slice %arg10[%dma_wait3A_54, %dma_wait3A_55] : memref<128x128xf32, #tpu.memory_space<vmem>> -> memref<128x128xf32, #tpu.memory_space<vmem>>
      tpu.wait_dma2 semaphore(%run_scoped3A : memref<!tpu.dma_semaphore, #tpu.memory_space<semaphore_mem>>) src(%dma_wait3A_56 : memref<128x128xf32, #tpu.memory_space<vmem>>) dst(%dma_wait3A_53 : memref<128x128xf32, #tpu.memory_space<vmem_shared>>)
      tpu.yield
    }) : () -> ()
    %add3A_11 = arith.constant 512 : i32
    %add3A_12 = arith.addi %mul3A_2, %add3A_11 : i32
    "tpu.region"() ({
      %run_scoped3A = tpu.sem_alloc : memref<!tpu.dma_semaphore, #tpu.memory_space<semaphore_mem>>
      %dma_start3A = arith.constant 0 : i32
      %dma_start3A_39 = arith.constant 0 : i32
      %dma_start3A_40 = tpu.memref_slice %arg10[%dma_start3A, %dma_start3A_39] : memref<128x128xf32, #tpu.memory_space<vmem>> -> memref<120x128xf32, #tpu.memory_space<vmem>>
      %dma_start3A_41 = arith.constant 0 : i32
      %dma_start3A_42 = tpu.memref_slice %arg7[%add3A_12, %dma_start3A_41] : memref<10112x128xf32, #tpu.memory_space<vmem_shared>> -> memref<120x128xf32, #tpu.memory_space<vmem_shared>>
      %dma_start3A_43 = arith.constant 0 : i32
      %dma_start3A_44 = tpu.memref_slice %arg7[%add3A_12, %dma_start3A_43] : memref<10112x128xf32, #tpu.memory_space<vmem_shared>> -> memref<120x128xf32, #tpu.memory_space<vmem_shared>>
      %dma_start3A_45 = arith.constant 0 : i32
      %dma_start3A_46 = arith.constant 0 : i32
      %dma_start3A_47 = tpu.memref_slice %arg10[%dma_start3A_45, %dma_start3A_46] : memref<128x128xf32, #tpu.memory_space<vmem>> -> memref<120x128xf32, #tpu.memory_space<vmem>>
      tpu.enqueue_dma source(%dma_start3A_47 : memref<120x128xf32, #tpu.memory_space<vmem>>) target(%dma_start3A_44 : memref<120x128xf32, #tpu.memory_space<vmem_shared>>) target_semaphore(%run_scoped3A : memref<!tpu.dma_semaphore, #tpu.memory_space<semaphore_mem>>)
      %dma_wait3A = arith.constant 0 : i32
      %dma_wait3A_48 = arith.constant 0 : i32
      %dma_wait3A_49 = tpu.memref_slice %arg10[%dma_wait3A, %dma_wait3A_48] : memref<128x128xf32, #tpu.memory_space<vmem>> -> memref<120x128xf32, #tpu.memory_space<vmem>>
      %dma_wait3A_50 = arith.constant 0 : i32
      %dma_wait3A_51 = tpu.memref_slice %arg7[%add3A_12, %dma_wait3A_50] : memref<10112x128xf32, #tpu.memory_space<vmem_shared>> -> memref<120x128xf32, #tpu.memory_space<vmem_shared>>
      %dma_wait3A_52 = arith.constant 0 : i32
      %dma_wait3A_53 = tpu.memref_slice %arg7[%add3A_12, %dma_wait3A_52] : memref<10112x128xf32, #tpu.memory_space<vmem_shared>> -> memref<120x128xf32, #tpu.memory_space<vmem_shared>>
      %dma_wait3A_54 = arith.constant 0 : i32
      %dma_wait3A_55 = arith.constant 0 : i32
      %dma_wait3A_56 = tpu.memref_slice %arg10[%dma_wait3A_54, %dma_wait3A_55] : memref<128x128xf32, #tpu.memory_space<vmem>> -> memref<120x128xf32, #tpu.memory_space<vmem>>
      tpu.wait_dma2 semaphore(%run_scoped3A : memref<!tpu.dma_semaphore, #tpu.memory_space<semaphore_mem>>) src(%dma_wait3A_56 : memref<120x128xf32, #tpu.memory_space<vmem>>) dst(%dma_wait3A_53 : memref<120x128xf32, #tpu.memory_space<vmem_shared>>)
      tpu.yield
    }) : () -> ()
    %barrier3A = arith.constant 0 : index
    tpu.barrier barrier_id(%barrier3A)
    %scan3A = arith.constant 0 : i32
    %scan3A_13 = arith.constant 0 : i32
    %scan3A_14 = arith.constant 79 : i32
    %scan3A_15 = arith.addi %scan3A_13, %scan3A_14 : i32
    %scan3A_16 = arith.constant 1 : i32
    scf.for %scan3A_39 = %scan3A_13 to %scan3A_15 step %scan3A_16  : i32 {
      "tpu.region"() ({
        %run_scoped3A = tpu.sem_alloc : memref<!tpu.dma_semaphore, #tpu.memory_space<semaphore_mem>>
        %dma_start3A_44 = arith.constant 0 : i32
        %dma_start3A_45 = tpu.memref_slice %arg3[%add3A, %scan3A_39, %dma_start3A_44] : memref<32x79x128xi32, #tpu.memory_space<hbm>> -> memref<1x1x128xi32, #tpu.memory_space<hbm>>
        %dma_start3A_46 = tpu.memref_squeeze %dma_start3A_45 : memref<1x1x128xi32, #tpu.memory_space<hbm>> -> memref<128xi32, #tpu.memory_space<hbm>>
        %dma_start3A_47 = arith.constant 0 : i32
        %dma_start3A_48 = tpu.memref_slice %arg3[%add3A, %scan3A_39, %dma_start3A_47] : memref<32x79x128xi32, #tpu.memory_space<hbm>> -> memref<1x1x128xi32, #tpu.memory_space<hbm>>
        %dma_start3A_49 = tpu.memref_squeeze %dma_start3A_48 : memref<1x1x128xi32, #tpu.memory_space<hbm>> -> memref<128xi32, #tpu.memory_space<hbm>>
        tpu.enqueue_dma source(%dma_start3A_49 : memref<128xi32, #tpu.memory_space<hbm>>) target(%arg8 : memref<128xi32, #tpu.memory_space<vmem>>) target_semaphore(%run_scoped3A : memref<!tpu.dma_semaphore, #tpu.memory_space<semaphore_mem>>)
        %dma_wait3A_50 = arith.constant 0 : i32
        %dma_wait3A_51 = tpu.memref_slice %arg3[%add3A, %scan3A_39, %dma_wait3A_50] : memref<32x79x128xi32, #tpu.memory_space<hbm>> -> memref<1x1x128xi32, #tpu.memory_space<hbm>>
        %dma_wait3A_52 = tpu.memref_squeeze %dma_wait3A_51 : memref<1x1x128xi32, #tpu.memory_space<hbm>> -> memref<128xi32, #tpu.memory_space<hbm>>
        %dma_wait3A_53 = arith.constant 0 : i32
        %dma_wait3A_54 = tpu.memref_slice %arg3[%add3A, %scan3A_39, %dma_wait3A_53] : memref<32x79x128xi32, #tpu.memory_space<hbm>> -> memref<1x1x128xi32, #tpu.memory_space<hbm>>
        %dma_wait3A_55 = tpu.memref_squeeze %dma_wait3A_54 : memref<1x1x128xi32, #tpu.memory_space<hbm>> -> memref<128xi32, #tpu.memory_space<hbm>>
        tpu.wait_dma2 semaphore(%run_scoped3A : memref<!tpu.dma_semaphore, #tpu.memory_space<semaphore_mem>>) src(%dma_wait3A_55 : memref<128xi32, #tpu.memory_space<hbm>>) dst(%arg8 : memref<128xi32, #tpu.memory_space<vmem>>)
        tpu.yield
      }) : () -> ()
      "tpu.region"() ({
        %run_scoped3A = tpu.sem_alloc : memref<!tpu.dma_semaphore, #tpu.memory_space<semaphore_mem>>
        %dma_start3A_44 = arith.constant 0 : i32
        %dma_start3A_45 = tpu.memref_slice %arg4[%add3A, %scan3A_39, %dma_start3A_44] : memref<32x79x128xi32, #tpu.memory_space<hbm>> -> memref<1x1x128xi32, #tpu.memory_space<hbm>>
        %dma_start3A_46 = tpu.memref_squeeze %dma_start3A_45 : memref<1x1x128xi32, #tpu.memory_space<hbm>> -> memref<128xi32, #tpu.memory_space<hbm>>
        %dma_start3A_47 = arith.constant 0 : i32
        %dma_start3A_48 = tpu.memref_slice %arg4[%add3A, %scan3A_39, %dma_start3A_47] : memref<32x79x128xi32, #tpu.memory_space<hbm>> -> memref<1x1x128xi32, #tpu.memory_space<hbm>>
        %dma_start3A_49 = tpu.memref_squeeze %dma_start3A_48 : memref<1x1x128xi32, #tpu.memory_space<hbm>> -> memref<128xi32, #tpu.memory_space<hbm>>
        tpu.enqueue_dma source(%dma_start3A_49 : memref<128xi32, #tpu.memory_space<hbm>>) target(%arg9 : memref<128xi32, #tpu.memory_space<vmem>>) target_semaphore(%run_scoped3A : memref<!tpu.dma_semaphore, #tpu.memory_space<semaphore_mem>>)
        %dma_wait3A_50 = arith.constant 0 : i32
        %dma_wait3A_51 = tpu.memref_slice %arg4[%add3A, %scan3A_39, %dma_wait3A_50] : memref<32x79x128xi32, #tpu.memory_space<hbm>> -> memref<1x1x128xi32, #tpu.memory_space<hbm>>
        %dma_wait3A_52 = tpu.memref_squeeze %dma_wait3A_51 : memref<1x1x128xi32, #tpu.memory_space<hbm>> -> memref<128xi32, #tpu.memory_space<hbm>>
        %dma_wait3A_53 = arith.constant 0 : i32
        %dma_wait3A_54 = tpu.memref_slice %arg4[%add3A, %scan3A_39, %dma_wait3A_53] : memref<32x79x128xi32, #tpu.memory_space<hbm>> -> memref<1x1x128xi32, #tpu.memory_space<hbm>>
        %dma_wait3A_55 = tpu.memref_squeeze %dma_wait3A_54 : memref<1x1x128xi32, #tpu.memory_space<hbm>> -> memref<128xi32, #tpu.memory_space<hbm>>
        tpu.wait_dma2 semaphore(%run_scoped3A : memref<!tpu.dma_semaphore, #tpu.memory_space<semaphore_mem>>) src(%dma_wait3A_55 : memref<128xi32, #tpu.memory_space<hbm>>) dst(%arg9 : memref<128xi32, #tpu.memory_space<vmem>>)
        tpu.yield
      }) : () -> ()
      %dma_start3A = arith.constant 0 : i32
      %dma_start3A_40 = arith.constant 0 : i32
      %dma_start3A_41 = tpu.memref_slice %arg2[%dma_start3A, %dma_start3A_40] : memref<10000x128xf32, #tpu.memory_space<hbm>> -> memref<10000x128xf32, #tpu.memory_space<hbm>>
      tpu.enqueue_indirect_dma source(%dma_start3A_41 : memref<10000x128xf32, #tpu.memory_space<hbm>>) target(%arg10 : memref<128x128xf32, #tpu.memory_space<vmem>>) offsets(%arg8 : memref<128xi32, #tpu.memory_space<vmem>>) semaphore(%arg11 : memref<!tpu.dma_semaphore, #tpu.memory_space<semaphore_mem>>)
      %dma_wait3A = arith.constant 0 : i32
      %dma_wait3A_42 = arith.constant 0 : i32
      %dma_wait3A_43 = tpu.memref_slice %arg2[%dma_wait3A, %dma_wait3A_42] : memref<10000x128xf32, #tpu.memory_space<hbm>> -> memref<10000x128xf32, #tpu.memory_space<hbm>>
      tpu.wait_indirect_dma semaphore(%arg11 : memref<!tpu.dma_semaphore, #tpu.memory_space<semaphore_mem>>) src(%dma_wait3A_43 : memref<10000x128xf32, #tpu.memory_space<hbm>>) dst(%arg10 : memref<128x128xf32, #tpu.memory_space<vmem>>)
      "tpu.region"() ({
        %run_scoped3A = tpu.sem_alloc : memref<!tpu.dma_semaphore, #tpu.memory_space<semaphore_mem>>
        %dma_start3A_44 = arith.constant 0 : i32
        %dma_start3A_45 = arith.constant 0 : i32
        %dma_start3A_46 = tpu.memref_slice %arg7[%dma_start3A_44, %dma_start3A_45] : memref<10112x128xf32, #tpu.memory_space<vmem_shared>> -> memref<10112x128xf32, #tpu.memory_space<vmem_shared>>
        tpu.enqueue_indirect_dma source(%arg10 : memref<128x128xf32, #tpu.memory_space<vmem>>) target(%dma_start3A_46 : memref<10112x128xf32, #tpu.memory_space<vmem_shared>>) offsets(%arg9 : memref<128xi32, #tpu.memory_space<vmem>>) semaphore(%run_scoped3A : memref<!tpu.dma_semaphore, #tpu.memory_space<semaphore_mem>>) {add = true}
        %dma_wait3A_47 = arith.constant 0 : i32
        %dma_wait3A_48 = arith.constant 0 : i32
        %dma_wait3A_49 = tpu.memref_slice %arg7[%dma_wait3A_47, %dma_wait3A_48] : memref<10112x128xf32, #tpu.memory_space<vmem_shared>> -> memref<10112x128xf32, #tpu.memory_space<vmem_shared>>
        tpu.wait_indirect_dma semaphore(%run_scoped3A : memref<!tpu.dma_semaphore, #tpu.memory_space<semaphore_mem>>) src(%arg10 : memref<128x128xf32, #tpu.memory_space<vmem>>) dst(%dma_wait3A_49 : memref<10112x128xf32, #tpu.memory_space<vmem_shared>>)
        tpu.yield
      }) : () -> ()
    }
    %scan3A_17 = arith.constant 79 : i32
    %barrier3A_18 = arith.constant 0 : index
    tpu.barrier barrier_id(%barrier3A_18)
    %add3A_19 = arith.constant 0 : i32
    %add3A_20 = arith.addi %mul3A_2, %add3A_19 : i32
    "tpu.region"() ({
      %run_scoped3A = tpu.sem_alloc : memref<!tpu.dma_semaphore, #tpu.memory_space<semaphore_mem>>
      %dma_start3A = arith.constant 0 : i32
      %dma_start3A_39 = arith.constant 0 : i32
      %dma_start3A_40 = tpu.memref_slice %arg10[%dma_start3A, %dma_start3A_39] : memref<128x128xf32, #tpu.memory_space<vmem>> -> memref<128x128xf32, #tpu.memory_space<vmem>>
      %dma_start3A_41 = arith.constant 0 : i32
      %dma_start3A_42 = tpu.memref_slice %arg7[%add3A_20, %dma_start3A_41] : memref<10112x128xf32, #tpu.memory_space<vmem_shared>> -> memref<128x128xf32, #tpu.memory_space<vmem_shared>>
      %dma_start3A_43 = arith.constant 0 : i32
      %dma_start3A_44 = arith.constant 0 : i32
      %dma_start3A_45 = tpu.memref_slice %arg10[%dma_start3A_43, %dma_start3A_44] : memref<128x128xf32, #tpu.memory_space<vmem>> -> memref<128x128xf32, #tpu.memory_space<vmem>>
      %dma_start3A_46 = arith.constant 0 : i32
      %dma_start3A_47 = tpu.memref_slice %arg7[%add3A_20, %dma_start3A_46] : memref<10112x128xf32, #tpu.memory_space<vmem_shared>> -> memref<128x128xf32, #tpu.memory_space<vmem_shared>>
      tpu.enqueue_dma source(%dma_start3A_47 : memref<128x128xf32, #tpu.memory_space<vmem_shared>>) target(%dma_start3A_45 : memref<128x128xf32, #tpu.memory_space<vmem>>) target_semaphore(%run_scoped3A : memref<!tpu.dma_semaphore, #tpu.memory_space<semaphore_mem>>)
      %dma_wait3A = arith.constant 0 : i32
      %dma_wait3A_48 = arith.constant 0 : i32
      %dma_wait3A_49 = tpu.memref_slice %arg10[%dma_wait3A, %dma_wait3A_48] : memref<128x128xf32, #tpu.memory_space<vmem>> -> memref<128x128xf32, #tpu.memory_space<vmem>>
      %dma_wait3A_50 = arith.constant 0 : i32
      %dma_wait3A_51 = tpu.memref_slice %arg7[%add3A_20, %dma_wait3A_50] : memref<10112x128xf32, #tpu.memory_space<vmem_shared>> -> memref<128x128xf32, #tpu.memory_space<vmem_shared>>
      %dma_wait3A_52 = arith.constant 0 : i32
      %dma_wait3A_53 = arith.constant 0 : i32
      %dma_wait3A_54 = tpu.memref_slice %arg10[%dma_wait3A_52, %dma_wait3A_53] : memref<128x128xf32, #tpu.memory_space<vmem>> -> memref<128x128xf32, #tpu.memory_space<vmem>>
      %dma_wait3A_55 = arith.constant 0 : i32
      %dma_wait3A_56 = tpu.memref_slice %arg7[%add3A_20, %dma_wait3A_55] : memref<10112x128xf32, #tpu.memory_space<vmem_shared>> -> memref<128x128xf32, #tpu.memory_space<vmem_shared>>
      tpu.wait_dma2 semaphore(%run_scoped3A : memref<!tpu.dma_semaphore, #tpu.memory_space<semaphore_mem>>) src(%dma_wait3A_56 : memref<128x128xf32, #tpu.memory_space<vmem_shared>>) dst(%dma_wait3A_54 : memref<128x128xf32, #tpu.memory_space<vmem>>)
      tpu.yield
    }) : () -> ()
    %add3A_21 = arith.constant 0 : i32
    %add3A_22 = arith.addi %mul3A_2, %add3A_21 : i32
    "tpu.region"() ({
      %run_scoped3A = tpu.sem_alloc : memref<!tpu.dma_semaphore, #tpu.memory_space<semaphore_mem>>
      %dma_start3A = arith.constant 0 : i32
      %dma_start3A_39 = arith.constant 0 : i32
      %dma_start3A_40 = tpu.memref_slice %arg10[%dma_start3A, %dma_start3A_39] : memref<128x128xf32, #tpu.memory_space<vmem>> -> memref<128x128xf32, #tpu.memory_space<vmem>>
      %dma_start3A_41 = arith.constant 0 : i32
      %dma_start3A_42 = tpu.memref_slice %arg6[%arg0, %add3A_22, %dma_start3A_41] : memref<2x10112x128xf32, #tpu.memory_space<hbm>> -> memref<1x128x128xf32, #tpu.memory_space<hbm>>
      %dma_start3A_43 = tpu.memref_squeeze %dma_start3A_42 : memref<1x128x128xf32, #tpu.memory_space<hbm>> -> memref<128x128xf32, #tpu.memory_space<hbm>>
      %dma_start3A_44 = arith.constant 0 : i32
      %dma_start3A_45 = tpu.memref_slice %arg6[%arg0, %add3A_22, %dma_start3A_44] : memref<2x10112x128xf32, #tpu.memory_space<hbm>> -> memref<1x128x128xf32, #tpu.memory_space<hbm>>
      %dma_start3A_46 = tpu.memref_squeeze %dma_start3A_45 : memref<1x128x128xf32, #tpu.memory_space<hbm>> -> memref<128x128xf32, #tpu.memory_space<hbm>>
      %dma_start3A_47 = arith.constant 0 : i32
      %dma_start3A_48 = arith.constant 0 : i32
      %dma_start3A_49 = tpu.memref_slice %arg10[%dma_start3A_47, %dma_start3A_48] : memref<128x128xf32, #tpu.memory_space<vmem>> -> memref<128x128xf32, #tpu.memory_space<vmem>>
      tpu.enqueue_dma source(%dma_start3A_49 : memref<128x128xf32, #tpu.memory_space<vmem>>) target(%dma_start3A_46 : memref<128x128xf32, #tpu.memory_space<hbm>>) target_semaphore(%run_scoped3A : memref<!tpu.dma_semaphore, #tpu.memory_space<semaphore_mem>>)
      %dma_wait3A = arith.constant 0 : i32
      %dma_wait3A_50 = arith.constant 0 : i32
      %dma_wait3A_51 = tpu.memref_slice %arg10[%dma_wait3A, %dma_wait3A_50] : memref<128x128xf32, #tpu.memory_space<vmem>> -> memref<128x128xf32, #tpu.memory_space<vmem>>
      %dma_wait3A_52 = arith.constant 0 : i32
      %dma_wait3A_53 = tpu.memref_slice %arg6[%arg0, %add3A_22, %dma_wait3A_52] : memref<2x10112x128xf32, #tpu.memory_space<hbm>> -> memref<1x128x128xf32, #tpu.memory_space<hbm>>
      %dma_wait3A_54 = tpu.memref_squeeze %dma_wait3A_53 : memref<1x128x128xf32, #tpu.memory_space<hbm>> -> memref<128x128xf32, #tpu.memory_space<hbm>>
      %dma_wait3A_55 = arith.constant 0 : i32
      %dma_wait3A_56 = tpu.memref_slice %arg6[%arg0, %add3A_22, %dma_wait3A_55] : memref<2x10112x128xf32, #tpu.memory_space<hbm>> -> memref<1x128x128xf32, #tpu.memory_space<hbm>>
      %dma_wait3A_57 = tpu.memref_squeeze %dma_wait3A_56 : memref<1x128x128xf32, #tpu.memory_space<hbm>> -> memref<128x128xf32, #tpu.memory_space<hbm>>
      %dma_wait3A_58 = arith.constant 0 : i32
      %dma_wait3A_59 = arith.constant 0 : i32
      %dma_wait3A_60 = tpu.memref_slice %arg10[%dma_wait3A_58, %dma_wait3A_59] : memref<128x128xf32, #tpu.memory_space<vmem>> -> memref<128x128xf32, #tpu.memory_space<vmem>>
      tpu.wait_dma2 semaphore(%run_scoped3A : memref<!tpu.dma_semaphore, #tpu.memory_space<semaphore_mem>>) src(%dma_wait3A_60 : memref<128x128xf32, #tpu.memory_space<vmem>>) dst(%dma_wait3A_57 : memref<128x128xf32, #tpu.memory_space<hbm>>)
      tpu.yield
    }) : () -> ()
    %add3A_23 = arith.constant 128 : i32
    %add3A_24 = arith.addi %mul3A_2, %add3A_23 : i32
    "tpu.region"() ({
      %run_scoped3A = tpu.sem_alloc : memref<!tpu.dma_semaphore, #tpu.memory_space<semaphore_mem>>
      %dma_start3A = arith.constant 0 : i32
      %dma_start3A_39 = arith.constant 0 : i32
      %dma_start3A_40 = tpu.memref_slice %arg10[%dma_start3A, %dma_start3A_39] : memref<128x128xf32, #tpu.memory_space<vmem>> -> memref<128x128xf32, #tpu.memory_space<vmem>>
      %dma_start3A_41 = arith.constant 0 : i32
      %dma_start3A_42 = tpu.memref_slice %arg7[%add3A_24, %dma_start3A_41] : memref<10112x128xf32, #tpu.memory_space<vmem_shared>> -> memref<128x128xf32, #tpu.memory_space<vmem_shared>>
      %dma_start3A_43 = arith.constant 0 : i32
      %dma_start3A_44 = arith.constant 0 : i32
      %dma_start3A_45 = tpu.memref_slice %arg10[%dma_start3A_43, %dma_start3A_44] : memref<128x128xf32, #tpu.memory_space<vmem>> -> memref<128x128xf32, #tpu.memory_space<vmem>>
      %dma_start3A_46 = arith.constant 0 : i32
      %dma_start3A_47 = tpu.memref_slice %arg7[%add3A_24, %dma_start3A_46] : memref<10112x128xf32, #tpu.memory_space<vmem_shared>> -> memref<128x128xf32, #tpu.memory_space<vmem_shared>>
      tpu.enqueue_dma source(%dma_start3A_47 : memref<128x128xf32, #tpu.memory_space<vmem_shared>>) target(%dma_start3A_45 : memref<128x128xf32, #tpu.memory_space<vmem>>) target_semaphore(%run_scoped3A : memref<!tpu.dma_semaphore, #tpu.memory_space<semaphore_mem>>)
      %dma_wait3A = arith.constant 0 : i32
      %dma_wait3A_48 = arith.constant 0 : i32
      %dma_wait3A_49 = tpu.memref_slice %arg10[%dma_wait3A, %dma_wait3A_48] : memref<128x128xf32, #tpu.memory_space<vmem>> -> memref<128x128xf32, #tpu.memory_space<vmem>>
      %dma_wait3A_50 = arith.constant 0 : i32
      %dma_wait3A_51 = tpu.memref_slice %arg7[%add3A_24, %dma_wait3A_50] : memref<10112x128xf32, #tpu.memory_space<vmem_shared>> -> memref<128x128xf32, #tpu.memory_space<vmem_shared>>
      %dma_wait3A_52 = arith.constant 0 : i32
      %dma_wait3A_53 = arith.constant 0 : i32
      %dma_wait3A_54 = tpu.memref_slice %arg10[%dma_wait3A_52, %dma_wait3A_53] : memref<128x128xf32, #tpu.memory_space<vmem>> -> memref<128x128xf32, #tpu.memory_space<vmem>>
      %dma_wait3A_55 = arith.constant 0 : i32
      %dma_wait3A_56 = tpu.memref_slice %arg7[%add3A_24, %dma_wait3A_55] : memref<10112x128xf32, #tpu.memory_space<vmem_shared>> -> memref<128x128xf32, #tpu.memory_space<vmem_shared>>
      tpu.wait_dma2 semaphore(%run_scoped3A : memref<!tpu.dma_semaphore, #tpu.memory_space<semaphore_mem>>) src(%dma_wait3A_56 : memref<128x128xf32, #tpu.memory_space<vmem_shared>>) dst(%dma_wait3A_54 : memref<128x128xf32, #tpu.memory_space<vmem>>)
      tpu.yield
    }) : () -> ()
    %add3A_25 = arith.constant 128 : i32
    %add3A_26 = arith.addi %mul3A_2, %add3A_25 : i32
    "tpu.region"() ({
      %run_scoped3A = tpu.sem_alloc : memref<!tpu.dma_semaphore, #tpu.memory_space<semaphore_mem>>
      %dma_start3A = arith.constant 0 : i32
      %dma_start3A_39 = arith.constant 0 : i32
      %dma_start3A_40 = tpu.memref_slice %arg10[%dma_start3A, %dma_start3A_39] : memref<128x128xf32, #tpu.memory_space<vmem>> -> memref<128x128xf32, #tpu.memory_space<vmem>>
      %dma_start3A_41 = arith.constant 0 : i32
      %dma_start3A_42 = tpu.memref_slice %arg6[%arg0, %add3A_26, %dma_start3A_41] : memref<2x10112x128xf32, #tpu.memory_space<hbm>> -> memref<1x128x128xf32, #tpu.memory_space<hbm>>
      %dma_start3A_43 = tpu.memref_squeeze %dma_start3A_42 : memref<1x128x128xf32, #tpu.memory_space<hbm>> -> memref<128x128xf32, #tpu.memory_space<hbm>>
      %dma_start3A_44 = arith.constant 0 : i32
      %dma_start3A_45 = tpu.memref_slice %arg6[%arg0, %add3A_26, %dma_start3A_44] : memref<2x10112x128xf32, #tpu.memory_space<hbm>> -> memref<1x128x128xf32, #tpu.memory_space<hbm>>
      %dma_start3A_46 = tpu.memref_squeeze %dma_start3A_45 : memref<1x128x128xf32, #tpu.memory_space<hbm>> -> memref<128x128xf32, #tpu.memory_space<hbm>>
      %dma_start3A_47 = arith.constant 0 : i32
      %dma_start3A_48 = arith.constant 0 : i32
      %dma_start3A_49 = tpu.memref_slice %arg10[%dma_start3A_47, %dma_start3A_48] : memref<128x128xf32, #tpu.memory_space<vmem>> -> memref<128x128xf32, #tpu.memory_space<vmem>>
      tpu.enqueue_dma source(%dma_start3A_49 : memref<128x128xf32, #tpu.memory_space<vmem>>) target(%dma_start3A_46 : memref<128x128xf32, #tpu.memory_space<hbm>>) target_semaphore(%run_scoped3A : memref<!tpu.dma_semaphore, #tpu.memory_space<semaphore_mem>>)
      %dma_wait3A = arith.constant 0 : i32
      %dma_wait3A_50 = arith.constant 0 : i32
      %dma_wait3A_51 = tpu.memref_slice %arg10[%dma_wait3A, %dma_wait3A_50] : memref<128x128xf32, #tpu.memory_space<vmem>> -> memref<128x128xf32, #tpu.memory_space<vmem>>
      %dma_wait3A_52 = arith.constant 0 : i32
      %dma_wait3A_53 = tpu.memref_slice %arg6[%arg0, %add3A_26, %dma_wait3A_52] : memref<2x10112x128xf32, #tpu.memory_space<hbm>> -> memref<1x128x128xf32, #tpu.memory_space<hbm>>
      %dma_wait3A_54 = tpu.memref_squeeze %dma_wait3A_53 : memref<1x128x128xf32, #tpu.memory_space<hbm>> -> memref<128x128xf32, #tpu.memory_space<hbm>>
      %dma_wait3A_55 = arith.constant 0 : i32
      %dma_wait3A_56 = tpu.memref_slice %arg6[%arg0, %add3A_26, %dma_wait3A_55] : memref<2x10112x128xf32, #tpu.memory_space<hbm>> -> memref<1x128x128xf32, #tpu.memory_space<hbm>>
      %dma_wait3A_57 = tpu.memref_squeeze %dma_wait3A_56 : memref<1x128x128xf32, #tpu.memory_space<hbm>> -> memref<128x128xf32, #tpu.memory_space<hbm>>
      %dma_wait3A_58 = arith.constant 0 : i32
      %dma_wait3A_59 = arith.constant 0 : i32
      %dma_wait3A_60 = tpu.memref_slice %arg10[%dma_wait3A_58, %dma_wait3A_59] : memref<128x128xf32, #tpu.memory_space<vmem>> -> memref<128x128xf32, #tpu.memory_space<vmem>>
      tpu.wait_dma2 semaphore(%run_scoped3A : memref<!tpu.dma_semaphore, #tpu.memory_space<semaphore_mem>>) src(%dma_wait3A_60 : memref<128x128xf32, #tpu.memory_space<vmem>>) dst(%dma_wait3A_57 : memref<128x128xf32, #tpu.memory_space<hbm>>)
      tpu.yield
    }) : () -> ()
    %add3A_27 = arith.constant 256 : i32
    %add3A_28 = arith.addi %mul3A_2, %add3A_27 : i32
    "tpu.region"() ({
      %run_scoped3A = tpu.sem_alloc : memref<!tpu.dma_semaphore, #tpu.memory_space<semaphore_mem>>
      %dma_start3A = arith.constant 0 : i32
      %dma_start3A_39 = arith.constant 0 : i32
      %dma_start3A_40 = tpu.memref_slice %arg10[%dma_start3A, %dma_start3A_39] : memref<128x128xf32, #tpu.memory_space<vmem>> -> memref<128x128xf32, #tpu.memory_space<vmem>>
      %dma_start3A_41 = arith.constant 0 : i32
      %dma_start3A_42 = tpu.memref_slice %arg7[%add3A_28, %dma_start3A_41] : memref<10112x128xf32, #tpu.memory_space<vmem_shared>> -> memref<128x128xf32, #tpu.memory_space<vmem_shared>>
      %dma_start3A_43 = arith.constant 0 : i32
      %dma_start3A_44 = arith.constant 0 : i32
      %dma_start3A_45 = tpu.memref_slice %arg10[%dma_start3A_43, %dma_start3A_44] : memref<128x128xf32, #tpu.memory_space<vmem>> -> memref<128x128xf32, #tpu.memory_space<vmem>>
      %dma_start3A_46 = arith.constant 0 : i32
      %dma_start3A_47 = tpu.memref_slice %arg7[%add3A_28, %dma_start3A_46] : memref<10112x128xf32, #tpu.memory_space<vmem_shared>> -> memref<128x128xf32, #tpu.memory_space<vmem_shared>>
      tpu.enqueue_dma source(%dma_start3A_47 : memref<128x128xf32, #tpu.memory_space<vmem_shared>>) target(%dma_start3A_45 : memref<128x128xf32, #tpu.memory_space<vmem>>) target_semaphore(%run_scoped3A : memref<!tpu.dma_semaphore, #tpu.memory_space<semaphore_mem>>)
      %dma_wait3A = arith.constant 0 : i32
      %dma_wait3A_48 = arith.constant 0 : i32
      %dma_wait3A_49 = tpu.memref_slice %arg10[%dma_wait3A, %dma_wait3A_48] : memref<128x128xf32, #tpu.memory_space<vmem>> -> memref<128x128xf32, #tpu.memory_space<vmem>>
      %dma_wait3A_50 = arith.constant 0 : i32
      %dma_wait3A_51 = tpu.memref_slice %arg7[%add3A_28, %dma_wait3A_50] : memref<10112x128xf32, #tpu.memory_space<vmem_shared>> -> memref<128x128xf32, #tpu.memory_space<vmem_shared>>
      %dma_wait3A_52 = arith.constant 0 : i32
      %dma_wait3A_53 = arith.constant 0 : i32
      %dma_wait3A_54 = tpu.memref_slice %arg10[%dma_wait3A_52, %dma_wait3A_53] : memref<128x128xf32, #tpu.memory_space<vmem>> -> memref<128x128xf32, #tpu.memory_space<vmem>>
      %dma_wait3A_55 = arith.constant 0 : i32
      %dma_wait3A_56 = tpu.memref_slice %arg7[%add3A_28, %dma_wait3A_55] : memref<10112x128xf32, #tpu.memory_space<vmem_shared>> -> memref<128x128xf32, #tpu.memory_space<vmem_shared>>
      tpu.wait_dma2 semaphore(%run_scoped3A : memref<!tpu.dma_semaphore, #tpu.memory_space<semaphore_mem>>) src(%dma_wait3A_56 : memref<128x128xf32, #tpu.memory_space<vmem_shared>>) dst(%dma_wait3A_54 : memref<128x128xf32, #tpu.memory_space<vmem>>)
      tpu.yield
    }) : () -> ()
    %add3A_29 = arith.constant 256 : i32
    %add3A_30 = arith.addi %mul3A_2, %add3A_29 : i32
    "tpu.region"() ({
      %run_scoped3A = tpu.sem_alloc : memref<!tpu.dma_semaphore, #tpu.memory_space<semaphore_mem>>
      %dma_start3A = arith.constant 0 : i32
      %dma_start3A_39 = arith.constant 0 : i32
      %dma_start3A_40 = tpu.memref_slice %arg10[%dma_start3A, %dma_start3A_39] : memref<128x128xf32, #tpu.memory_space<vmem>> -> memref<128x128xf32, #tpu.memory_space<vmem>>
      %dma_start3A_41 = arith.constant 0 : i32
      %dma_start3A_42 = tpu.memref_slice %arg6[%arg0, %add3A_30, %dma_start3A_41] : memref<2x10112x128xf32, #tpu.memory_space<hbm>> -> memref<1x128x128xf32, #tpu.memory_space<hbm>>
      %dma_start3A_43 = tpu.memref_squeeze %dma_start3A_42 : memref<1x128x128xf32, #tpu.memory_space<hbm>> -> memref<128x128xf32, #tpu.memory_space<hbm>>
      %dma_start3A_44 = arith.constant 0 : i32
      %dma_start3A_45 = tpu.memref_slice %arg6[%arg0, %add3A_30, %dma_start3A_44] : memref<2x10112x128xf32, #tpu.memory_space<hbm>> -> memref<1x128x128xf32, #tpu.memory_space<hbm>>
      %dma_start3A_46 = tpu.memref_squeeze %dma_start3A_45 : memref<1x128x128xf32, #tpu.memory_space<hbm>> -> memref<128x128xf32, #tpu.memory_space<hbm>>
      %dma_start3A_47 = arith.constant 0 : i32
      %dma_start3A_48 = arith.constant 0 : i32
      %dma_start3A_49 = tpu.memref_slice %arg10[%dma_start3A_47, %dma_start3A_48] : memref<128x128xf32, #tpu.memory_space<vmem>> -> memref<128x128xf32, #tpu.memory_space<vmem>>
      tpu.enqueue_dma source(%dma_start3A_49 : memref<128x128xf32, #tpu.memory_space<vmem>>) target(%dma_start3A_46 : memref<128x128xf32, #tpu.memory_space<hbm>>) target_semaphore(%run_scoped3A : memref<!tpu.dma_semaphore, #tpu.memory_space<semaphore_mem>>)
      %dma_wait3A = arith.constant 0 : i32
      %dma_wait3A_50 = arith.constant 0 : i32
      %dma_wait3A_51 = tpu.memref_slice %arg10[%dma_wait3A, %dma_wait3A_50] : memref<128x128xf32, #tpu.memory_space<vmem>> -> memref<128x128xf32, #tpu.memory_space<vmem>>
      %dma_wait3A_52 = arith.constant 0 : i32
      %dma_wait3A_53 = tpu.memref_slice %arg6[%arg0, %add3A_30, %dma_wait3A_52] : memref<2x10112x128xf32, #tpu.memory_space<hbm>> -> memref<1x128x128xf32, #tpu.memory_space<hbm>>
      %dma_wait3A_54 = tpu.memref_squeeze %dma_wait3A_53 : memref<1x128x128xf32, #tpu.memory_space<hbm>> -> memref<128x128xf32, #tpu.memory_space<hbm>>
      %dma_wait3A_55 = arith.constant 0 : i32
      %dma_wait3A_56 = tpu.memref_slice %arg6[%arg0, %add3A_30, %dma_wait3A_55] : memref<2x10112x128xf32, #tpu.memory_space<hbm>> -> memref<1x128x128xf32, #tpu.memory_space<hbm>>
      %dma_wait3A_57 = tpu.memref_squeeze %dma_wait3A_56 : memref<1x128x128xf32, #tpu.memory_space<hbm>> -> memref<128x128xf32, #tpu.memory_space<hbm>>
      %dma_wait3A_58 = arith.constant 0 : i32
      %dma_wait3A_59 = arith.constant 0 : i32
      %dma_wait3A_60 = tpu.memref_slice %arg10[%dma_wait3A_58, %dma_wait3A_59] : memref<128x128xf32, #tpu.memory_space<vmem>> -> memref<128x128xf32, #tpu.memory_space<vmem>>
      tpu.wait_dma2 semaphore(%run_scoped3A : memref<!tpu.dma_semaphore, #tpu.memory_space<semaphore_mem>>) src(%dma_wait3A_60 : memref<128x128xf32, #tpu.memory_space<vmem>>) dst(%dma_wait3A_57 : memref<128x128xf32, #tpu.memory_space<hbm>>)
      tpu.yield
    }) : () -> ()
    %add3A_31 = arith.constant 384 : i32
    %add3A_32 = arith.addi %mul3A_2, %add3A_31 : i32
    "tpu.region"() ({
      %run_scoped3A = tpu.sem_alloc : memref<!tpu.dma_semaphore, #tpu.memory_space<semaphore_mem>>
      %dma_start3A = arith.constant 0 : i32
      %dma_start3A_39 = arith.constant 0 : i32
      %dma_start3A_40 = tpu.memref_slice %arg10[%dma_start3A, %dma_start3A_39] : memref<128x128xf32, #tpu.memory_space<vmem>> -> memref<128x128xf32, #tpu.memory_space<vmem>>
      %dma_start3A_41 = arith.constant 0 : i32
      %dma_start3A_42 = tpu.memref_slice %arg7[%add3A_32, %dma_start3A_41] : memref<10112x128xf32, #tpu.memory_space<vmem_shared>> -> memref<128x128xf32, #tpu.memory_space<vmem_shared>>
      %dma_start3A_43 = arith.constant 0 : i32
      %dma_start3A_44 = arith.constant 0 : i32
      %dma_start3A_45 = tpu.memref_slice %arg10[%dma_start3A_43, %dma_start3A_44] : memref<128x128xf32, #tpu.memory_space<vmem>> -> memref<128x128xf32, #tpu.memory_space<vmem>>
      %dma_start3A_46 = arith.constant 0 : i32
      %dma_start3A_47 = tpu.memref_slice %arg7[%add3A_32, %dma_start3A_46] : memref<10112x128xf32, #tpu.memory_space<vmem_shared>> -> memref<128x128xf32, #tpu.memory_space<vmem_shared>>
      tpu.enqueue_dma source(%dma_start3A_47 : memref<128x128xf32, #tpu.memory_space<vmem_shared>>) target(%dma_start3A_45 : memref<128x128xf32, #tpu.memory_space<vmem>>) target_semaphore(%run_scoped3A : memref<!tpu.dma_semaphore, #tpu.memory_space<semaphore_mem>>)
      %dma_wait3A = arith.constant 0 : i32
      %dma_wait3A_48 = arith.constant 0 : i32
      %dma_wait3A_49 = tpu.memref_slice %arg10[%dma_wait3A, %dma_wait3A_48] : memref<128x128xf32, #tpu.memory_space<vmem>> -> memref<128x128xf32, #tpu.memory_space<vmem>>
      %dma_wait3A_50 = arith.constant 0 : i32
      %dma_wait3A_51 = tpu.memref_slice %arg7[%add3A_32, %dma_wait3A_50] : memref<10112x128xf32, #tpu.memory_space<vmem_shared>> -> memref<128x128xf32, #tpu.memory_space<vmem_shared>>
      %dma_wait3A_52 = arith.constant 0 : i32
      %dma_wait3A_53 = arith.constant 0 : i32
      %dma_wait3A_54 = tpu.memref_slice %arg10[%dma_wait3A_52, %dma_wait3A_53] : memref<128x128xf32, #tpu.memory_space<vmem>> -> memref<128x128xf32, #tpu.memory_space<vmem>>
      %dma_wait3A_55 = arith.constant 0 : i32
      %dma_wait3A_56 = tpu.memref_slice %arg7[%add3A_32, %dma_wait3A_55] : memref<10112x128xf32, #tpu.memory_space<vmem_shared>> -> memref<128x128xf32, #tpu.memory_space<vmem_shared>>
      tpu.wait_dma2 semaphore(%run_scoped3A : memref<!tpu.dma_semaphore, #tpu.memory_space<semaphore_mem>>) src(%dma_wait3A_56 : memref<128x128xf32, #tpu.memory_space<vmem_shared>>) dst(%dma_wait3A_54 : memref<128x128xf32, #tpu.memory_space<vmem>>)
      tpu.yield
    }) : () -> ()
    %add3A_33 = arith.constant 384 : i32
    %add3A_34 = arith.addi %mul3A_2, %add3A_33 : i32
    "tpu.region"() ({
      %run_scoped3A = tpu.sem_alloc : memref<!tpu.dma_semaphore, #tpu.memory_space<semaphore_mem>>
      %dma_start3A = arith.constant 0 : i32
      %dma_start3A_39 = arith.constant 0 : i32
      %dma_start3A_40 = tpu.memref_slice %arg10[%dma_start3A, %dma_start3A_39] : memref<128x128xf32, #tpu.memory_space<vmem>> -> memref<128x128xf32, #tpu.memory_space<vmem>>
      %dma_start3A_41 = arith.constant 0 : i32
      %dma_start3A_42 = tpu.memref_slice %arg6[%arg0, %add3A_34, %dma_start3A_41] : memref<2x10112x128xf32, #tpu.memory_space<hbm>> -> memref<1x128x128xf32, #tpu.memory_space<hbm>>
      %dma_start3A_43 = tpu.memref_squeeze %dma_start3A_42 : memref<1x128x128xf32, #tpu.memory_space<hbm>> -> memref<128x128xf32, #tpu.memory_space<hbm>>
      %dma_start3A_44 = arith.constant 0 : i32
      %dma_start3A_45 = tpu.memref_slice %arg6[%arg0, %add3A_34, %dma_start3A_44] : memref<2x10112x128xf32, #tpu.memory_space<hbm>> -> memref<1x128x128xf32, #tpu.memory_space<hbm>>
      %dma_start3A_46 = tpu.memref_squeeze %dma_start3A_45 : memref<1x128x128xf32, #tpu.memory_space<hbm>> -> memref<128x128xf32, #tpu.memory_space<hbm>>
      %dma_start3A_47 = arith.constant 0 : i32
      %dma_start3A_48 = arith.constant 0 : i32
      %dma_start3A_49 = tpu.memref_slice %arg10[%dma_start3A_47, %dma_start3A_48] : memref<128x128xf32, #tpu.memory_space<vmem>> -> memref<128x128xf32, #tpu.memory_space<vmem>>
      tpu.enqueue_dma source(%dma_start3A_49 : memref<128x128xf32, #tpu.memory_space<vmem>>) target(%dma_start3A_46 : memref<128x128xf32, #tpu.memory_space<hbm>>) target_semaphore(%run_scoped3A : memref<!tpu.dma_semaphore, #tpu.memory_space<semaphore_mem>>)
      %dma_wait3A = arith.constant 0 : i32
      %dma_wait3A_50 = arith.constant 0 : i32
      %dma_wait3A_51 = tpu.memref_slice %arg10[%dma_wait3A, %dma_wait3A_50] : memref<128x128xf32, #tpu.memory_space<vmem>> -> memref<128x128xf32, #tpu.memory_space<vmem>>
      %dma_wait3A_52 = arith.constant 0 : i32
      %dma_wait3A_53 = tpu.memref_slice %arg6[%arg0, %add3A_34, %dma_wait3A_52] : memref<2x10112x128xf32, #tpu.memory_space<hbm>> -> memref<1x128x128xf32, #tpu.memory_space<hbm>>
      %dma_wait3A_54 = tpu.memref_squeeze %dma_wait3A_53 : memref<1x128x128xf32, #tpu.memory_space<hbm>> -> memref<128x128xf32, #tpu.memory_space<hbm>>
      %dma_wait3A_55 = arith.constant 0 : i32
      %dma_wait3A_56 = tpu.memref_slice %arg6[%arg0, %add3A_34, %dma_wait3A_55] : memref<2x10112x128xf32, #tpu.memory_space<hbm>> -> memref<1x128x128xf32, #tpu.memory_space<hbm>>
      %dma_wait3A_57 = tpu.memref_squeeze %dma_wait3A_56 : memref<1x128x128xf32, #tpu.memory_space<hbm>> -> memref<128x128xf32, #tpu.memory_space<hbm>>
      %dma_wait3A_58 = arith.constant 0 : i32
      %dma_wait3A_59 = arith.constant 0 : i32
      %dma_wait3A_60 = tpu.memref_slice %arg10[%dma_wait3A_58, %dma_wait3A_59] : memref<128x128xf32, #tpu.memory_space<vmem>> -> memref<128x128xf32, #tpu.memory_space<vmem>>
      tpu.wait_dma2 semaphore(%run_scoped3A : memref<!tpu.dma_semaphore, #tpu.memory_space<semaphore_mem>>) src(%dma_wait3A_60 : memref<128x128xf32, #tpu.memory_space<vmem>>) dst(%dma_wait3A_57 : memref<128x128xf32, #tpu.memory_space<hbm>>)
      tpu.yield
    }) : () -> ()
    %add3A_35 = arith.constant 512 : i32
    %add3A_36 = arith.addi %mul3A_2, %add3A_35 : i32
    "tpu.region"() ({
      %run_scoped3A = tpu.sem_alloc : memref<!tpu.dma_semaphore, #tpu.memory_space<semaphore_mem>>
      %dma_start3A = arith.constant 0 : i32
      %dma_start3A_39 = arith.constant 0 : i32
      %dma_start3A_40 = tpu.memref_slice %arg10[%dma_start3A, %dma_start3A_39] : memref<128x128xf32, #tpu.memory_space<vmem>> -> memref<120x128xf32, #tpu.memory_space<vmem>>
      %dma_start3A_41 = arith.constant 0 : i32
      %dma_start3A_42 = tpu.memref_slice %arg7[%add3A_36, %dma_start3A_41] : memref<10112x128xf32, #tpu.memory_space<vmem_shared>> -> memref<120x128xf32, #tpu.memory_space<vmem_shared>>
      %dma_start3A_43 = arith.constant 0 : i32
      %dma_start3A_44 = arith.constant 0 : i32
      %dma_start3A_45 = tpu.memref_slice %arg10[%dma_start3A_43, %dma_start3A_44] : memref<128x128xf32, #tpu.memory_space<vmem>> -> memref<120x128xf32, #tpu.memory_space<vmem>>
      %dma_start3A_46 = arith.constant 0 : i32
      %dma_start3A_47 = tpu.memref_slice %arg7[%add3A_36, %dma_start3A_46] : memref<10112x128xf32, #tpu.memory_space<vmem_shared>> -> memref<120x128xf32, #tpu.memory_space<vmem_shared>>
      tpu.enqueue_dma source(%dma_start3A_47 : memref<120x128xf32, #tpu.memory_space<vmem_shared>>) target(%dma_start3A_45 : memref<120x128xf32, #tpu.memory_space<vmem>>) target_semaphore(%run_scoped3A : memref<!tpu.dma_semaphore, #tpu.memory_space<semaphore_mem>>)
      %dma_wait3A = arith.constant 0 : i32
      %dma_wait3A_48 = arith.constant 0 : i32
      %dma_wait3A_49 = tpu.memref_slice %arg10[%dma_wait3A, %dma_wait3A_48] : memref<128x128xf32, #tpu.memory_space<vmem>> -> memref<120x128xf32, #tpu.memory_space<vmem>>
      %dma_wait3A_50 = arith.constant 0 : i32
      %dma_wait3A_51 = tpu.memref_slice %arg7[%add3A_36, %dma_wait3A_50] : memref<10112x128xf32, #tpu.memory_space<vmem_shared>> -> memref<120x128xf32, #tpu.memory_space<vmem_shared>>
      %dma_wait3A_52 = arith.constant 0 : i32
      %dma_wait3A_53 = arith.constant 0 : i32
      %dma_wait3A_54 = tpu.memref_slice %arg10[%dma_wait3A_52, %dma_wait3A_53] : memref<128x128xf32, #tpu.memory_space<vmem>> -> memref<120x128xf32, #tpu.memory_space<vmem>>
      %dma_wait3A_55 = arith.constant 0 : i32
      %dma_wait3A_56 = tpu.memref_slice %arg7[%add3A_36, %dma_wait3A_55] : memref<10112x128xf32, #tpu.memory_space<vmem_shared>> -> memref<120x128xf32, #tpu.memory_space<vmem_shared>>
      tpu.wait_dma2 semaphore(%run_scoped3A : memref<!tpu.dma_semaphore, #tpu.memory_space<semaphore_mem>>) src(%dma_wait3A_56 : memref<120x128xf32, #tpu.memory_space<vmem_shared>>) dst(%dma_wait3A_54 : memref<120x128xf32, #tpu.memory_space<vmem>>)
      tpu.yield
    }) : () -> ()
    %add3A_37 = arith.constant 512 : i32
    %add3A_38 = arith.addi %mul3A_2, %add3A_37 : i32
    "tpu.region"() ({
      %run_scoped3A = tpu.sem_alloc : memref<!tpu.dma_semaphore, #tpu.memory_space<semaphore_mem>>
      %dma_start3A = arith.constant 0 : i32
      %dma_start3A_39 = arith.constant 0 : i32
      %dma_start3A_40 = tpu.memref_slice %arg10[%dma_start3A, %dma_start3A_39] : memref<128x128xf32, #tpu.memory_space<vmem>> -> memref<120x128xf32, #tpu.memory_space<vmem>>
      %dma_start3A_41 = arith.constant 0 : i32
      %dma_start3A_42 = tpu.memref_slice %arg6[%arg0, %add3A_38, %dma_start3A_41] : memref<2x10112x128xf32, #tpu.memory_space<hbm>> -> memref<1x120x128xf32, #tpu.memory_space<hbm>>
      %dma_start3A_43 = tpu.memref_squeeze %dma_start3A_42 : memref<1x120x128xf32, #tpu.memory_space<hbm>> -> memref<120x128xf32, #tpu.memory_space<hbm>>
      %dma_start3A_44 = arith.constant 0 : i32
      %dma_start3A_45 = tpu.memref_slice %arg6[%arg0, %add3A_38, %dma_start3A_44] : memref<2x10112x128xf32, #tpu.memory_space<hbm>> -> memref<1x120x128xf32, #tpu.memory_space<hbm>>
      %dma_start3A_46 = tpu.memref_squeeze %dma_start3A_45 : memref<1x120x128xf32, #tpu.memory_space<hbm>> -> memref<120x128xf32, #tpu.memory_space<hbm>>
      %dma_start3A_47 = arith.constant 0 : i32
      %dma_start3A_48 = arith.constant 0 : i32
      %dma_start3A_49 = tpu.memref_slice %arg10[%dma_start3A_47, %dma_start3A_48] : memref<128x128xf32, #tpu.memory_space<vmem>> -> memref<120x128xf32, #tpu.memory_space<vmem>>
      tpu.enqueue_dma source(%dma_start3A_49 : memref<120x128xf32, #tpu.memory_space<vmem>>) target(%dma_start3A_46 : memref<120x128xf32, #tpu.memory_space<hbm>>) target_semaphore(%run_scoped3A : memref<!tpu.dma_semaphore, #tpu.memory_space<semaphore_mem>>)
      %dma_wait3A = arith.constant 0 : i32
      %dma_wait3A_50 = arith.constant 0 : i32
      %dma_wait3A_51 = tpu.memref_slice %arg10[%dma_wait3A, %dma_wait3A_50] : memref<128x128xf32, #tpu.memory_space<vmem>> -> memref<120x128xf32, #tpu.memory_space<vmem>>
      %dma_wait3A_52 = arith.constant 0 : i32
      %dma_wait3A_53 = tpu.memref_slice %arg6[%arg0, %add3A_38, %dma_wait3A_52] : memref<2x10112x128xf32, #tpu.memory_space<hbm>> -> memref<1x120x128xf32, #tpu.memory_space<hbm>>
      %dma_wait3A_54 = tpu.memref_squeeze %dma_wait3A_53 : memref<1x120x128xf32, #tpu.memory_space<hbm>> -> memref<120x128xf32, #tpu.memory_space<hbm>>
      %dma_wait3A_55 = arith.constant 0 : i32
      %dma_wait3A_56 = tpu.memref_slice %arg6[%arg0, %add3A_38, %dma_wait3A_55] : memref<2x10112x128xf32, #tpu.memory_space<hbm>> -> memref<1x120x128xf32, #tpu.memory_space<hbm>>
      %dma_wait3A_57 = tpu.memref_squeeze %dma_wait3A_56 : memref<1x120x128xf32, #tpu.memory_space<hbm>> -> memref<120x128xf32, #tpu.memory_space<hbm>>
      %dma_wait3A_58 = arith.constant 0 : i32
      %dma_wait3A_59 = arith.constant 0 : i32
      %dma_wait3A_60 = tpu.memref_slice %arg10[%dma_wait3A_58, %dma_wait3A_59] : memref<128x128xf32, #tpu.memory_space<vmem>> -> memref<120x128xf32, #tpu.memory_space<vmem>>
      tpu.wait_dma2 semaphore(%run_scoped3A : memref<!tpu.dma_semaphore, #tpu.memory_space<semaphore_mem>>) src(%dma_wait3A_60 : memref<120x128xf32, #tpu.memory_space<vmem>>) dst(%dma_wait3A_57 : memref<120x128xf32, #tpu.memory_space<hbm>>)
      tpu.yield
    }) : () -> ()
    return
  }
}

module attributes {stable_mosaic.version = 14 : i64} {
  func.func @body(%arg0: i32, %arg1: memref<2x1000x128xf32, #tpu.memory_space<vmem>>, %arg2: memref<1000x1xf32, #tpu.memory_space<vmem>>, %arg3: memref<1000x128xf32, #tpu.memory_space<vmem>>, %arg4: memref<128x128xf32, #tpu.memory_space<vmem>>, %arg5: memref<1x128xf32, #tpu.memory_space<vmem>>, %arg6: memref<128x128xf32, #tpu.memory_space<vmem>>, %arg7: memref<1000x128xf32, #tpu.memory_space<vmem>>) attributes {dimension_semantics = [#tpu.dimension_semantics<arbitrary>], iteration_bounds = array<i64: 10>, scalar_prefetch = 0 : i64, scratch_operands = 0 : i64, tpu.core_type = #tpu.core_type<tc>, window_params = [{transform_indices = @transform_0, window_bounds = array<i64: 2, 1000, 128>}, {transform_indices = @transform_1, window_bounds = array<i64: 1000, 1>}, {transform_indices = @transform_2, window_bounds = array<i64: 1000, 128>}, {pipeline_mode = #tpu.pipeline_mode<synchronous>, transform_indices = @transform_3, window_bounds = array<i64: 128, 128>}, {pipeline_mode = #tpu.pipeline_mode<synchronous>, transform_indices = @transform_4, window_bounds = array<i64: 1, 128>}, {pipeline_mode = #tpu.pipeline_mode<synchronous>, transform_indices = @transform_5, window_bounds = array<i64: 128, 128>}, {transform_indices = @transform_6, window_bounds = array<i64: 1000, 128>}]} {
    %get3A = arith.constant 0 : index
    %get3A_0 = arith.constant 0 : index
    %get3A_1 = arith.constant 0 : index
    %get3A_2 = vector.load %arg1[%get3A, %get3A_0, %get3A_1] : memref<2x1000x128xf32, #tpu.memory_space<vmem>>, vector<1x1000x128xf32>
    %get3A_3 = vector.shape_cast %get3A_2 : vector<1x1000x128xf32> to vector<1000x128xf32>
    %get3A_4 = arith.constant 1 : index
    %get3A_5 = arith.constant 0 : index
    %get3A_6 = arith.constant 0 : index
    %get3A_7 = vector.load %arg1[%get3A_4, %get3A_5, %get3A_6] : memref<2x1000x128xf32, #tpu.memory_space<vmem>>, vector<1x1000x128xf32>
    %get3A_8 = vector.shape_cast %get3A_7 : vector<1x1000x128xf32> to vector<1000x128xf32>
    %add3A = arith.addf %get3A_3, %get3A_8 : vector<1000x128xf32>
    %get3A_9 = arith.constant 0 : index
    %get3A_10 = arith.constant 0 : index
    %get3A_11 = vector.load %arg2[%get3A_9, %get3A_10] : memref<1000x1xf32, #tpu.memory_space<vmem>>, vector<1000x1xf32>
    %mul3A = vector.broadcast %get3A_11 : vector<1000x1xf32> to vector<1000x128xf32>
    %mul3A_12 = arith.mulf %add3A, %mul3A : vector<1000x128xf32>
    %get3A_13 = arith.constant 0 : index
    %get3A_14 = arith.constant 0 : index
    %get3A_15 = vector.load %arg4[%get3A_13, %get3A_14] : memref<128x128xf32, #tpu.memory_space<vmem>>, vector<128x128xf32>
    %dot_general3A = arith.constant dense<0.000000e+00> : vector<1000x128xf32>
    %dot_general3A_16 = tpu.matmul %mul3A_12, %get3A_15, %dot_general3A {dimension_numbers = #tpu.dot_dimension_numbers<[1], [1], [0], [0], [0, 0, 1, 0], [], []>, transpose_lhs_hint = false} : vector<1000x128xf32>, vector<128x128xf32>, vector<1000x128xf32> -> vector<1000x128xf32>
    %get3A_17 = arith.constant 0 : index
    %get3A_18 = arith.constant 0 : index
    %get3A_19 = vector.load %arg5[%get3A_17, %get3A_18] : memref<1x128xf32, #tpu.memory_space<vmem>>, vector<1x128xf32>
    %add3A_20 = vector.broadcast %get3A_19 : vector<1x128xf32> to vector<1000x128xf32>
    %add3A_21 = arith.addf %dot_general3A_16, %add3A_20 : vector<1000x128xf32>
    %get3A_22 = arith.constant 0 : index
    %get3A_23 = arith.constant 0 : index
    %get3A_24 = vector.load %arg3[%get3A_22, %get3A_23] : memref<1000x128xf32, #tpu.memory_space<vmem>>, vector<1000x128xf32>
    %get3A_25 = arith.constant 0 : index
    %get3A_26 = arith.constant 0 : index
    %get3A_27 = vector.load %arg6[%get3A_25, %get3A_26] : memref<128x128xf32, #tpu.memory_space<vmem>>, vector<128x128xf32>
    %dot_general3A_28 = arith.constant dense<0.000000e+00> : vector<1000x128xf32>
    %dot_general3A_29 = tpu.matmul %get3A_24, %get3A_27, %dot_general3A_28 {dimension_numbers = #tpu.dot_dimension_numbers<[1], [1], [0], [0], [0, 0, 1, 0], [], []>, transpose_lhs_hint = false} : vector<1000x128xf32>, vector<128x128xf32>, vector<1000x128xf32> -> vector<1000x128xf32>
    %add3A_30 = arith.addf %add3A_21, %dot_general3A_29 : vector<1000x128xf32>
    %integer_pow3A = arith.mulf %add3A_30, %add3A_30 : vector<1000x128xf32>
    %integer_pow3A_31 = arith.mulf %add3A_30, %integer_pow3A : vector<1000x128xf32>
    %mul3A_32 = arith.constant 4.471500e-02 : f32
    %mul3A_33 = vector.broadcast %mul3A_32 : f32 to vector<1000x128xf32>
    %mul3A_34 = arith.mulf %mul3A_33, %integer_pow3A_31 : vector<1000x128xf32>
    %add3A_35 = arith.addf %add3A_30, %mul3A_34 : vector<1000x128xf32>
    %mul3A_36 = arith.constant 0.797884583 : f32
    %mul3A_37 = vector.broadcast %mul3A_36 : f32 to vector<1000x128xf32>
    %mul3A_38 = arith.mulf %mul3A_37, %add3A_35 : vector<1000x128xf32>
    %tanh3A = math.tanh %mul3A_38 : vector<1000x128xf32>
    %add3A_39 = arith.constant 1.000000e+00 : f32
    %add3A_40 = vector.broadcast %add3A_39 : f32 to vector<1000x128xf32>
    %add3A_41 = arith.addf %add3A_40, %tanh3A : vector<1000x128xf32>
    %mul3A_42 = arith.constant 5.000000e-01 : f32
    %mul3A_43 = vector.broadcast %mul3A_42 : f32 to vector<1000x128xf32>
    %mul3A_44 = arith.mulf %mul3A_43, %add3A_41 : vector<1000x128xf32>
    %mul3A_45 = arith.mulf %add3A_30, %mul3A_44 : vector<1000x128xf32>
    %swap3A = arith.constant 0 : index
    %swap3A_46 = arith.constant 0 : index
    %swap3A_47 = vector.load %arg7[%swap3A, %swap3A_46] : memref<1000x128xf32, #tpu.memory_space<vmem>>, vector<1000x128xf32>
    tpu.vector_store %arg7[%swap3A, %swap3A_46], %mul3A_45 {strides = array<i32>} : memref<1000x128xf32, #tpu.memory_space<vmem>>, vector<1000x128xf32>,
    return
  }
  func.func @transform_0(%arg0: i32) -> (i32, i32, i32) {
    %c0_i32 = arith.constant 0 : i32
    %c0_i32_0 = arith.constant 0 : i32
    %c0_i32_1 = arith.constant 0 : i32
    return %c0_i32, %arg0, %c0_i32_0 : i32, i32, i32
  }
  func.func @transform_1(%arg0: i32) -> (i32, i32) {
    %c0_i32 = arith.constant 0 : i32
    %c0_i32_0 = arith.constant 0 : i32
    return %arg0, %c0_i32 : i32, i32
  }
  func.func @transform_2(%arg0: i32) -> (i32, i32) {
    %c0_i32 = arith.constant 0 : i32
    %c0_i32_0 = arith.constant 0 : i32
    return %arg0, %c0_i32 : i32, i32
  }
  func.func @transform_3(%arg0: i32) -> (i32, i32) {
    %c0_i32 = arith.constant 0 : i32
    %c0_i32_0 = arith.constant 0 : i32
    %c0_i32_1 = arith.constant 0 : i32
    return %c0_i32, %c0_i32_0 : i32, i32
  }
  func.func @transform_4(%arg0: i32) -> (i32, i32) {
    %c0_i32 = arith.constant 0 : i32
    %c0_i32_0 = arith.constant 0 : i32
    %c0_i32_1 = arith.constant 0 : i32
    return %c0_i32, %c0_i32_0 : i32, i32
  }
  func.func @transform_5(%arg0: i32) -> (i32, i32) {
    %c0_i32 = arith.constant 0 : i32
    %c0_i32_0 = arith.constant 0 : i32
    %c0_i32_1 = arith.constant 0 : i32
    return %c0_i32, %c0_i32_0 : i32, i32
  }
  func.func @transform_6(%arg0: i32) -> (i32, i32) {
    %c0_i32 = arith.constant 0 : i32
    %c0_i32_0 = arith.constant 0 : i32
    return %arg0, %c0_i32 : i32, i32
  }
}

module attributes {stable_mosaic.version = 14 : i64} {
  func.func @body(%arg0: i32, %arg1: memref<2x1000x128xf32, #tpu.memory_space<vmem>>, %arg2: memref<1000x1xf32, #tpu.memory_space<vmem>>, %arg3: memref<1000x128xf32, #tpu.memory_space<vmem>>, %arg4: memref<1000x128xf32, #tpu.memory_space<vmem>>, %arg5: memref<1000x1xf32, #tpu.memory_space<vmem>>, %arg6: memref<128x128xf32, #tpu.memory_space<vmem>>, %arg7: memref<1x128xf32, #tpu.memory_space<vmem>>, %arg8: memref<128x128xf32, #tpu.memory_space<vmem>>, %arg9: memref<64x128xf32, #tpu.memory_space<vmem>>, %arg10: memref<64x128xf32, #tpu.memory_space<vmem>>, %arg11: memref<64x128xf32, #tpu.memory_space<vmem>>) attributes {dimension_semantics = [#tpu.dimension_semantics<arbitrary>], iteration_bounds = array<i64: 10>, scalar_prefetch = 0 : i64, scratch_operands = 2 : i64, tpu.core_type = #tpu.core_type<tc>, window_params = [{transform_indices = @transform_0, window_bounds = array<i64: 2, 1000, 128>}, {transform_indices = @transform_1, window_bounds = array<i64: 1000, 1>}, {transform_indices = @transform_2, window_bounds = array<i64: 1000, 128>}, {transform_indices = @transform_3, window_bounds = array<i64: 1000, 128>}, {transform_indices = @transform_4, window_bounds = array<i64: 1000, 1>}, {pipeline_mode = #tpu.pipeline_mode<synchronous>, transform_indices = @transform_5, window_bounds = array<i64: 128, 128>}, {pipeline_mode = #tpu.pipeline_mode<synchronous>, transform_indices = @transform_6, window_bounds = array<i64: 1, 128>}, {pipeline_mode = #tpu.pipeline_mode<synchronous>, transform_indices = @transform_7, window_bounds = array<i64: 128, 128>}, {pipeline_mode = #tpu.pipeline_mode<synchronous>, transform_indices = @transform_8, window_bounds = array<i64: 64, 128>}]} {
    %eq3A = arith.constant 0 : i32
    %eq3A_0 = arith.cmpi eq, %arg0, %eq3A : i32
    %convert_element_type3A = arith.extui %eq3A_0 : i1 to i32
    %cond3A = arith.constant 0 : i32
    %cond3A_1 = arith.cmpi ne, %convert_element_type3A, %cond3A : i32
    scf.if %cond3A_1 {
      %broadcast_in_dim3A_85 = arith.constant 0.000000e+00 : f32
      %broadcast_in_dim3A_86 = vector.broadcast %broadcast_in_dim3A_85 : f32 to vector<64x128xf32>
      %swap3A_87 = arith.constant 0 : index
      %swap3A_88 = arith.constant 0 : index
      %swap3A_89 = vector.load %arg10[%swap3A_87, %swap3A_88] : memref<64x128xf32, #tpu.memory_space<vmem>>, vector<64x128xf32>
      tpu.vector_store %arg10[%swap3A_87, %swap3A_88], %broadcast_in_dim3A_86 {strides = array<i32>} : memref<64x128xf32, #tpu.memory_space<vmem>>, vector<64x128xf32>,
      %broadcast_in_dim3A_90 = arith.constant 0.000000e+00 : f32
      %broadcast_in_dim3A_91 = vector.broadcast %broadcast_in_dim3A_90 : f32 to vector<64x128xf32>
      %swap3A_92 = arith.constant 0 : index
      %swap3A_93 = arith.constant 0 : index
      %swap3A_94 = vector.load %arg11[%swap3A_92, %swap3A_93] : memref<64x128xf32, #tpu.memory_space<vmem>>, vector<64x128xf32>
      tpu.vector_store %arg11[%swap3A_92, %swap3A_93], %broadcast_in_dim3A_91 {strides = array<i32>} : memref<64x128xf32, #tpu.memory_space<vmem>>, vector<64x128xf32>,
    } else {
    }
    %get3A = arith.constant 0 : index
    %get3A_2 = arith.constant 0 : index
    %get3A_3 = arith.constant 0 : index
    %get3A_4 = vector.load %arg1[%get3A, %get3A_2, %get3A_3] : memref<2x1000x128xf32, #tpu.memory_space<vmem>>, vector<1x1000x128xf32>
    %get3A_5 = vector.shape_cast %get3A_4 : vector<1x1000x128xf32> to vector<1000x128xf32>
    %get3A_6 = arith.constant 1 : index
    %get3A_7 = arith.constant 0 : index
    %get3A_8 = arith.constant 0 : index
    %get3A_9 = vector.load %arg1[%get3A_6, %get3A_7, %get3A_8] : memref<2x1000x128xf32, #tpu.memory_space<vmem>>, vector<1x1000x128xf32>
    %get3A_10 = vector.shape_cast %get3A_9 : vector<1x1000x128xf32> to vector<1000x128xf32>
    %add3A = arith.addf %get3A_5, %get3A_10 : vector<1000x128xf32>
    %get3A_11 = arith.constant 0 : index
    %get3A_12 = arith.constant 0 : index
    %get3A_13 = vector.load %arg2[%get3A_11, %get3A_12] : memref<1000x1xf32, #tpu.memory_space<vmem>>, vector<1000x1xf32>
    %mul3A = vector.broadcast %get3A_13 : vector<1000x1xf32> to vector<1000x128xf32>
    %mul3A_14 = arith.mulf %add3A, %mul3A : vector<1000x128xf32>
    %get3A_15 = arith.constant 0 : index
    %get3A_16 = arith.constant 0 : index
    %get3A_17 = vector.load %arg6[%get3A_15, %get3A_16] : memref<128x128xf32, #tpu.memory_space<vmem>>, vector<128x128xf32>
    %dot_general3A = arith.constant dense<0.000000e+00> : vector<1000x128xf32>
    %dot_general3A_18 = tpu.matmul %mul3A_14, %get3A_17, %dot_general3A {dimension_numbers = #tpu.dot_dimension_numbers<[1], [1], [0], [0], [0, 0, 1, 0], [], []>, transpose_lhs_hint = false} : vector<1000x128xf32>, vector<128x128xf32>, vector<1000x128xf32> -> vector<1000x128xf32>
    %get3A_19 = arith.constant 0 : index
    %get3A_20 = arith.constant 0 : index
    %get3A_21 = vector.load %arg7[%get3A_19, %get3A_20] : memref<1x128xf32, #tpu.memory_space<vmem>>, vector<1x128xf32>
    %add3A_22 = vector.broadcast %get3A_21 : vector<1x128xf32> to vector<1000x128xf32>
    %add3A_23 = arith.addf %dot_general3A_18, %add3A_22 : vector<1000x128xf32>
    %get3A_24 = arith.constant 0 : index
    %get3A_25 = arith.constant 0 : index
    %get3A_26 = vector.load %arg3[%get3A_24, %get3A_25] : memref<1000x128xf32, #tpu.memory_space<vmem>>, vector<1000x128xf32>
    %get3A_27 = arith.constant 0 : index
    %get3A_28 = arith.constant 0 : index
    %get3A_29 = vector.load %arg8[%get3A_27, %get3A_28] : memref<128x128xf32, #tpu.memory_space<vmem>>, vector<128x128xf32>
    %dot_general3A_30 = arith.constant dense<0.000000e+00> : vector<1000x128xf32>
    %dot_general3A_31 = tpu.matmul %get3A_26, %get3A_29, %dot_general3A_30 {dimension_numbers = #tpu.dot_dimension_numbers<[1], [1], [0], [0], [0, 0, 1, 0], [], []>, transpose_lhs_hint = false} : vector<1000x128xf32>, vector<128x128xf32>, vector<1000x128xf32> -> vector<1000x128xf32>
    %add3A_32 = arith.addf %add3A_23, %dot_general3A_31 : vector<1000x128xf32>
    %integer_pow3A = arith.mulf %add3A_32, %add3A_32 : vector<1000x128xf32>
    %integer_pow3A_33 = arith.mulf %add3A_32, %integer_pow3A : vector<1000x128xf32>
    %mul3A_34 = arith.constant 4.471500e-02 : f32
    %mul3A_35 = vector.broadcast %mul3A_34 : f32 to vector<1000x128xf32>
    %mul3A_36 = arith.mulf %mul3A_35, %integer_pow3A_33 : vector<1000x128xf32>
    %add3A_37 = arith.addf %add3A_32, %mul3A_36 : vector<1000x128xf32>
    %mul3A_38 = arith.constant 0.797884583 : f32
    %mul3A_39 = vector.broadcast %mul3A_38 : f32 to vector<1000x128xf32>
    %mul3A_40 = arith.mulf %mul3A_39, %add3A_37 : vector<1000x128xf32>
    %tanh3A = math.tanh %mul3A_40 : vector<1000x128xf32>
    %add3A_41 = arith.constant 1.000000e+00 : f32
    %add3A_42 = vector.broadcast %add3A_41 : f32 to vector<1000x128xf32>
    %add3A_43 = arith.addf %add3A_42, %tanh3A : vector<1000x128xf32>
    %mul3A_44 = arith.constant 5.000000e-01 : f32
    %mul3A_45 = vector.broadcast %mul3A_44 : f32 to vector<1000x128xf32>
    %mul3A_46 = arith.mulf %mul3A_45, %add3A_43 : vector<1000x128xf32>
    %mul3A_47 = arith.mulf %add3A_32, %mul3A_46 : vector<1000x128xf32>
    %get3A_48 = arith.constant 0 : index
    %get3A_49 = arith.constant 0 : index
    %get3A_50 = vector.load %arg4[%get3A_48, %get3A_49] : memref<1000x128xf32, #tpu.memory_space<vmem>>, vector<1000x128xf32>
    %add3A_51 = arith.addf %mul3A_47, %get3A_50 : vector<1000x128xf32>
    %iota3A = tpu.iota {dimensions = array<i32: 1>} : vector<1x64xi32>
    %convert_element_type3A_52 = arith.sitofp %iota3A : vector<1x64xi32> to vector<1x64xf32>
    %get3A_53 = arith.constant 0 : index
    %get3A_54 = arith.constant 0 : index
    %get3A_55 = vector.load %arg5[%get3A_53, %get3A_54] : memref<1000x1xf32, #tpu.memory_space<vmem>>, vector<1000x1xf32>
    %eq3A_56 = vector.broadcast %get3A_55 : vector<1000x1xf32> to vector<1000x64xf32>
    %eq3A_57 = vector.broadcast %convert_element_type3A_52 : vector<1x64xf32> to vector<1000x64xf32>
    %eq3A_58 = arith.cmpf oeq, %eq3A_56, %eq3A_57 : vector<1000x64xf32>
    %jit3A = arith.constant 1.000000e+00 : f32
    %jit3A_59 = arith.constant 0.000000e+00 : f32
    %broadcast_in_dim3A = vector.broadcast %jit3A : f32 to vector<1000x64xf32>
    %broadcast_in_dim3A_60 = vector.broadcast %jit3A_59 : f32 to vector<1000x64xf32>
    %select_n3A = arith.select %eq3A_58, %broadcast_in_dim3A, %broadcast_in_dim3A_60 : vector<1000x64xi1>, vector<1000x64xf32>
    %get3A_61 = arith.constant 0 : index
    %get3A_62 = arith.constant 0 : index
    %get3A_63 = vector.load %arg10[%get3A_61, %get3A_62] : memref<64x128xf32, #tpu.memory_space<vmem>>, vector<64x128xf32>
    %dot_general3A_64 = arith.constant dense<0.000000e+00> : vector<64x128xf32>
    %dot_general3A_65 = tpu.matmul %select_n3A, %add3A_51, %dot_general3A_64 {dimension_numbers = #tpu.dot_dimension_numbers<[0], [0], [1], [1], [0, 1, 1, 1], [], []>, transpose_lhs_hint = false} : vector<1000x64xf32>, vector<1000x128xf32>, vector<64x128xf32> -> vector<64x128xf32>
    %add3A_66 = arith.addf %get3A_63, %dot_general3A_65 : vector<64x128xf32>
    %swap3A = arith.constant 0 : index
    %swap3A_67 = arith.constant 0 : index
    %swap3A_68 = vector.load %arg10[%swap3A, %swap3A_67] : memref<64x128xf32, #tpu.memory_space<vmem>>, vector<64x128xf32>
    tpu.vector_store %arg10[%swap3A, %swap3A_67], %add3A_66 {strides = array<i32>} : memref<64x128xf32, #tpu.memory_space<vmem>>, vector<64x128xf32>,
    %get3A_69 = arith.constant 0 : index
    %get3A_70 = arith.constant 0 : index
    %get3A_71 = vector.load %arg11[%get3A_69, %get3A_70] : memref<64x128xf32, #tpu.memory_space<vmem>>, vector<64x128xf32>
    %broadcast_in_dim3A_72 = arith.constant 1.000000e+00 : f32
    %broadcast_in_dim3A_73 = vector.broadcast %broadcast_in_dim3A_72 : f32 to vector<1000x128xf32>
    %dot_general3A_74 = arith.constant dense<0.000000e+00> : vector<64x128xf32>
    %dot_general3A_75 = tpu.matmul %select_n3A, %broadcast_in_dim3A_73, %dot_general3A_74 {dimension_numbers = #tpu.dot_dimension_numbers<[0], [0], [1], [1], [0, 1, 1, 1], [], []>, transpose_lhs_hint = false} : vector<1000x64xf32>, vector<1000x128xf32>, vector<64x128xf32> -> vector<64x128xf32>
    %add3A_76 = arith.addf %get3A_71, %dot_general3A_75 : vector<64x128xf32>
    %swap3A_77 = arith.constant 0 : index
    %swap3A_78 = arith.constant 0 : index
    %swap3A_79 = vector.load %arg11[%swap3A_77, %swap3A_78] : memref<64x128xf32, #tpu.memory_space<vmem>>, vector<64x128xf32>
    tpu.vector_store %arg11[%swap3A_77, %swap3A_78], %add3A_76 {strides = array<i32>} : memref<64x128xf32, #tpu.memory_space<vmem>>, vector<64x128xf32>,
    %eq3A_80 = arith.constant 9 : i32
    %eq3A_81 = arith.cmpi eq, %arg0, %eq3A_80 : i32
    %convert_element_type3A_82 = arith.extui %eq3A_81 : i1 to i32
    %cond3A_83 = arith.constant 0 : i32
    %cond3A_84 = arith.cmpi ne, %convert_element_type3A_82, %cond3A_83 : i32
    scf.if %cond3A_84 {
      %get3A_85 = arith.constant 0 : index
      %get3A_86 = arith.constant 0 : index
      %get3A_87 = vector.load %arg10[%get3A_85, %get3A_86] : memref<64x128xf32, #tpu.memory_space<vmem>>, vector<64x128xf32>
      %get3A_88 = arith.constant 0 : index
      %get3A_89 = arith.constant 0 : index
      %get3A_90 = vector.load %arg11[%get3A_88, %get3A_89] : memref<64x128xf32, #tpu.memory_space<vmem>>, vector<64x128xf32>
      %jit3A_91 = arith.constant 1.000000e+00 : f32
      %max3A = vector.broadcast %jit3A_91 : f32 to vector<64x128xf32>
      %max3A_92 = arith.maximumf %max3A, %get3A_90 : vector<64x128xf32>
      %div3A = arith.divf %get3A_87, %max3A_92 : vector<64x128xf32>
      %swap3A_93 = arith.constant 0 : index
      %swap3A_94 = arith.constant 0 : index
      %swap3A_95 = vector.load %arg9[%swap3A_93, %swap3A_94] : memref<64x128xf32, #tpu.memory_space<vmem>>, vector<64x128xf32>
      tpu.vector_store %arg9[%swap3A_93, %swap3A_94], %div3A {strides = array<i32>} : memref<64x128xf32, #tpu.memory_space<vmem>>, vector<64x128xf32>,
    } else {
    }
    return
  }
  func.func @transform_0(%arg0: i32) -> (i32, i32, i32) {
    %c0_i32 = arith.constant 0 : i32
    %c0_i32_0 = arith.constant 0 : i32
    %c0_i32_1 = arith.constant 0 : i32
    return %c0_i32, %arg0, %c0_i32_0 : i32, i32, i32
  }
  func.func @transform_1(%arg0: i32) -> (i32, i32) {
    %c0_i32 = arith.constant 0 : i32
    %c0_i32_0 = arith.constant 0 : i32
    return %arg0, %c0_i32 : i32, i32
  }
  func.func @transform_2(%arg0: i32) -> (i32, i32) {
    %c0_i32 = arith.constant 0 : i32
    %c0_i32_0 = arith.constant 0 : i32
    return %arg0, %c0_i32 : i32, i32
  }
  func.func @transform_3(%arg0: i32) -> (i32, i32) {
    %c0_i32 = arith.constant 0 : i32
    %c0_i32_0 = arith.constant 0 : i32
    return %arg0, %c0_i32 : i32, i32
  }
  func.func @transform_4(%arg0: i32) -> (i32, i32) {
    %c0_i32 = arith.constant 0 : i32
    %c0_i32_0 = arith.constant 0 : i32
    return %arg0, %c0_i32 : i32, i32
  }
  func.func @transform_5(%arg0: i32) -> (i32, i32) {
    %c0_i32 = arith.constant 0 : i32
    %c0_i32_0 = arith.constant 0 : i32
    %c0_i32_1 = arith.constant 0 : i32
    return %c0_i32, %c0_i32_0 : i32, i32
  }
  func.func @transform_6(%arg0: i32) -> (i32, i32) {
    %c0_i32 = arith.constant 0 : i32
    %c0_i32_0 = arith.constant 0 : i32
    %c0_i32_1 = arith.constant 0 : i32
    return %c0_i32, %c0_i32_0 : i32, i32
  }
  func.func @transform_7(%arg0: i32) -> (i32, i32) {
    %c0_i32 = arith.constant 0 : i32
    %c0_i32_0 = arith.constant 0 : i32
    %c0_i32_1 = arith.constant 0 : i32
    return %c0_i32, %c0_i32_0 : i32, i32
  }
  func.func @transform_8(%arg0: i32) -> (i32, i32) {
    %c0_i32 = arith.constant 0 : i32
    %c0_i32_0 = arith.constant 0 : i32
    %c0_i32_1 = arith.constant 0 : i32
    return %c0_i32, %c0_i32_0 : i32, i32
  }
}

</mosaic_0001>

<sc_bundles>
// kernel: kernel.10.cloned.1.call-start
scs
__scs_entry_jumppad:
0x0: {  	(pc) =	sbr.rel $0x88, $3  }
0x1: {  	(tag) =	ssettag $0x0;
	lr =	simm.s32 $0x1  }
0x2: {  	[smem:$0x3F98] =	sst lr;
	_ =	strace $0xD0000000  }
0x3: {  	_ = 	snop  }
0x4: {  	_ = 	snop  }
0x5: {  	_ = 	snop  }
0x6: {  	_ = 	snop  }
0x7: {  	_ = 	snop  }
__scs_overlays_trampoline_lowered:
0x8: {  	[smem:$0x3FA7] =	sst s0  }
0x9: {  	[smem:$0x3FA8] =	sst s1  }
0xa: {  	[smem:$0x3FA9] =	sst s2  }
0xb: {  	[smem:$0x3FAA] =	sst s3  }
0xc: {  	[smem:$0x3FAB] =	sst s4  }
0xd: {  	[smem:$0x3FAC] =	sst s5  }
0xe: {  	[smem:$0x3FAD] =	sst s6  }
0xf: {  	[smem:$0x3FAE] =	sst s7  }
0x10: {  	[smem:$0x3FAF] =	sst s8  }
0x11: {  	[smem:$0x3FB0] =	sst s9;
	s0 =	simm.s32 @!p0 $0x0  }
0x12: {  	s1 =	sld [smem:$0x3F96];
	s0 =	simm.s32 @p0 $0x1  }
0x13: {  	[smem:$0x3FB1] =	sst s0;
	s0 =	simm.s32 @!p1 $0x0  }
0x14: {  	s2 =	sld [smem:$0x3F95];
	s0 =	simm.s32 @p1 $0x1  }
0x15: {  	[smem:$0x3FB2] =	sst s0;
	s0 =	simm.s32 @!p2 $0x0  }
0x16: {  	s3 =	sld [smem:$0x3FDB];
	s0 =	simm.s32 @p2 $0x1  }
0x17: {  	s4 =	simm.s32 $0x1BF5;
	[smem:$0x3FB4] =	sst s0  }
0x18: {  	s0 =	sld [smem:$0x3F97];
	_ =	swait.ge [sflag:s4], $0x0  }
0x19: {  	s7 =	sld [smem:$0x3F98]  }
0x1a: {  	s8 =	sadd.s32 $0xFFFFE003, lr  }
0x1b: {  	s9 =	sadd.s32 $0xFFFFFEF7, lr;
	s5 =	simm.s32 $0xFFFFFFFF;
	p2 =	slt.u32 s8, $0xFFFFF086  }
0x1c: {  	p1 =	slt.u32 s9, $0xF7A;
	s5 =	simm.s32 @!p2 $0x0  }
0x1d: {  	s5 =	simm.s32 @p1 $0x1;
	p0 =	seq.s32 s7, s2  }
0x1e: {  	s7 =	smul.u32 @!p0 $0xF7A, s2;
	p2 =	seq.s32 @!p0 s5, $0x0  }
0x1f: {  	s9 =	smul.u32 $0xF7A, s1;
	s8 =	simm.s32 @!p0 $0x1BF5;
	p2 =	por !p2, p0  }
0x20: {  	[sflag:s8] =	ssyncset.s32 @!p0 $0xFFFFF086;
	s6 =	sadd.s32 @!p0 s3, s7;
	s7 =	simm.s32 @!p0 $0x108  }
0x21: {  	s3 =	sadd.s32 s3, s9;
	s6 =	sadd.s32 @!p0 $0x88, s6;
	s7 =	simm.s32 @p2 $0x1082  }
0x22: {  	[simem:s7], [sflag:s8] =	dma.local @!p0 [hbm:s6], $0xF7A  }
0x23: {  	s9 =	sor.u32 $0xD0000000, s2;
	s6 =	simm.s32 $0x108;
	_ =	swait.ge @!p0 [sflag:s8], $0x0  }
0x24: {  	s3 =	sadd.s32 $0x88, s3;
	s6 =	simm.s32 @!p1 $0x1082;
	[sflag:s4] =	ssyncset.s32 $0xFFFFF086  }
0x25: {  	[simem:s6], [sflag:s4] =	dma.local [hbm:s3], $0xF7A  }
0x26: {  	[smem:$0x3F98] =	sst s1;
	(tag) =	ssettag s2;
	_ =	strace s9  }
0x27: {  	s1 =	sld [smem:$0x3FA8]  }
0x28: {  	s2 =	sld [smem:$0x3FA9]  }
0x29: {  	s4 =	sld [smem:$0x3FAB]  }
0x2a: {  	p0 =	seq.s32 s5, $0x0;
	s5 =	sld [smem:$0x3FAC]  }
0x2b: {  	s6 =	sld [smem:$0x3FAD]  }
0x2c: {  	s7 =	sld [smem:$0x3FAE]  }
0x2d: {  	s3 =	simm.s32 $0x108;
	s8 =	sld [smem:$0x3FAF]  }
0x2e: {  	s3 =	simm.s32 @!p0 $0x1082;
	s9 =	sld [smem:$0x3FB0]  }
0x2f: {  	lr =	sadd.s32 s0, s3;
	s0 =	sld [smem:$0x3FA7]  }
0x30: {  	s3 =	sld [smem:$0x3FAA]  }
0x31: {  	[smem:$0x3FB3] =	sst s10  }
0x32: {  	s10 =	sld [smem:$0x3FB1];
	_ =	sdelay $0x3  }
0x33: {  	p0 =	seq.s32 s10, $0x1;
	s10 =	sld [smem:$0x3FB3];
	_ =	sdelay $0x3  }
0x34: {  	[smem:$0x3FB3] =	sst s10  }
0x35: {  	s10 =	sld [smem:$0x3FB2];
	_ =	sdelay $0x3  }
0x36: {  	p1 =	seq.s32 s10, $0x1;
	s10 =	sld [smem:$0x3FB3];
	_ =	sdelay $0x3  }
0x37: {  	[smem:$0x3FB3] =	sst s10  }
0x38: {  	s10 =	sld [smem:$0x3FB4]  }
0x39: {  	_ = 	snop;
	(pc) =	sbr.ind lr, $3  }
0x3a: {  	_ = 	snop  }
0x3b: {  	_ = 	snop  }
0x3c: {  	p2 =	seq.s32 s10, $0x1;
	s10 =	sld [smem:$0x3FB3]  }
0x3d: {  	_ =	shalt  }
0x3e: {  	_ =	shalt  }
0x3f: {  	_ =	shalt  }
0x40: {  	_ =	shalt  }
0x41: {  	_ =	shalt  }
0x42: {  	_ =	shalt  }
0x43: {  	_ =	shalt  }
0x44: {  	_ =	shalt  }
0x45: {  	_ =	shalt  }
0x46: {  	_ =	shalt  }
0x47: {  	_ =	shalt  }
0x48: {  	_ =	shalt  }
0x49: {  	_ =	shalt  }
0x4a: {  	_ =	shalt  }
0x4b: {  	_ =	shalt  }
0x4c: {  	_ =	shalt  }
0x4d: {  	_ =	shalt  }
0x4e: {  	_ =	shalt  }
0x4f: {  	_ =	shalt  }
0x50: {  	_ =	shalt  }
0x51: {  	_ =	shalt  }
0x52: {  	_ =	shalt  }
0x53: {  	_ =	shalt  }
0x54: {  	_ =	shalt  }
0x55: {  	_ =	shalt  }
0x56: {  	_ =	shalt  }
0x57: {  	_ =	shalt  }
0x58: {  	_ =	shalt  }
0x59: {  	_ =	shalt  }
0x5a: {  	_ =	shalt  }
0x5b: {  	_ =	shalt  }
0x5c: {  	_ =	shalt  }
0x5d: {  	_ =	shalt  }
0x5e: {  	_ =	shalt  }
0x5f: {  	_ =	shalt  }
0x60: {  	_ =	shalt  }
0x61: {  	_ =	shalt  }
0x62: {  	_ =	shalt  }
0x63: {  	_ =	shalt  }
0x64: {  	_ =	shalt  }
0x65: {  	_ =	shalt  }
0x66: {  	_ =	shalt  }
0x67: {  	_ =	shalt  }
0x68: {  	_ =	shalt  }
0x69: {  	_ =	shalt  }
0x6a: {  	_ =	shalt  }
0x6b: {  	_ =	shalt  }
0x6c: {  	_ =	shalt  }
0x6d: {  	_ =	shalt  }
0x6e: {  	_ =	shalt  }
0x6f: {  	_ =	shalt  }
0x70: {  	_ =	shalt  }
0x71: {  	_ =	shalt  }
0x72: {  	_ =	shalt  }
0x73: {  	_ =	shalt  }
0x74: {  	_ =	shalt  }
0x75: {  	_ =	shalt  }
0x76: {  	_ =	shalt  }
0x77: {  	_ =	shalt  }
0x78: {  	_ =	shalt  }
0x79: {  	_ =	shalt  }
0x7a: {  	_ =	shalt  }
0x7b: {  	_ =	shalt  }
0x7c: {  	_ =	shalt  }
0x7d: {  	_ =	shalt  }
0x7e: {  	_ =	shalt  }
0x7f: {  	_ =	shalt  }
0x80: {  	_ =	shalt  }
0x81: {  	_ =	shalt  }
0x82: {  	_ =	shalt  }
0x83: {  	_ =	shalt  }
0x84: {  	_ =	shalt  }
0x85: {  	_ =	shalt  }
0x86: {  	_ =	shalt  }
0x87: {  	_ =	shalt  }
.Lfunc_end0:
.L_simem_size_0:
called_computation.1_lowered:
.L_overlay_start_0:
0x88: {  	s2 =	sld [smem:$0x3FD9]  }
0x89: {  	s3 =	sld [smem:$0x3FFE];
	_ =	sdelay $0x1  }
0x8a: {  	s1 =	srdreg.scid  }
0x8b: {  	s0 =	sand.u32 $0x1, s1  }
0x8c: {  	s17 =	sshll.u32 s0, $0xA;
	s2 =	sadd.s32 s3, s2  }
0x8d: {  	s2 =	sadd.s32 s2, s17  }
0x8e: {  	[smem:$0x3FBF] =	sst s2  }
0x8f: {  	_ = 	snop  }
0x90: {  	s18 =	sld [smem:$0x3FC9];
	(tm) =	ssettm $0x1  }
0x91: {  	s19 =	sld [smem:$0x3FFB];
	_ =	sdelay $0x3  }
0x92: {  	_ =	strace s19  }
0x93: {  	s2 =	sld [smem:$0x3FFC];
	_ =	sdelay $0x3  }
0x94: {  	_ =	strace s2  }
0x95: {  	s2 =	sld [smem:$0x3FFD];
	_ =	sdelay $0x3  }
0x96: {  	_ =	strace s2  }
0x97: {  	_ =	strace $0x8FFFFFFF  }
0x98: {  	s20 =	sld [smem:$0x3FDB];
	_ =	sdelay $0x1  }
0x99: {  	s4 =	simm.s32 $_scs_section_size  }
0x9a: {  	s5 =	simm.s32 $_size__tile_overlayer_lowered;
	s6 =	simm.s32 $_tile_overlayer_lowered  }
0x9b: {  	s7 =	simm.s32 $0x1BFF;
	s21 =	sshll.u32 s6, $0x1;
	s4 =	sadd.s32 s4, s20  }
0x9c: {  	s22 =	simm.s32 $0x0;
	s5 =	sshll.u32 s5, $0x1;
	s6 =	sadd.s32 s21, s4  }
0x9d: {  	[timem:s22], [sflag:s7] =	dma.local [hbm:s6], s5  }
0x9e: {  	_ =	swait.ge [sflag:s7], s5  }
0x9f: {  	s5 =	ssub.s32 $0x0, s5;
	[sflag:s7] =	ssyncset.done $0x0  }
0xa0: {  	[sflag:s7] =	ssyncadd.s32 s5;
	_ =	sdelay $0x1  }
0xa1: {  	s23 =	simm.s32 $0x1B8B  }
0xa2: {  	_ =	swait.ge [sflag:s23], $0x1  }
0xa3: {  	[sflag:s23] =	ssyncset.done $0x0  }
0xa4: {  	[sflag:s23] =	ssyncadd.s32 $0xFFFFFFFF  }
0xa5: {  	s5 =	sld [smem:$0x0]  }
0xa6: {  	s6 =	sand.u32 $0xFFFFFFFE, s1  }
0xa7: {  	p0 =	sne.s32 s1, s6  }
0xa8: {  	s6 =	sshll.u32 @p0 s6, $0xE  }
0xa9: {  	s6 =	sadd.s32 @p0 $0x11B8D, s6;
	s7 =	sshll.u32 @p0 s5, $0x11  }
0xaa: {  	s6 =	sor.u32 @p0 s7, s6  }
0xab: {  	[sflag:s6] =	ssyncadd.remote.s32 @p0 $0x1;
	_ =	sdelay $0x1  }
0xac: {  	s6 =	simm.s32 @p0 $0x1B8D  }
0xad: {  	_ =	swait.eq @p0 [sflag:s6], $0x1  }
0xae: {  	[sflag:s6] =	ssyncadd.s32 @p0 $0xFFFFFFFF  }
0xaf: {  	s7 =	sshll.u32 @!p0 s1, $0xE  }
0xb0: {  	s7 =	sor.u32 @!p0 $0x4000, s7;
	s6 =	simm.s32 @!p0 $0x1B8D  }
0xb1: {  	s5 =	sshll.u32 @!p0 s5, $0x11;
	s7 =	sadd.s32 @!p0 $0x11B8D, s7;
	_ =	swait.eq @!p0 [sflag:s6], $0x1  }
0xb2: {  	s5 =	sor.u32 @!p0 s5, s7;
	[sflag:s6] =	ssyncadd.s32 @!p0 $0xFFFFFFFF  }
0xb3: {  	s25 =	simm.s32 $0x1B8E;
	s24 =	sld [smem:$0x3FFE];
	[sflag:s5] =	ssyncadd.remote.s32 @!p0 $0x1  }
0xb4: {  	s26 =	simm.s32 $execute0_lowered;
	[smem:$0x3FD2] =	sst s25  }
0xb5: {  	s6 =	sshll.u32 s26, $0x1;
	_ =	strace $0x80000049;
	[dreg:$0x1] =	wrdreg $0xFFFFFFFF  }
0xb6: {  	s28 =	simm.s32 $_size_execute0_lowered;
	s4 =	sadd.s32 s4, s6;
	[dreg:$0x0] =	wrdreg $0x0  }
0xb7: {  	s6 =	sshll.u32 s28, $0x1;
	[dreg:$0x2] =	wrdreg s4  }
0xb8: {  	[dreg:$0x3] =	wrdreg s6  }
0xb9: {  	[dreg:$0x4] =	wrdreg $0xC0  }
0xba: {  	_ =	task [dreg:s22], $0x5FFFF  }
0xbb: {  	[dreg:$0x1] =	wrdreg $0xFFFFFFFF  }
0xbc: {  	[dreg:$0x0] =	wrdreg $0x60  }
0xbd: {  	[dreg:$0x2] =	wrdreg s18  }
0xbe: {  	[dreg:$0x3] =	wrdreg s24  }
0xbf: {  	[dreg:$0x4] =	wrdreg $0x0  }
0xc0: {  	[dreg:$0x5] =	wrdreg $0xA  }
0xc1: {  	_ =	task.clear_ibuf [dreg:s22], $0x6FFFF;
	_ =	strace $0x90000049  }
0xc2: {  	s29 =	simm.s32 $0xA;
	_ =	strace $0x8000004B  }
0xc3: {  	_ =	swait.ge [sflag:s29], $0x1  }
0xc4: {  	[sflag:s29] =	ssyncadd.s32 $0xFFFFFFFF  }
0xc5: {  	_ =	strace $0x9000004B  }
0xc6: {  	_ =	sfence  }
0xc7: {  	s30 =	sld [smem:$0x0];
	_ =	sdelay $0x2  }
0xc8: {  	s31 =	sshll.u32 s1, $0xD;
	s1 =	sshrl.u32 s1, $0x2  }
0xc9: {  	s4 =	sand.u32 $0x4000, s31;
	s1 =	sadd.s32 s1, s30  }
0xca: {  	s0 =	sor.u32 s4, s0;
	s1 =	sshll.u32 s1, $0x11  }
0xcb: {  	s0 =	sor.u32 s1, s0  }
0xcc: {  	s0 =	sadd.s32 $0x8F2B, s0  }
0xcd: {  	[sflag:s0] =	ssyncadd.remote.s32 $0x1  }
0xce: {  	_ =	sfence.sel $0xFFFF  }
0xcf: {  	[dreg:$0x0] =	wrdreg $0xFFFFFFFF;
	(pc) =	sbr.abs _section_cstart, $3  }
0xd0: {  	[dreg:$0x1] =	wrdreg $0xFFFFFFFF  }
0xd1: {  	_ =	task.clear_ibuf [dreg:s22], $0x2FFFF;
	_ =	strace $0x9FFFFFFF  }
0xd2: {  	(tm) =	ssettm $0x7FFFFFFF  }
0xd3: {  	_ =	shalt  }
tec
execute0_lowered:
.L_overlay_start_1:
0x0: {  	(tag) =	ssettag $0x1  }
0x1: {  	s1 =	rddreg [dreg:$0x0]  }
0x2: {  	s8 =	rddreg [dreg:$0x1]  }
0x3: {  	s2 =	rddreg [dreg:$0x2]  }
0x4: {  	s0 =	rddreg [dreg:$0x3];
	s3 =	simm.s32 $0x0  }
0x5: {  	s6 =	srdreg.scid;
	s4 =	stileid.u32;
	s23 =	simm.s32 $0x13C80  }
0x6: {  	s24 =	simm.s32 $0x80;
	s25 =	simm.s32 $0x1;
	s26 =	simm.s32 $0x0  }
0x7: {  	[smem:$0x7FF] =	sst s3;
	s5 =	sadd.s32 $0x5BE00, s8;
	s9 =	sand.u32 $0x1, s6  }
0x8: {  	s6 =	sadd.s32 $0x1E00, s8;
	s11 =	smul.u32 $0x4F000, s4;
	s7 =	sadd.s32 $0xBE00, s8  }
0x9: {  	s18 =	sadd.s32 $0x65E00, s8;
	s12 =	sshll.u32 s4, $0x1;
	s13 =	smul.u32 $0x13C00, s4  }
0xa: {  	_ =	strace $0x8000004A;
	s10 =	ssub.s32 $0x2, s9;
	s14 =	sor.u32 s9, s12  }
0xb: {  	s17 =	smul.u32 $0x13C000, s9;
	s30 =	sshrl.u32 s10, $0x1;
	s11 =	sshrl.u32 s11, $0x2  }
0xc: {  	s15 =	sadd.s32 $0x4000, s13;
	s16 =	sadd.s32 $0x8000, s13;
	s20 =	sadd.s32 $0xC000, s13  }
0xd: {  	s21 =	sadd.s32 $0x10000, s13;
	s19 =	ssub.s32 s10, s30;
	s8 =	sadd.s32 s11, s2  }
0xe: {  	s9 =	sadd.s32 s15, s2;
	s10 =	sadd.s32 s16, s2;
	s11 =	sadd.s32 s20, s2  }
0xf: {  	s13 =	sadd.s32 s13, s17;
	s12 =	sadd.s32 s21, s2;
	s15 =	sadd.s32 s17, s15  }
0x10: {  	s16 =	sadd.s32 s17, s16;
	s20 =	sadd.s32 s17, s20;
	s21 =	sadd.s32 s17, s21  }
0x11: {  	s22 =	sshrl.u32 s13, $0x3;
	s13 =	smul.u32 $0x2800, s14;
	s15 =	sshrl.u32 s15, $0x3  }
0x12: {  	s16 =	sshrl.u32 s16, $0x3;
	s20 =	sshrl.u32 s20, $0x3;
	s31 =	sshrl.u32 s21, $0x3  }
0x13: {  	s19 =	smax.u32 s19, $0x1;
	s21 =	simm.s32 $0x2;
	s14 =	sadd.s32 s18, s22  }
0x14: {  	s15 =	sadd.s32 s18, s15;
	s16 =	sadd.s32 s18, s16;
	s17 =	sadd.s32 s18, s20  }
0x15: {  	s18 =	sadd.s32 s18, s31;
	s20 =	simm.s32 $0x13D00;
	s22 =	simm.s32 $0x13C00  }
.LBB2_1:
0x16: {  	[tilespmem:s20], [sflag:$0x2] =	stream.linear.gather [hbm4b:s7+s3], $0x4000, $0x38;
	[tilespmem:$0x17D00] =	vst v63  }
0x17: {  	_ =	swait.ge [sflag:s21], $0x4000  }
0x18: {  	[sflag:s21] =	ssyncset.done $0x0  }
0x19: {  	[sflag:s21] =	ssyncadd.s32 $0xFFFFC000  }
0x1a: {  	[spmem:s8] =	stream.linear.scatter [tilespmem:s20], [sflag:$0x2], $0x4000, $0x38;
	[tilespmem:$0x17D00] =	vst v63  }
0x1b: {  	_ =	swait.ge [sflag:s21], $0x4000  }
0x1c: {  	[sflag:s21] =	ssyncset.done $0x0  }
0x1d: {  	[sflag:s21] =	ssyncadd.s32 $0xFFFFC000  }
0x1e: {  	[spmem:s9] =	stream.linear.scatter [tilespmem:s20], [sflag:$0x2], $0x4000, $0x38;
	[tilespmem:$0x17D00] =	vst v63  }
0x1f: {  	_ =	swait.ge [sflag:s21], $0x4000  }
0x20: {  	[sflag:s21] =	ssyncset.done $0x0  }
0x21: {  	[sflag:s21] =	ssyncadd.s32 $0xFFFFC000  }
0x22: {  	[spmem:s10] =	stream.linear.scatter [tilespmem:s20], [sflag:$0x2], $0x4000, $0x38;
	[tilespmem:$0x17D00] =	vst v63  }
0x23: {  	_ =	swait.ge [sflag:s21], $0x4000  }
0x24: {  	[sflag:s21] =	ssyncset.done $0x0  }
0x25: {  	[sflag:s21] =	ssyncadd.s32 $0xFFFFC000  }
0x26: {  	[spmem:s11] =	stream.linear.scatter [tilespmem:s20], [sflag:$0x2], $0x4000, $0x38;
	[tilespmem:$0x17D00] =	vst v63  }
0x27: {  	_ =	swait.ge [sflag:s21], $0x4000  }
0x28: {  	[sflag:s21] =	ssyncset.done $0x0  }
0x29: {  	s28 =	sand.u32 $0x3C00, s3;
	[sflag:s21] =	ssyncadd.s32 $0xFFFFC000  }
0x2a: {  	[spmem:s12] =	stream.linear.scatter [tilespmem:s20], [sflag:$0x2], $0x3C00, $0x38;
	[tilespmem:$0x17D00] =	vst v63  }
0x2b: {  	s29 =	sand.u32 $0x380, s3;
	s28 =	sadd.s32 s13, s28;
	_ =	swait.ge [sflag:s21], $0x3C00  }
0x2c: {  	s28 =	sor.u32 s29, s28;
	[sflag:s21] =	ssyncset.done $0x0  }
0x2d: {  	s28 =	sshrl.u32 s28, $0x3;
	[sflag:s21] =	ssyncadd.s32 $0xFFFFC400  }
0x2e: {  	s29 =	sadd.s32 s5, s28;
	[bflag:$0x0] =	sbarrier.arrive $0xFFFF  }
0x2f: {  	[tilespmem:s22], [sflag:$0x2] =	stream.linear.gather [hbm4b:s29+s3], $0x80, $0x38;
	[tilespmem:$0x17D00] =	vst v63  }
0x30: {  	_ =	swait.ge [sflag:s21], $0x80  }
0x31: {  	[sflag:s21] =	ssyncset.done $0x0  }
0x32: {  	s28 =	sadd.s32 s6, s28;
	[sflag:s21] =	ssyncadd.s32 $0xFFFFFF80  }
0x33: {  	[tilespmem:s23], [sflag:$0x2] =	stream.linear.gather [hbm4b:s28+s3], $0x80, $0x38;
	[tilespmem:$0x17D00] =	vst v63  }
0x34: {  	_ =	swait.ge [sflag:s21], $0x80  }
0x35: {  	[sflag:s21] =	ssyncset.done $0x0  }
0x36: {  	[sflag:s21] =	ssyncadd.s32 $0xFFFFFF80  }
0x37: {  	[tilespmem:s20], [sflag:$0x1] =	stream.indirect.gather [hbm4b:s1+s24], $0x80, s22, s24, $0xb8;
	[tilespmem:$0x17D00] =	vst v63  }
0x38: {  	_ =	swait.ge [sflag:s25], $0x4000  }
0x39: {  	s28 =	simm.s32 $0x80;
	[sflag:s25] =	ssyncset.done $0x0  }
0x3a: {  	s29 =	sand.u32 $0x3C00, s28;
	[sflag:s25] =	ssyncadd.s32 $0xFFFFC000  }
0x3b: {  	[spmem:s2] =	stream.indirect.scatter.add.f32 [tilespmem:s20], [sflag:$0x2], $0x80, s23, s24, $0xb8;
	[tilespmem:$0x17D00] =	vst v63  }
0x3c: {  	s30 =	sand.u32 $0x380, s28;
	s29 =	sadd.s32 s13, s29;
	_ =	swait.ge [sflag:s21], $0x4000  }
0x3d: {  	s28 =	simm.s32 $0x100;
	s29 =	sor.u32 s30, s29;
	[sflag:s21] =	ssyncset.done $0x0  }
.LBB2_2:
0x3e: {  	s29 =	sshrl.u32 s29, $0x3  }
0x3f: {  	[sflag:s21] =	ssyncadd.s32 $0xFFFFC000;
	s30 =	smov.u32 s28;
	s31 =	sadd.s32 $0x80, s28  }
0x40: {  	p0 =	sne.s32 s28, $0x2700;
	s28 =	sadd.s32 s5, s29  }
0x41: {  	[tilespmem:s22], [sflag:$0x2] =	stream.linear.gather [hbm4b:s28+s3], $0x80, $0x38;
	[tilespmem:$0x17D00] =	vst v63  }
0x42: {  	_ =	swait.ge [sflag:s21], $0x80  }
0x43: {  	[sflag:s21] =	ssyncset.done $0x0  }
0x44: {  	s28 =	sadd.s32 s6, s29;
	[sflag:s21] =	ssyncadd.s32 $0xFFFFFF80  }
0x45: {  	[tilespmem:s23], [sflag:$0x2] =	stream.linear.gather [hbm4b:s28+s3], $0x80, $0x38;
	[tilespmem:$0x17D00] =	vst v63  }
0x46: {  	_ =	swait.ge [sflag:s21], $0x80  }
0x47: {  	[sflag:s21] =	ssyncset.done $0x0  }
0x48: {  	[sflag:s21] =	ssyncadd.s32 $0xFFFFFF80  }
0x49: {  	[tilespmem:s20], [sflag:$0x1] =	stream.indirect.gather [hbm4b:s1+s24], $0x80, s22, s24, $0xb8;
	[tilespmem:$0x17D00] =	vst v63  }
0x4a: {  	_ =	swait.ge [sflag:s25], $0x4000  }
.Ltmp0:
0x4b: {  	[sflag:s25] =	ssyncset.done $0x0;
	(pc) =	sbr.rel @p0 .LBB2_2-.Ltmp0, $4  }
0x4c: {  	s28 =	sand.u32 $0x3C00, s30;
	[sflag:s25] =	ssyncadd.s32 $0xFFFFC000  }
0x4d: {  	[spmem:s2] =	stream.indirect.scatter.add.f32 [tilespmem:s20], [sflag:$0x2], $0x80, s23, s24, $0xb8;
	[tilespmem:$0x17D00] =	vst v63  }
0x4e: {  	s29 =	sand.u32 $0x380, s30;
	s28 =	sadd.s32 s13, s28;
	_ =	swait.ge [sflag:s21], $0x4000  }
0x4f: {  	s29 =	sor.u32 s29, s28;
	s28 =	smov.u32 s31;
	[sflag:s21] =	ssyncset.done $0x0  }
0x50: {  	s28 =	sshrl.u32 s29, $0x3  }
0x51: {  	[sflag:s21] =	ssyncadd.s32 $0xFFFFC000;
	s29 =	sadd.s32 s5, s28  }
0x52: {  	[tilespmem:s22], [sflag:$0x2] =	stream.linear.gather [hbm4b:s29+s3], $0x80, $0x38;
	[tilespmem:$0x17D00] =	vst v63  }
0x53: {  	_ =	swait.ge [sflag:s21], $0x80  }
0x54: {  	[sflag:s21] =	ssyncset.done $0x0  }
0x55: {  	s28 =	sadd.s32 s6, s28;
	[sflag:s21] =	ssyncadd.s32 $0xFFFFFF80  }
0x56: {  	[tilespmem:s23], [sflag:$0x2] =	stream.linear.gather [hbm4b:s28+s3], $0x80, $0x38;
	[tilespmem:$0x17D00] =	vst v63  }
0x57: {  	_ =	swait.ge [sflag:s21], $0x80  }
0x58: {  	[sflag:s21] =	ssyncset.done $0x0  }
0x59: {  	[sflag:s21] =	ssyncadd.s32 $0xFFFFFF80  }
0x5a: {  	[tilespmem:s20], [sflag:$0x1] =	stream.indirect.gather [hbm4b:s1+s24], $0x80, s22, s24, $0xb8;
	[tilespmem:$0x17D00] =	vst v63  }
0x5b: {  	_ =	swait.ge [sflag:s25], $0x4000  }
0x5c: {  	[sflag:s25] =	ssyncset.done $0x0  }
0x5d: {  	[sflag:s25] =	ssyncadd.s32 $0xFFFFC000  }
0x5e: {  	[spmem:s2] =	stream.indirect.scatter.add.f32 [tilespmem:s20], [sflag:$0x2], $0x80, s23, s24, $0xb8;
	[tilespmem:$0x17D00] =	vst v63  }
0x5f: {  	_ =	swait.ge [sflag:s21], $0x4000  }
0x60: {  	[sflag:s21] =	ssyncset.done $0x0  }
0x61: {  	[sflag:s21] =	ssyncadd.s32 $0xFFFFC000  }
0x62: {  	[bflag:$0x0] =	sbarrier.arrive $0xFFFF  }
0x63: {  	[tilespmem:s20], [sflag:$0x2] =	stream.linear.gather [spmem:s8], $0x4000, $0x38;
	[tilespmem:$0x17D00] =	vst v63  }
0x64: {  	_ =	swait.ge [sflag:s21], $0x4000  }
0x65: {  	[sflag:s21] =	ssyncset.done $0x0  }
0x66: {  	[sflag:s21] =	ssyncadd.s32 $0xFFFFC000  }
0x67: {  	[hbm4b:s14+s3] =	stream.linear.scatter [tilespmem:s20], [sflag:$0x2], $0x4000, $0x38;
	[tilespmem:$0x17D00] =	vst v63  }
0x68: {  	_ =	swait.ge [sflag:s21], $0x4000  }
0x69: {  	[sflag:s21] =	ssyncset.done $0x0  }
0x6a: {  	[sflag:s21] =	ssyncadd.s32 $0xFFFFC000  }
0x6b: {  	[tilespmem:s20], [sflag:$0x2] =	stream.linear.gather [spmem:s9], $0x4000, $0x38;
	[tilespmem:$0x17D00] =	vst v63  }
0x6c: {  	_ =	swait.ge [sflag:s21], $0x4000  }
0x6d: {  	[sflag:s21] =	ssyncset.done $0x0  }
0x6e: {  	[sflag:s21] =	ssyncadd.s32 $0xFFFFC000  }
0x6f: {  	[hbm4b:s15+s3] =	stream.linear.scatter [tilespmem:s20], [sflag:$0x2], $0x4000, $0x38;
	[tilespmem:$0x17D00] =	vst v63  }
0x70: {  	_ =	swait.ge [sflag:s21], $0x4000  }
0x71: {  	[sflag:s21] =	ssyncset.done $0x0  }
0x72: {  	[sflag:s21] =	ssyncadd.s32 $0xFFFFC000  }
0x73: {  	[tilespmem:s20], [sflag:$0x2] =	stream.linear.gather [spmem:s10], $0x4000, $0x38;
	[tilespmem:$0x17D00] =	vst v63  }
0x74: {  	_ =	swait.ge [sflag:s21], $0x4000  }
0x75: {  	[sflag:s21] =	ssyncset.done $0x0  }
0x76: {  	[sflag:s21] =	ssyncadd.s32 $0xFFFFC000  }
0x77: {  	[hbm4b:s16+s3] =	stream.linear.scatter [tilespmem:s20], [sflag:$0x2], $0x4000, $0x38;
	[tilespmem:$0x17D00] =	vst v63  }
0x78: {  	_ =	swait.ge [sflag:s21], $0x4000  }
0x79: {  	[sflag:s21] =	ssyncset.done $0x0  }
0x7a: {  	[sflag:s21] =	ssyncadd.s32 $0xFFFFC000  }
0x7b: {  	[tilespmem:s20], [sflag:$0x2] =	stream.linear.gather [spmem:s11], $0x4000, $0x38;
	[tilespmem:$0x17D00] =	vst v63  }
0x7c: {  	_ =	swait.ge [sflag:s21], $0x4000  }
0x7d: {  	[sflag:s21] =	ssyncset.done $0x0  }
0x7e: {  	[sflag:s21] =	ssyncadd.s32 $0xFFFFC000  }
0x7f: {  	[hbm4b:s17+s3] =	stream.linear.scatter [tilespmem:s20], [sflag:$0x2], $0x4000, $0x38;
	[tilespmem:$0x17D00] =	vst v63  }
0x80: {  	_ =	swait.ge [sflag:s21], $0x4000  }
0x81: {  	[sflag:s21] =	ssyncset.done $0x0  }
0x82: {  	[sflag:s21] =	ssyncadd.s32 $0xFFFFC000  }
0x83: {  	[tilespmem:s20], [sflag:$0x2] =	stream.linear.gather [spmem:s12], $0x3C00, $0x38;
	[tilespmem:$0x17D00] =	vst v63  }
0x84: {  	s26 =	sadd.s32 $0x1, s26;
	_ =	swait.ge [sflag:s21], $0x3C00  }
0x85: {  	p0 =	sne.s32 s26, s19;
	[sflag:s21] =	ssyncset.done $0x0  }
.Ltmp1:
0x86: {  	[sflag:s21] =	ssyncadd.s32 $0xFFFFC400;
	(pc) =	sbr.rel @p0 .LBB2_1-.Ltmp1, $4  }
0x87: {  	[hbm4b:s18+s3] =	stream.linear.scatter [tilespmem:s20], [sflag:$0x2], $0x3C00, $0x38;
	[tilespmem:$0x17D00] =	vst v63  }
0x88: {  	_ =	swait.ge [sflag:s21], $0x3C00  }
0x89: {  	[sflag:s21] =	ssyncset.done $0x0  }
0x8a: {  	[sflag:s21] =	ssyncadd.s32 $0xFFFFC400  }
0x8b: {  	_ =	sfence.sel $0x180000  }
0x8c: {  	[bflag:$0x0] =	sbarrier.arrive $0xFFFF  }
0x8d: {  	p0 =	sne.s32 s4, $0x0;
	_ =	strace $0x9000004A  }
0x8e: {  	s0 =	sadd.s32 @!p0 $0x100000, s0;
	[bflag:$0x2] =	sbarrier.arrive $0xFFFF  }
0x8f: {  	[sflag:s0] =	ssyncadd.tile.s32 @!p0 $0x1;
	_ =	shalt  }
.Lfunc_end2:
_tile_overlayer_lowered:
.L_overlay_start_2:
0x90: {  	(tag) =	ssettag $0x2  }
0x91: {  	s0 =	rddreg [dreg:$0x0];
	s2 =	stileid.u32  }
0x92: {  	s1 =	rddreg [dreg:$0x1];
	p0 =	sne.s32 s2, $0x0  }
0x93: {  	s3 =	rddreg [dreg:$0x2];
	[bflag:$0x3] =	sbarrier.arrive $0xFFFF;
	s2 =	simm.s32 @!p0 $0x1C02  }
0x94: {  	[timem:s3], [sflag:s2] =	dma.local @!p0 [hbm:s0], s1  }
0x95: {  	s0 =	simm.s32 @!p0 $0x2  }
0x96: {  	_ =	swait.ge @!p0 [sflag:s0], s1  }
0x97: {  	s1 =	ssub.s32 @!p0 $0x0, s1;
	[sflag:s0] =	ssyncset.done @!p0 $0x0  }
0x98: {  	[sflag:s0] =	ssyncadd.s32 @!p0 s1  }
0x99: {  	[bflag:$0x3] =	sbarrier.arrive $0xFFFF  }
0x9a: {  	_ =	shalt  }

// kernel: kernel.13.cloned.1.call-start
scs
__scs_entry_jumppad:
0x0: {  	(pc) =	sbr.rel $0x88, $3  }
0x1: {  	(tag) =	ssettag $0x0;
	lr =	simm.s32 $0x1  }
0x2: {  	[smem:$0x3F98] =	sst lr;
	_ =	strace $0xD0000000  }
0x3: {  	_ = 	snop  }
0x4: {  	_ = 	snop  }
0x5: {  	_ = 	snop  }
0x6: {  	_ = 	snop  }
0x7: {  	_ = 	snop  }
__scs_overlays_trampoline_lowered:
0x8: {  	[smem:$0x3FA7] =	sst s0  }
0x9: {  	[smem:$0x3FA8] =	sst s1  }
0xa: {  	[smem:$0x3FA9] =	sst s2  }
0xb: {  	[smem:$0x3FAA] =	sst s3  }
0xc: {  	[smem:$0x3FAB] =	sst s4  }
0xd: {  	[smem:$0x3FAC] =	sst s5  }
0xe: {  	[smem:$0x3FAD] =	sst s6  }
0xf: {  	[smem:$0x3FAE] =	sst s7  }
0x10: {  	[smem:$0x3FAF] =	sst s8  }
0x11: {  	[smem:$0x3FB0] =	sst s9;
	s0 =	simm.s32 @!p0 $0x0  }
0x12: {  	s1 =	sld [smem:$0x3F96];
	s0 =	simm.s32 @p0 $0x1  }
0x13: {  	[smem:$0x3FB1] =	sst s0;
	s0 =	simm.s32 @!p1 $0x0  }
0x14: {  	s2 =	sld [smem:$0x3F95];
	s0 =	simm.s32 @p1 $0x1  }
0x15: {  	[smem:$0x3FB2] =	sst s0;
	s0 =	simm.s32 @!p2 $0x0  }
0x16: {  	s3 =	sld [smem:$0x3FDB];
	s0 =	simm.s32 @p2 $0x1  }
0x17: {  	s4 =	simm.s32 $0x1BF5;
	[smem:$0x3FB4] =	sst s0  }
0x18: {  	s0 =	sld [smem:$0x3F97];
	_ =	swait.ge [sflag:s4], $0x0  }
0x19: {  	s7 =	sld [smem:$0x3F98]  }
0x1a: {  	s8 =	sadd.s32 $0xFFFFE003, lr  }
0x1b: {  	s9 =	sadd.s32 $0xFFFFFEF7, lr;
	s5 =	simm.s32 $0xFFFFFFFF;
	p2 =	slt.u32 s8, $0xFFFFF086  }
0x1c: {  	p1 =	slt.u32 s9, $0xF7A;
	s5 =	simm.s32 @!p2 $0x0  }
0x1d: {  	s5 =	simm.s32 @p1 $0x1;
	p0 =	seq.s32 s7, s2  }
0x1e: {  	s7 =	smul.u32 @!p0 $0xF7A, s2;
	p2 =	seq.s32 @!p0 s5, $0x0  }
0x1f: {  	s9 =	smul.u32 $0xF7A, s1;
	s8 =	simm.s32 @!p0 $0x1BF5;
	p2 =	por !p2, p0  }
0x20: {  	[sflag:s8] =	ssyncset.s32 @!p0 $0xFFFFF086;
	s6 =	sadd.s32 @!p0 s3, s7;
	s7 =	simm.s32 @!p0 $0x108  }
0x21: {  	s3 =	sadd.s32 s3, s9;
	s6 =	sadd.s32 @!p0 $0x88, s6;
	s7 =	simm.s32 @p2 $0x1082  }
0x22: {  	[simem:s7], [sflag:s8] =	dma.local @!p0 [hbm:s6], $0xF7A  }
0x23: {  	s9 =	sor.u32 $0xD0000000, s2;
	s6 =	simm.s32 $0x108;
	_ =	swait.ge @!p0 [sflag:s8], $0x0  }
0x24: {  	s3 =	sadd.s32 $0x88, s3;
	s6 =	simm.s32 @!p1 $0x1082;
	[sflag:s4] =	ssyncset.s32 $0xFFFFF086  }
0x25: {  	[simem:s6], [sflag:s4] =	dma.local [hbm:s3], $0xF7A  }
0x26: {  	[smem:$0x3F98] =	sst s1;
	(tag) =	ssettag s2;
	_ =	strace s9  }
0x27: {  	s1 =	sld [smem:$0x3FA8]  }
0x28: {  	s2 =	sld [smem:$0x3FA9]  }
0x29: {  	s4 =	sld [smem:$0x3FAB]  }
0x2a: {  	p0 =	seq.s32 s5, $0x0;
	s5 =	sld [smem:$0x3FAC]  }
0x2b: {  	s6 =	sld [smem:$0x3FAD]  }
0x2c: {  	s7 =	sld [smem:$0x3FAE]  }
0x2d: {  	s3 =	simm.s32 $0x108;
	s8 =	sld [smem:$0x3FAF]  }
0x2e: {  	s3 =	simm.s32 @!p0 $0x1082;
	s9 =	sld [smem:$0x3FB0]  }
0x2f: {  	lr =	sadd.s32 s0, s3;
	s0 =	sld [smem:$0x3FA7]  }
0x30: {  	s3 =	sld [smem:$0x3FAA]  }
0x31: {  	[smem:$0x3FB3] =	sst s10  }
0x32: {  	s10 =	sld [smem:$0x3FB1];
	_ =	sdelay $0x3  }
0x33: {  	p0 =	seq.s32 s10, $0x1;
	s10 =	sld [smem:$0x3FB3];
	_ =	sdelay $0x3  }
0x34: {  	[smem:$0x3FB3] =	sst s10  }
0x35: {  	s10 =	sld [smem:$0x3FB2];
	_ =	sdelay $0x3  }
0x36: {  	p1 =	seq.s32 s10, $0x1;
	s10 =	sld [smem:$0x3FB3];
	_ =	sdelay $0x3  }
0x37: {  	[smem:$0x3FB3] =	sst s10  }
0x38: {  	s10 =	sld [smem:$0x3FB4]  }
0x39: {  	_ = 	snop;
	(pc) =	sbr.ind lr, $3  }
0x3a: {  	_ = 	snop  }
0x3b: {  	_ = 	snop  }
0x3c: {  	p2 =	seq.s32 s10, $0x1;
	s10 =	sld [smem:$0x3FB3]  }
0x3d: {  	_ =	shalt  }
0x3e: {  	_ =	shalt  }
0x3f: {  	_ =	shalt  }
0x40: {  	_ =	shalt  }
0x41: {  	_ =	shalt  }
0x42: {  	_ =	shalt  }
0x43: {  	_ =	shalt  }
0x44: {  	_ =	shalt  }
0x45: {  	_ =	shalt  }
0x46: {  	_ =	shalt  }
0x47: {  	_ =	shalt  }
0x48: {  	_ =	shalt  }
0x49: {  	_ =	shalt  }
0x4a: {  	_ =	shalt  }
0x4b: {  	_ =	shalt  }
0x4c: {  	_ =	shalt  }
0x4d: {  	_ =	shalt  }
0x4e: {  	_ =	shalt  }
0x4f: {  	_ =	shalt  }
0x50: {  	_ =	shalt  }
0x51: {  	_ =	shalt  }
0x52: {  	_ =	shalt  }
0x53: {  	_ =	shalt  }
0x54: {  	_ =	shalt  }
0x55: {  	_ =	shalt  }
0x56: {  	_ =	shalt  }
0x57: {  	_ =	shalt  }
0x58: {  	_ =	shalt  }
0x59: {  	_ =	shalt  }
0x5a: {  	_ =	shalt  }
0x5b: {  	_ =	shalt  }
0x5c: {  	_ =	shalt  }
0x5d: {  	_ =	shalt  }
0x5e: {  	_ =	shalt  }
0x5f: {  	_ =	shalt  }
0x60: {  	_ =	shalt  }
0x61: {  	_ =	shalt  }
0x62: {  	_ =	shalt  }
0x63: {  	_ =	shalt  }
0x64: {  	_ =	shalt  }
0x65: {  	_ =	shalt  }
0x66: {  	_ =	shalt  }
0x67: {  	_ =	shalt  }
0x68: {  	_ =	shalt  }
0x69: {  	_ =	shalt  }
0x6a: {  	_ =	shalt  }
0x6b: {  	_ =	shalt  }
0x6c: {  	_ =	shalt  }
0x6d: {  	_ =	shalt  }
0x6e: {  	_ =	shalt  }
0x6f: {  	_ =	shalt  }
0x70: {  	_ =	shalt  }
0x71: {  	_ =	shalt  }
0x72: {  	_ =	shalt  }
0x73: {  	_ =	shalt  }
0x74: {  	_ =	shalt  }
0x75: {  	_ =	shalt  }
0x76: {  	_ =	shalt  }
0x77: {  	_ =	shalt  }
0x78: {  	_ =	shalt  }
0x79: {  	_ =	shalt  }
0x7a: {  	_ =	shalt  }
0x7b: {  	_ =	shalt  }
0x7c: {  	_ =	shalt  }
0x7d: {  	_ =	shalt  }
0x7e: {  	_ =	shalt  }
0x7f: {  	_ =	shalt  }
0x80: {  	_ =	shalt  }
0x81: {  	_ =	shalt  }
0x82: {  	_ =	shalt  }
0x83: {  	_ =	shalt  }
0x84: {  	_ =	shalt  }
0x85: {  	_ =	shalt  }
0x86: {  	_ =	shalt  }
0x87: {  	_ =	shalt  }
.Lfunc_end0:
.L_simem_size_0:
called_computation.2_lowered:
.L_overlay_start_0:
0x88: {  	s2 =	sld [smem:$0x3FD9]  }
0x89: {  	s3 =	sld [smem:$0x3FFE];
	_ =	sdelay $0x1  }
0x8a: {  	s1 =	srdreg.scid  }
0x8b: {  	s0 =	sand.u32 $0x1, s1  }
0x8c: {  	s16 =	sshll.u32 s0, $0xA;
	s2 =	sadd.s32 s3, s2  }
0x8d: {  	s2 =	sadd.s32 s2, s16  }
0x8e: {  	[smem:$0x3FBF] =	sst s2  }
0x8f: {  	_ = 	snop  }
0x90: {  	(tm) =	ssettm $0x1  }
0x91: {  	s17 =	sld [smem:$0x3FFB];
	_ =	sdelay $0x3  }
0x92: {  	_ =	strace s17  }
0x93: {  	s2 =	sld [smem:$0x3FFC];
	_ =	sdelay $0x3  }
0x94: {  	_ =	strace s2  }
0x95: {  	s2 =	sld [smem:$0x3FFD];
	_ =	sdelay $0x3  }
0x96: {  	_ =	strace s2  }
0x97: {  	_ =	strace $0x8FFFFFFF  }
0x98: {  	s18 =	sld [smem:$0x3FDB];
	_ =	sdelay $0x1  }
0x99: {  	s19 =	simm.s32 $_scs_section_size  }
0x9a: {  	s4 =	simm.s32 $_size__tile_overlayer_lowered;
	s5 =	simm.s32 $_tile_overlayer_lowered  }
0x9b: {  	s22 =	simm.s32 $0x1BFF;
	s21 =	sshll.u32 s5, $0x1;
	s2 =	sadd.s32 s19, s18  }
0x9c: {  	s6 =	simm.s32 $0x0;
	s20 =	sshll.u32 s4, $0x1;
	s4 =	sadd.s32 s21, s2  }
0x9d: {  	[timem:s6], [sflag:s22] =	dma.local [hbm:s4], s20  }
0x9e: {  	_ =	swait.ge [sflag:s22], s20  }
0x9f: {  	s3 =	ssub.s32 $0x0, s20;
	[sflag:s22] =	ssyncset.done $0x0  }
0xa0: {  	[sflag:s22] =	ssyncadd.s32 s3;
	_ =	sdelay $0x1  }
0xa1: {  	s23 =	simm.s32 $0x1B8B  }
0xa2: {  	_ =	swait.ge [sflag:s23], $0x1  }
0xa3: {  	[sflag:s23] =	ssyncset.done $0x0  }
0xa4: {  	s25 =	simm.s32 $0x1B8E;
	s24 =	sld [smem:$0x3FFE];
	[sflag:s23] =	ssyncadd.s32 $0xFFFFFFFF  }
0xa5: {  	s26 =	simm.s32 $execute0_lowered;
	[smem:$0x3FD2] =	sst s25  }
0xa6: {  	s4 =	sshll.u32 s26, $0x1;
	_ =	strace $0x8000004C;
	[dreg:$0x1] =	wrdreg $0xFFFFFFFF  }
0xa7: {  	s28 =	simm.s32 $_size_execute0_lowered;
	s2 =	sadd.s32 s2, s4;
	[dreg:$0x0] =	wrdreg $0x0  }
0xa8: {  	s4 =	sshll.u32 s28, $0x1;
	[dreg:$0x2] =	wrdreg s2  }
0xa9: {  	[dreg:$0x3] =	wrdreg s4  }
0xaa: {  	[dreg:$0x4] =	wrdreg $0xC0  }
0xab: {  	_ =	task [dreg:s6], $0x5FFFF  }
0xac: {  	[dreg:$0x1] =	wrdreg $0xFFFFFFFF  }
0xad: {  	[dreg:$0x0] =	wrdreg $0x60  }
0xae: {  	[dreg:$0x2] =	wrdreg s24  }
0xaf: {  	[dreg:$0x3] =	wrdreg $0x0  }
0xb0: {  	[dreg:$0x4] =	wrdreg $0x9  }
0xb1: {  	_ =	task.clear_ibuf [dreg:s6], $0x5FFFF;
	_ =	strace $0x9000004C  }
0xb2: {  	s29 =	simm.s32 $0x9;
	_ =	strace $0x8000004E  }
0xb3: {  	_ =	swait.ge [sflag:s29], $0x1  }
0xb4: {  	[sflag:s29] =	ssyncadd.s32 $0xFFFFFFFF  }
0xb5: {  	_ =	strace $0x9000004E  }
0xb6: {  	_ =	sfence  }
0xb7: {  	s30 =	sld [smem:$0x0];
	_ =	sdelay $0x2  }
0xb8: {  	s31 =	sshll.u32 s1, $0xD;
	s1 =	sshrl.u32 s1, $0x2  }
0xb9: {  	s3 =	sand.u32 $0x4000, s31;
	s1 =	sadd.s32 s1, s30  }
0xba: {  	s0 =	sor.u32 s3, s0;
	s1 =	sshll.u32 s1, $0x11  }
0xbb: {  	s0 =	sor.u32 s1, s0  }
0xbc: {  	s0 =	sadd.s32 $0x8F2B, s0  }
0xbd: {  	[sflag:s0] =	ssyncadd.remote.s32 $0x1  }
0xbe: {  	_ =	sfence.sel $0xFFFF  }
0xbf: {  	[dreg:$0x0] =	wrdreg $0xFFFFFFFF;
	(pc) =	sbr.abs _section_cstart, $3  }
0xc0: {  	[dreg:$0x1] =	wrdreg $0xFFFFFFFF  }
0xc1: {  	_ =	task.clear_ibuf [dreg:s6], $0x2FFFF;
	_ =	strace $0x9FFFFFFF  }
0xc2: {  	(tm) =	ssettm $0x7FFFFFFF  }
0xc3: {  	_ =	shalt  }
tec
execute0_lowered:
.L_overlay_start_1:
0x0: {  	(tag) =	ssettag $0x1  }
0x1: {  	s8 =	rddreg [dreg:$0x0]  }
0x2: {  	s1 =	rddreg [dreg:$0x1]  }
0x3: {  	s0 =	rddreg [dreg:$0x2];
	s2 =	simm.s32 $0x0;
	s6 =	srdreg.scid  }
0x4: {  	s3 =	stileid.u32;
	s23 =	simm.s32 $0x13C80;
	s24 =	simm.s32 $0x80  }
0x5: {  	s25 =	simm.s32 $0x1;
	s26 =	simm.s32 $0x0;
	[smem:$0x7FF] =	sst s2  }
0x6: {  	s4 =	sadd.s32 $0xC600, s8;
	s5 =	sadd.s32 $0x5BE00, s8;
	s9 =	sand.u32 $0x1, s6  }
0x7: {  	s6 =	sadd.s32 $0x1E00, s8;
	s11 =	smul.u32 $0x4F000, s3;
	s7 =	sadd.s32 $0xBE00, s8  }
0x8: {  	s18 =	sadd.s32 $0x65E00, s8;
	s12 =	sshll.u32 s3, $0x1;
	s13 =	smul.u32 $0x13C00, s3  }
0x9: {  	_ =	strace $0x8000004D;
	s10 =	ssub.s32 $0x2, s9;
	s14 =	sor.u32 s9, s12  }
0xa: {  	s17 =	smul.u32 $0x13C000, s9;
	s30 =	sshrl.u32 s10, $0x1;
	s11 =	sshrl.u32 s11, $0x2  }
0xb: {  	s15 =	sadd.s32 $0x4000, s13;
	s16 =	sadd.s32 $0x8000, s13;
	s20 =	sadd.s32 $0xC000, s13  }
0xc: {  	s21 =	sadd.s32 $0x10000, s13;
	s19 =	ssub.s32 s10, s30;
	s8 =	sadd.s32 s11, s1  }
0xd: {  	s9 =	sadd.s32 s15, s1;
	s10 =	sadd.s32 s16, s1;
	s11 =	sadd.s32 s20, s1  }
0xe: {  	s13 =	sadd.s32 s13, s17;
	s12 =	sadd.s32 s21, s1;
	s15 =	sadd.s32 s17, s15  }
0xf: {  	s16 =	sadd.s32 s17, s16;
	s20 =	sadd.s32 s17, s20;
	s21 =	sadd.s32 s17, s21  }
0x10: {  	s22 =	sshrl.u32 s13, $0x3;
	s13 =	smul.u32 $0x2800, s14;
	s15 =	sshrl.u32 s15, $0x3  }
0x11: {  	s16 =	sshrl.u32 s16, $0x3;
	s20 =	sshrl.u32 s20, $0x3;
	s31 =	sshrl.u32 s21, $0x3  }
0x12: {  	s19 =	smax.u32 s19, $0x1;
	s21 =	simm.s32 $0x2;
	s14 =	sadd.s32 s18, s22  }
0x13: {  	s15 =	sadd.s32 s18, s15;
	s16 =	sadd.s32 s18, s16;
	s17 =	sadd.s32 s18, s20  }
0x14: {  	s18 =	sadd.s32 s18, s31;
	s20 =	simm.s32 $0x13D00;
	s22 =	simm.s32 $0x13C00  }
.LBB2_1:
0x15: {  	[tilespmem:s20], [sflag:$0x2] =	stream.linear.gather [hbm4b:s7+s2], $0x4000, $0x38;
	[tilespmem:$0x17D00] =	vst v63  }
0x16: {  	_ =	swait.ge [sflag:s21], $0x4000  }
0x17: {  	[sflag:s21] =	ssyncset.done $0x0  }
0x18: {  	[sflag:s21] =	ssyncadd.s32 $0xFFFFC000  }
0x19: {  	[spmem:s8] =	stream.linear.scatter [tilespmem:s20], [sflag:$0x2], $0x4000, $0x38;
	[tilespmem:$0x17D00] =	vst v63  }
0x1a: {  	_ =	swait.ge [sflag:s21], $0x4000  }
0x1b: {  	[sflag:s21] =	ssyncset.done $0x0  }
0x1c: {  	[sflag:s21] =	ssyncadd.s32 $0xFFFFC000  }
0x1d: {  	[spmem:s9] =	stream.linear.scatter [tilespmem:s20], [sflag:$0x2], $0x4000, $0x38;
	[tilespmem:$0x17D00] =	vst v63  }
0x1e: {  	_ =	swait.ge [sflag:s21], $0x4000  }
0x1f: {  	[sflag:s21] =	ssyncset.done $0x0  }
0x20: {  	[sflag:s21] =	ssyncadd.s32 $0xFFFFC000  }
0x21: {  	[spmem:s10] =	stream.linear.scatter [tilespmem:s20], [sflag:$0x2], $0x4000, $0x38;
	[tilespmem:$0x17D00] =	vst v63  }
0x22: {  	_ =	swait.ge [sflag:s21], $0x4000  }
0x23: {  	[sflag:s21] =	ssyncset.done $0x0  }
0x24: {  	[sflag:s21] =	ssyncadd.s32 $0xFFFFC000  }
0x25: {  	[spmem:s11] =	stream.linear.scatter [tilespmem:s20], [sflag:$0x2], $0x4000, $0x38;
	[tilespmem:$0x17D00] =	vst v63  }
0x26: {  	_ =	swait.ge [sflag:s21], $0x4000  }
0x27: {  	[sflag:s21] =	ssyncset.done $0x0  }
0x28: {  	s28 =	sand.u32 $0x3C00, s2;
	[sflag:s21] =	ssyncadd.s32 $0xFFFFC000  }
0x29: {  	[spmem:s12] =	stream.linear.scatter [tilespmem:s20], [sflag:$0x2], $0x3C00, $0x38;
	[tilespmem:$0x17D00] =	vst v63  }
0x2a: {  	s29 =	sand.u32 $0x380, s2;
	s28 =	sadd.s32 s13, s28;
	_ =	swait.ge [sflag:s21], $0x3C00  }
0x2b: {  	s28 =	sor.u32 s29, s28;
	[sflag:s21] =	ssyncset.done $0x0  }
0x2c: {  	s28 =	sshrl.u32 s28, $0x3;
	[sflag:s21] =	ssyncadd.s32 $0xFFFFC400  }
0x2d: {  	s29 =	sadd.s32 s5, s28;
	[bflag:$0x0] =	sbarrier.arrive $0xFFFF  }
0x2e: {  	[tilespmem:s22], [sflag:$0x2] =	stream.linear.gather [hbm4b:s29+s2], $0x80, $0x38;
	[tilespmem:$0x17D00] =	vst v63  }
0x2f: {  	_ =	swait.ge [sflag:s21], $0x80  }
0x30: {  	[sflag:s21] =	ssyncset.done $0x0  }
0x31: {  	s28 =	sadd.s32 s6, s28;
	[sflag:s21] =	ssyncadd.s32 $0xFFFFFF80  }
0x32: {  	[tilespmem:s23], [sflag:$0x2] =	stream.linear.gather [hbm4b:s28+s2], $0x80, $0x38;
	[tilespmem:$0x17D00] =	vst v63  }
0x33: {  	_ =	swait.ge [sflag:s21], $0x80  }
0x34: {  	[sflag:s21] =	ssyncset.done $0x0  }
0x35: {  	[sflag:s21] =	ssyncadd.s32 $0xFFFFFF80  }
0x36: {  	[tilespmem:s20], [sflag:$0x1] =	stream.indirect.gather [hbm4b:s4+s24], $0x80, s22, s24, $0xb8;
	[tilespmem:$0x17D00] =	vst v63  }
0x37: {  	_ =	swait.ge [sflag:s25], $0x4000  }
0x38: {  	s28 =	simm.s32 $0x80;
	[sflag:s25] =	ssyncset.done $0x0  }
0x39: {  	s29 =	sand.u32 $0x3C00, s28;
	[sflag:s25] =	ssyncadd.s32 $0xFFFFC000  }
0x3a: {  	[spmem:s1] =	stream.indirect.scatter.add.f32 [tilespmem:s20], [sflag:$0x2], $0x80, s23, s24, $0xb8;
	[tilespmem:$0x17D00] =	vst v63  }
0x3b: {  	s30 =	sand.u32 $0x380, s28;
	s29 =	sadd.s32 s13, s29;
	_ =	swait.ge [sflag:s21], $0x4000  }
0x3c: {  	s28 =	simm.s32 $0x100;
	s29 =	sor.u32 s30, s29;
	[sflag:s21] =	ssyncset.done $0x0  }
.LBB2_2:
0x3d: {  	s29 =	sshrl.u32 s29, $0x3  }
0x3e: {  	[sflag:s21] =	ssyncadd.s32 $0xFFFFC000;
	s30 =	smov.u32 s28;
	s31 =	sadd.s32 $0x80, s28  }
0x3f: {  	p0 =	sne.s32 s28, $0x2700;
	s28 =	sadd.s32 s5, s29  }
0x40: {  	[tilespmem:s22], [sflag:$0x2] =	stream.linear.gather [hbm4b:s28+s2], $0x80, $0x38;
	[tilespmem:$0x17D00] =	vst v63  }
0x41: {  	_ =	swait.ge [sflag:s21], $0x80  }
0x42: {  	[sflag:s21] =	ssyncset.done $0x0  }
0x43: {  	s28 =	sadd.s32 s6, s29;
	[sflag:s21] =	ssyncadd.s32 $0xFFFFFF80  }
0x44: {  	[tilespmem:s23], [sflag:$0x2] =	stream.linear.gather [hbm4b:s28+s2], $0x80, $0x38;
	[tilespmem:$0x17D00] =	vst v63  }
0x45: {  	_ =	swait.ge [sflag:s21], $0x80  }
0x46: {  	[sflag:s21] =	ssyncset.done $0x0  }
0x47: {  	[sflag:s21] =	ssyncadd.s32 $0xFFFFFF80  }
0x48: {  	[tilespmem:s20], [sflag:$0x1] =	stream.indirect.gather [hbm4b:s4+s24], $0x80, s22, s24, $0xb8;
	[tilespmem:$0x17D00] =	vst v63  }
0x49: {  	_ =	swait.ge [sflag:s25], $0x4000  }
.Ltmp0:
0x4a: {  	[sflag:s25] =	ssyncset.done $0x0;
	(pc) =	sbr.rel @p0 .LBB2_2-.Ltmp0, $4  }
0x4b: {  	s28 =	sand.u32 $0x3C00, s30;
	[sflag:s25] =	ssyncadd.s32 $0xFFFFC000  }
0x4c: {  	[spmem:s1] =	stream.indirect.scatter.add.f32 [tilespmem:s20], [sflag:$0x2], $0x80, s23, s24, $0xb8;
	[tilespmem:$0x17D00] =	vst v63  }
0x4d: {  	s29 =	sand.u32 $0x380, s30;
	s28 =	sadd.s32 s13, s28;
	_ =	swait.ge [sflag:s21], $0x4000  }
0x4e: {  	s29 =	sor.u32 s29, s28;
	s28 =	smov.u32 s31;
	[sflag:s21] =	ssyncset.done $0x0  }
0x4f: {  	s28 =	sshrl.u32 s29, $0x3  }
0x50: {  	[sflag:s21] =	ssyncadd.s32 $0xFFFFC000;
	s29 =	sadd.s32 s5, s28  }
0x51: {  	[tilespmem:s22], [sflag:$0x2] =	stream.linear.gather [hbm4b:s29+s2], $0x80, $0x38;
	[tilespmem:$0x17D00] =	vst v63  }
0x52: {  	_ =	swait.ge [sflag:s21], $0x80  }
0x53: {  	[sflag:s21] =	ssyncset.done $0x0  }
0x54: {  	s28 =	sadd.s32 s6, s28;
	[sflag:s21] =	ssyncadd.s32 $0xFFFFFF80  }
0x55: {  	[tilespmem:s23], [sflag:$0x2] =	stream.linear.gather [hbm4b:s28+s2], $0x80, $0x38;
	[tilespmem:$0x17D00] =	vst v63  }
0x56: {  	_ =	swait.ge [sflag:s21], $0x80  }
0x57: {  	[sflag:s21] =	ssyncset.done $0x0  }
0x58: {  	[sflag:s21] =	ssyncadd.s32 $0xFFFFFF80  }
0x59: {  	[tilespmem:s20], [sflag:$0x1] =	stream.indirect.gather [hbm4b:s4+s24], $0x80, s22, s24, $0xb8;
	[tilespmem:$0x17D00] =	vst v63  }
0x5a: {  	_ =	swait.ge [sflag:s25], $0x4000  }
0x5b: {  	[sflag:s25] =	ssyncset.done $0x0  }
0x5c: {  	[sflag:s25] =	ssyncadd.s32 $0xFFFFC000  }
0x5d: {  	[spmem:s1] =	stream.indirect.scatter.add.f32 [tilespmem:s20], [sflag:$0x2], $0x80, s23, s24, $0xb8;
	[tilespmem:$0x17D00] =	vst v63  }
0x5e: {  	_ =	swait.ge [sflag:s21], $0x4000  }
0x5f: {  	[sflag:s21] =	ssyncset.done $0x0  }
0x60: {  	[sflag:s21] =	ssyncadd.s32 $0xFFFFC000  }
0x61: {  	[bflag:$0x0] =	sbarrier.arrive $0xFFFF  }
0x62: {  	[tilespmem:s20], [sflag:$0x2] =	stream.linear.gather [spmem:s8], $0x4000, $0x38;
	[tilespmem:$0x17D00] =	vst v63  }
0x63: {  	_ =	swait.ge [sflag:s21], $0x4000  }
0x64: {  	[sflag:s21] =	ssyncset.done $0x0  }
0x65: {  	[sflag:s21] =	ssyncadd.s32 $0xFFFFC000  }
0x66: {  	[hbm4b:s14+s2] =	stream.linear.scatter [tilespmem:s20], [sflag:$0x2], $0x4000, $0x38;
	[tilespmem:$0x17D00] =	vst v63  }
0x67: {  	_ =	swait.ge [sflag:s21], $0x4000  }
0x68: {  	[sflag:s21] =	ssyncset.done $0x0  }
0x69: {  	[sflag:s21] =	ssyncadd.s32 $0xFFFFC000  }
0x6a: {  	[tilespmem:s20], [sflag:$0x2] =	stream.linear.gather [spmem:s9], $0x4000, $0x38;
	[tilespmem:$0x17D00] =	vst v63  }
0x6b: {  	_ =	swait.ge [sflag:s21], $0x4000  }
0x6c: {  	[sflag:s21] =	ssyncset.done $0x0  }
0x6d: {  	[sflag:s21] =	ssyncadd.s32 $0xFFFFC000  }
0x6e: {  	[hbm4b:s15+s2] =	stream.linear.scatter [tilespmem:s20], [sflag:$0x2], $0x4000, $0x38;
	[tilespmem:$0x17D00] =	vst v63  }
0x6f: {  	_ =	swait.ge [sflag:s21], $0x4000  }
0x70: {  	[sflag:s21] =	ssyncset.done $0x0  }
0x71: {  	[sflag:s21] =	ssyncadd.s32 $0xFFFFC000  }
0x72: {  	[tilespmem:s20], [sflag:$0x2] =	stream.linear.gather [spmem:s10], $0x4000, $0x38;
	[tilespmem:$0x17D00] =	vst v63  }
0x73: {  	_ =	swait.ge [sflag:s21], $0x4000  }
0x74: {  	[sflag:s21] =	ssyncset.done $0x0  }
0x75: {  	[sflag:s21] =	ssyncadd.s32 $0xFFFFC000  }
0x76: {  	[hbm4b:s16+s2] =	stream.linear.scatter [tilespmem:s20], [sflag:$0x2], $0x4000, $0x38;
	[tilespmem:$0x17D00] =	vst v63  }
0x77: {  	_ =	swait.ge [sflag:s21], $0x4000  }
0x78: {  	[sflag:s21] =	ssyncset.done $0x0  }
0x79: {  	[sflag:s21] =	ssyncadd.s32 $0xFFFFC000  }
0x7a: {  	[tilespmem:s20], [sflag:$0x2] =	stream.linear.gather [spmem:s11], $0x4000, $0x38;
	[tilespmem:$0x17D00] =	vst v63  }
0x7b: {  	_ =	swait.ge [sflag:s21], $0x4000  }
0x7c: {  	[sflag:s21] =	ssyncset.done $0x0  }
0x7d: {  	[sflag:s21] =	ssyncadd.s32 $0xFFFFC000  }
0x7e: {  	[hbm4b:s17+s2] =	stream.linear.scatter [tilespmem:s20], [sflag:$0x2], $0x4000, $0x38;
	[tilespmem:$0x17D00] =	vst v63  }
0x7f: {  	_ =	swait.ge [sflag:s21], $0x4000  }
0x80: {  	[sflag:s21] =	ssyncset.done $0x0  }
0x81: {  	[sflag:s21] =	ssyncadd.s32 $0xFFFFC000  }
0x82: {  	[tilespmem:s20], [sflag:$0x2] =	stream.linear.gather [spmem:s12], $0x3C00, $0x38;
	[tilespmem:$0x17D00] =	vst v63  }
0x83: {  	s26 =	sadd.s32 $0x1, s26;
	_ =	swait.ge [sflag:s21], $0x3C00  }
0x84: {  	p0 =	sne.s32 s26, s19;
	[sflag:s21] =	ssyncset.done $0x0  }
.Ltmp1:
0x85: {  	[sflag:s21] =	ssyncadd.s32 $0xFFFFC400;
	(pc) =	sbr.rel @p0 .LBB2_1-.Ltmp1, $4  }
0x86: {  	[hbm4b:s18+s2] =	stream.linear.scatter [tilespmem:s20], [sflag:$0x2], $0x3C00, $0x38;
	[tilespmem:$0x17D00] =	vst v63  }
0x87: {  	_ =	swait.ge [sflag:s21], $0x3C00  }
0x88: {  	[sflag:s21] =	ssyncset.done $0x0  }
0x89: {  	[sflag:s21] =	ssyncadd.s32 $0xFFFFC400  }
0x8a: {  	_ =	sfence.sel $0x180000  }
0x8b: {  	[bflag:$0x0] =	sbarrier.arrive $0xFFFF  }
0x8c: {  	p0 =	sne.s32 s3, $0x0;
	_ =	strace $0x9000004D  }
0x8d: {  	s0 =	sadd.s32 @!p0 $0x100000, s0;
	[bflag:$0x2] =	sbarrier.arrive $0xFFFF  }
0x8e: {  	[sflag:s0] =	ssyncadd.tile.s32 @!p0 $0x1;
	_ =	shalt  }
.Lfunc_end2:
_tile_overlayer_lowered:
.L_overlay_start_2:
0x8f: {  	(tag) =	ssettag $0x2  }
0x90: {  	s0 =	rddreg [dreg:$0x0];
	s2 =	stileid.u32  }
0x91: {  	s1 =	rddreg [dreg:$0x1];
	p0 =	sne.s32 s2, $0x0  }
0x92: {  	s3 =	rddreg [dreg:$0x2];
	[bflag:$0x3] =	sbarrier.arrive $0xFFFF;
	s2 =	simm.s32 @!p0 $0x1C02  }
0x93: {  	[timem:s3], [sflag:s2] =	dma.local @!p0 [hbm:s0], s1  }
0x94: {  	s0 =	simm.s32 @!p0 $0x2  }
0x95: {  	_ =	swait.ge @!p0 [sflag:s0], s1  }
0x96: {  	s1 =	ssub.s32 @!p0 $0x0, s1;
	[sflag:s0] =	ssyncset.done @!p0 $0x0  }
0x97: {  	[sflag:s0] =	ssyncadd.s32 @!p0 s1  }
0x98: {  	[bflag:$0x3] =	sbarrier.arrive $0xFFFF  }
0x99: {  	_ =	shalt  }

// kernel: kernel.7.cloned.1.call-start
scs
__scs_entry_jumppad:
0x0: {  	(pc) =	sbr.rel $0x88, $3  }
0x1: {  	(tag) =	ssettag $0x0;
	lr =	simm.s32 $0x1  }
0x2: {  	[smem:$0x3F98] =	sst lr;
	_ =	strace $0xD0000000  }
0x3: {  	_ = 	snop  }
0x4: {  	_ = 	snop  }
0x5: {  	_ = 	snop  }
0x6: {  	_ = 	snop  }
0x7: {  	_ = 	snop  }
__scs_overlays_trampoline_lowered:
0x8: {  	[smem:$0x3FA7] =	sst s0  }
0x9: {  	[smem:$0x3FA8] =	sst s1  }
0xa: {  	[smem:$0x3FA9] =	sst s2  }
0xb: {  	[smem:$0x3FAA] =	sst s3  }
0xc: {  	[smem:$0x3FAB] =	sst s4  }
0xd: {  	[smem:$0x3FAC] =	sst s5  }
0xe: {  	[smem:$0x3FAD] =	sst s6  }
0xf: {  	[smem:$0x3FAE] =	sst s7  }
0x10: {  	[smem:$0x3FAF] =	sst s8  }
0x11: {  	[smem:$0x3FB0] =	sst s9;
	s0 =	simm.s32 @!p0 $0x0  }
0x12: {  	s1 =	sld [smem:$0x3F96];
	s0 =	simm.s32 @p0 $0x1  }
0x13: {  	[smem:$0x3FB1] =	sst s0;
	s0 =	simm.s32 @!p1 $0x0  }
0x14: {  	s2 =	sld [smem:$0x3F95];
	s0 =	simm.s32 @p1 $0x1  }
0x15: {  	[smem:$0x3FB2] =	sst s0;
	s0 =	simm.s32 @!p2 $0x0  }
0x16: {  	s3 =	sld [smem:$0x3FDB];
	s0 =	simm.s32 @p2 $0x1  }
0x17: {  	s4 =	simm.s32 $0x1BF5;
	[smem:$0x3FB4] =	sst s0  }
0x18: {  	s0 =	sld [smem:$0x3F97];
	_ =	swait.ge [sflag:s4], $0x0  }
0x19: {  	s7 =	sld [smem:$0x3F98]  }
0x1a: {  	s8 =	sadd.s32 $0xFFFFE003, lr  }
0x1b: {  	s9 =	sadd.s32 $0xFFFFFEF7, lr;
	s5 =	simm.s32 $0xFFFFFFFF;
	p2 =	slt.u32 s8, $0xFFFFF086  }
0x1c: {  	p1 =	slt.u32 s9, $0xF7A;
	s5 =	simm.s32 @!p2 $0x0  }
0x1d: {  	s5 =	simm.s32 @p1 $0x1;
	p0 =	seq.s32 s7, s2  }
0x1e: {  	s7 =	smul.u32 @!p0 $0xF7A, s2;
	p2 =	seq.s32 @!p0 s5, $0x0  }
0x1f: {  	s9 =	smul.u32 $0xF7A, s1;
	s8 =	simm.s32 @!p0 $0x1BF5;
	p2 =	por !p2, p0  }
0x20: {  	[sflag:s8] =	ssyncset.s32 @!p0 $0xFFFFF086;
	s6 =	sadd.s32 @!p0 s3, s7;
	s7 =	simm.s32 @!p0 $0x108  }
0x21: {  	s3 =	sadd.s32 s3, s9;
	s6 =	sadd.s32 @!p0 $0x88, s6;
	s7 =	simm.s32 @p2 $0x1082  }
0x22: {  	[simem:s7], [sflag:s8] =	dma.local @!p0 [hbm:s6], $0xF7A  }
0x23: {  	s9 =	sor.u32 $0xD0000000, s2;
	s6 =	simm.s32 $0x108;
	_ =	swait.ge @!p0 [sflag:s8], $0x0  }
0x24: {  	s3 =	sadd.s32 $0x88, s3;
	s6 =	simm.s32 @!p1 $0x1082;
	[sflag:s4] =	ssyncset.s32 $0xFFFFF086  }
0x25: {  	[simem:s6], [sflag:s4] =	dma.local [hbm:s3], $0xF7A  }
0x26: {  	[smem:$0x3F98] =	sst s1;
	(tag) =	ssettag s2;
	_ =	strace s9  }
0x27: {  	s1 =	sld [smem:$0x3FA8]  }
0x28: {  	s2 =	sld [smem:$0x3FA9]  }
0x29: {  	s4 =	sld [smem:$0x3FAB]  }
0x2a: {  	p0 =	seq.s32 s5, $0x0;
	s5 =	sld [smem:$0x3FAC]  }
0x2b: {  	s6 =	sld [smem:$0x3FAD]  }
0x2c: {  	s7 =	sld [smem:$0x3FAE]  }
0x2d: {  	s3 =	simm.s32 $0x108;
	s8 =	sld [smem:$0x3FAF]  }
0x2e: {  	s3 =	simm.s32 @!p0 $0x1082;
	s9 =	sld [smem:$0x3FB0]  }
0x2f: {  	lr =	sadd.s32 s0, s3;
	s0 =	sld [smem:$0x3FA7]  }
0x30: {  	s3 =	sld [smem:$0x3FAA]  }
0x31: {  	[smem:$0x3FB3] =	sst s10  }
0x32: {  	s10 =	sld [smem:$0x3FB1];
	_ =	sdelay $0x3  }
0x33: {  	p0 =	seq.s32 s10, $0x1;
	s10 =	sld [smem:$0x3FB3];
	_ =	sdelay $0x3  }
0x34: {  	[smem:$0x3FB3] =	sst s10  }
0x35: {  	s10 =	sld [smem:$0x3FB2];
	_ =	sdelay $0x3  }
0x36: {  	p1 =	seq.s32 s10, $0x1;
	s10 =	sld [smem:$0x3FB3];
	_ =	sdelay $0x3  }
0x37: {  	[smem:$0x3FB3] =	sst s10  }
0x38: {  	s10 =	sld [smem:$0x3FB4]  }
0x39: {  	_ = 	snop;
	(pc) =	sbr.ind lr, $3  }
0x3a: {  	_ = 	snop  }
0x3b: {  	_ = 	snop  }
0x3c: {  	p2 =	seq.s32 s10, $0x1;
	s10 =	sld [smem:$0x3FB3]  }
0x3d: {  	_ =	shalt  }
0x3e: {  	_ =	shalt  }
0x3f: {  	_ =	shalt  }
0x40: {  	_ =	shalt  }
0x41: {  	_ =	shalt  }
0x42: {  	_ =	shalt  }
0x43: {  	_ =	shalt  }
0x44: {  	_ =	shalt  }
0x45: {  	_ =	shalt  }
0x46: {  	_ =	shalt  }
0x47: {  	_ =	shalt  }
0x48: {  	_ =	shalt  }
0x49: {  	_ =	shalt  }
0x4a: {  	_ =	shalt  }
0x4b: {  	_ =	shalt  }
0x4c: {  	_ =	shalt  }
0x4d: {  	_ =	shalt  }
0x4e: {  	_ =	shalt  }
0x4f: {  	_ =	shalt  }
0x50: {  	_ =	shalt  }
0x51: {  	_ =	shalt  }
0x52: {  	_ =	shalt  }
0x53: {  	_ =	shalt  }
0x54: {  	_ =	shalt  }
0x55: {  	_ =	shalt  }
0x56: {  	_ =	shalt  }
0x57: {  	_ =	shalt  }
0x58: {  	_ =	shalt  }
0x59: {  	_ =	shalt  }
0x5a: {  	_ =	shalt  }
0x5b: {  	_ =	shalt  }
0x5c: {  	_ =	shalt  }
0x5d: {  	_ =	shalt  }
0x5e: {  	_ =	shalt  }
0x5f: {  	_ =	shalt  }
0x60: {  	_ =	shalt  }
0x61: {  	_ =	shalt  }
0x62: {  	_ =	shalt  }
0x63: {  	_ =	shalt  }
0x64: {  	_ =	shalt  }
0x65: {  	_ =	shalt  }
0x66: {  	_ =	shalt  }
0x67: {  	_ =	shalt  }
0x68: {  	_ =	shalt  }
0x69: {  	_ =	shalt  }
0x6a: {  	_ =	shalt  }
0x6b: {  	_ =	shalt  }
0x6c: {  	_ =	shalt  }
0x6d: {  	_ =	shalt  }
0x6e: {  	_ =	shalt  }
0x6f: {  	_ =	shalt  }
0x70: {  	_ =	shalt  }
0x71: {  	_ =	shalt  }
0x72: {  	_ =	shalt  }
0x73: {  	_ =	shalt  }
0x74: {  	_ =	shalt  }
0x75: {  	_ =	shalt  }
0x76: {  	_ =	shalt  }
0x77: {  	_ =	shalt  }
0x78: {  	_ =	shalt  }
0x79: {  	_ =	shalt  }
0x7a: {  	_ =	shalt  }
0x7b: {  	_ =	shalt  }
0x7c: {  	_ =	shalt  }
0x7d: {  	_ =	shalt  }
0x7e: {  	_ =	shalt  }
0x7f: {  	_ =	shalt  }
0x80: {  	_ =	shalt  }
0x81: {  	_ =	shalt  }
0x82: {  	_ =	shalt  }
0x83: {  	_ =	shalt  }
0x84: {  	_ =	shalt  }
0x85: {  	_ =	shalt  }
0x86: {  	_ =	shalt  }
0x87: {  	_ =	shalt  }
.Lfunc_end0:
.L_simem_size_0:
called_computation_lowered:
.L_overlay_start_0:
0x88: {  	s2 =	sld [smem:$0x3FD9]  }
0x89: {  	s3 =	sld [smem:$0x3FFE];
	_ =	sdelay $0x1  }
0x8a: {  	s1 =	srdreg.scid  }
0x8b: {  	s0 =	sand.u32 $0x1, s1  }
0x8c: {  	s16 =	sshll.u32 s0, $0xA;
	s2 =	sadd.s32 s3, s2  }
0x8d: {  	s2 =	sadd.s32 s2, s16  }
0x8e: {  	[smem:$0x3FBF] =	sst s2  }
0x8f: {  	_ = 	snop  }
0x90: {  	(tm) =	ssettm $0x1  }
0x91: {  	s17 =	sld [smem:$0x3FFB];
	_ =	sdelay $0x3  }
0x92: {  	_ =	strace s17  }
0x93: {  	s2 =	sld [smem:$0x3FFC];
	_ =	sdelay $0x3  }
0x94: {  	_ =	strace s2  }
0x95: {  	s2 =	sld [smem:$0x3FFD];
	_ =	sdelay $0x3  }
0x96: {  	_ =	strace s2  }
0x97: {  	_ =	strace $0x8FFFFFFF  }
0x98: {  	s18 =	sld [smem:$0x3FDB];
	_ =	sdelay $0x1  }
0x99: {  	s19 =	simm.s32 $_scs_section_size  }
0x9a: {  	s4 =	simm.s32 $_size__tile_overlayer_lowered;
	s5 =	simm.s32 $_tile_overlayer_lowered  }
0x9b: {  	s22 =	simm.s32 $0x1BFF;
	s21 =	sshll.u32 s5, $0x1;
	s2 =	sadd.s32 s19, s18  }
0x9c: {  	s6 =	simm.s32 $0x0;
	s20 =	sshll.u32 s4, $0x1;
	s4 =	sadd.s32 s21, s2  }
0x9d: {  	[timem:s6], [sflag:s22] =	dma.local [hbm:s4], s20  }
0x9e: {  	_ =	swait.ge [sflag:s22], s20  }
0x9f: {  	s3 =	ssub.s32 $0x0, s20;
	[sflag:s22] =	ssyncset.done $0x0  }
0xa0: {  	[sflag:s22] =	ssyncadd.s32 s3;
	_ =	sdelay $0x1  }
0xa1: {  	s23 =	simm.s32 $0x1B8B  }
0xa2: {  	_ =	swait.ge [sflag:s23], $0x1  }
0xa3: {  	[sflag:s23] =	ssyncset.done $0x0  }
0xa4: {  	s25 =	simm.s32 $0x1B8E;
	s24 =	sld [smem:$0x3FFE];
	[sflag:s23] =	ssyncadd.s32 $0xFFFFFFFF  }
0xa5: {  	s26 =	simm.s32 $execute0_lowered;
	[smem:$0x3FD2] =	sst s25  }
0xa6: {  	s4 =	sshll.u32 s26, $0x1;
	_ =	strace $0x80000046;
	[dreg:$0x1] =	wrdreg $0xFFFFFFFF  }
0xa7: {  	s28 =	simm.s32 $_size_execute0_lowered;
	s2 =	sadd.s32 s2, s4;
	[dreg:$0x0] =	wrdreg $0x0  }
0xa8: {  	s4 =	sshll.u32 s28, $0x1;
	[dreg:$0x2] =	wrdreg s2  }
0xa9: {  	[dreg:$0x3] =	wrdreg s4  }
0xaa: {  	[dreg:$0x4] =	wrdreg $0xC0  }
0xab: {  	_ =	task [dreg:s6], $0x5FFFF  }
0xac: {  	[dreg:$0x1] =	wrdreg $0xFFFFFFFF  }
0xad: {  	[dreg:$0x0] =	wrdreg $0x60  }
0xae: {  	[dreg:$0x2] =	wrdreg s24  }
0xaf: {  	[dreg:$0x3] =	wrdreg $0x0  }
0xb0: {  	[dreg:$0x4] =	wrdreg $0x9  }
0xb1: {  	_ =	task.clear_ibuf [dreg:s6], $0x5FFFF;
	_ =	strace $0x90000046  }
0xb2: {  	s29 =	simm.s32 $0x9;
	_ =	strace $0x80000048  }
0xb3: {  	_ =	swait.ge [sflag:s29], $0x1  }
0xb4: {  	[sflag:s29] =	ssyncadd.s32 $0xFFFFFFFF  }
0xb5: {  	_ =	strace $0x90000048  }
0xb6: {  	_ =	sfence  }
0xb7: {  	s30 =	sld [smem:$0x0];
	_ =	sdelay $0x2  }
0xb8: {  	s31 =	sshll.u32 s1, $0xD;
	s1 =	sshrl.u32 s1, $0x2  }
0xb9: {  	s3 =	sand.u32 $0x4000, s31;
	s1 =	sadd.s32 s1, s30  }
0xba: {  	s0 =	sor.u32 s3, s0;
	s1 =	sshll.u32 s1, $0x11  }
0xbb: {  	s0 =	sor.u32 s1, s0  }
0xbc: {  	s0 =	sadd.s32 $0x8F2B, s0  }
0xbd: {  	[sflag:s0] =	ssyncadd.remote.s32 $0x1  }
0xbe: {  	_ =	sfence.sel $0xFFFF  }
0xbf: {  	[dreg:$0x0] =	wrdreg $0xFFFFFFFF;
	(pc) =	sbr.abs _section_cstart, $3  }
0xc0: {  	[dreg:$0x1] =	wrdreg $0xFFFFFFFF  }
0xc1: {  	_ =	task.clear_ibuf [dreg:s6], $0x2FFFF;
	_ =	strace $0x9FFFFFFF  }
0xc2: {  	(tm) =	ssettm $0x7FFFFFFF  }
0xc3: {  	_ =	shalt  }
tec
execute0_lowered:
.L_overlay_start_1:
0x0: {  	(tag) =	ssettag $0x1  }
0x1: {  	s7 =	rddreg [dreg:$0x0]  }
0x2: {  	s1 =	rddreg [dreg:$0x1]  }
0x3: {  	s0 =	rddreg [dreg:$0x2];
	s2 =	simm.s32 $0x0;
	s6 =	srdreg.scid  }
0x4: {  	s3 =	stileid.u32;
	s22 =	simm.s32 $0x80;
	s23 =	simm.s32 $0x0  }
0x5: {  	[smem:$0x7FF] =	sst s2;
	s4 =	sadd.s32 $0x1E00, s7;
	s5 =	sadd.s32 $0xBE00, s7  }
0x6: {  	s8 =	sand.u32 $0x1, s6;
	s6 =	sadd.s32 $0xC600, s7;
	s10 =	smul.u32 $0x4F000, s3  }
0x7: {  	s17 =	sadd.s32 $0xCE00, s7;
	s11 =	smul.u32 $0x13C00, s3;
	s30 =	sshll.u32 s3, $0x1  }
0x8: {  	_ =	strace $0x80000047;
	s9 =	ssub.s32 $0x2, s8;
	s12 =	sor.u32 s8, s30  }
0x9: {  	s19 =	smul.u32 $0x13C000, s8;
	s29 =	sshrl.u32 s9, $0x1;
	s31 =	sshrl.u32 s10, $0x2  }
0xa: {  	s13 =	sadd.s32 $0x4000, s11;
	s15 =	sadd.s32 $0x8000, s11;
	s16 =	sadd.s32 $0xC000, s11  }
0xb: {  	s20 =	sadd.s32 $0x10000, s11;
	s12 =	smul.u32 $0x2800, s12;
	s18 =	ssub.s32 s9, s29  }
0xc: {  	s7 =	sadd.s32 s31, s1;
	s8 =	sadd.s32 s13, s1;
	s9 =	sadd.s32 s15, s1  }
0xd: {  	s10 =	sadd.s32 s16, s1;
	s14 =	sadd.s32 s11, s19;
	s13 =	sadd.s32 s19, s13  }
0xe: {  	s11 =	sadd.s32 s20, s1;
	s15 =	sadd.s32 s19, s15;
	s16 =	sadd.s32 s19, s16  }
0xf: {  	s19 =	sadd.s32 s19, s20;
	s20 =	simm.s32 $0x1;
	s14 =	sshrl.u32 s14, $0x3  }
0x10: {  	s21 =	sshrl.u32 s13, $0x3;
	s15 =	sshrl.u32 s15, $0x3;
	s16 =	sshrl.u32 s16, $0x3  }
0x11: {  	s19 =	sshrl.u32 s19, $0x3;
	s18 =	smax.u32 s18, $0x1;
	s13 =	sadd.s32 s17, s14  }
0x12: {  	s14 =	sadd.s32 s17, s21;
	s15 =	sadd.s32 s17, s15;
	s16 =	sadd.s32 s17, s16  }
0x13: {  	s17 =	sadd.s32 s17, s19;
	s19 =	simm.s32 $0x13C80;
	s21 =	simm.s32 $0x13C00  }
.LBB2_1:
0x14: {  	[tilespmem:s19], [sflag:$0x1] =	stream.linear.gather [hbm4b:s5+s2], $0x4000, $0x38;
	[tilespmem:$0x17C80] =	vst v63  }
0x15: {  	_ =	swait.ge [sflag:s20], $0x4000  }
0x16: {  	[sflag:s20] =	ssyncset.done $0x0  }
0x17: {  	[sflag:s20] =	ssyncadd.s32 $0xFFFFC000  }
0x18: {  	[spmem:s7] =	stream.linear.scatter [tilespmem:s19], [sflag:$0x1], $0x4000, $0x38;
	[tilespmem:$0x17C80] =	vst v63  }
0x19: {  	_ =	swait.ge [sflag:s20], $0x4000  }
0x1a: {  	[sflag:s20] =	ssyncset.done $0x0  }
0x1b: {  	[sflag:s20] =	ssyncadd.s32 $0xFFFFC000  }
0x1c: {  	[spmem:s8] =	stream.linear.scatter [tilespmem:s19], [sflag:$0x1], $0x4000, $0x38;
	[tilespmem:$0x17C80] =	vst v63  }
0x1d: {  	_ =	swait.ge [sflag:s20], $0x4000  }
0x1e: {  	[sflag:s20] =	ssyncset.done $0x0  }
0x1f: {  	[sflag:s20] =	ssyncadd.s32 $0xFFFFC000  }
0x20: {  	[spmem:s9] =	stream.linear.scatter [tilespmem:s19], [sflag:$0x1], $0x4000, $0x38;
	[tilespmem:$0x17C80] =	vst v63  }
0x21: {  	_ =	swait.ge [sflag:s20], $0x4000  }
0x22: {  	[sflag:s20] =	ssyncset.done $0x0  }
0x23: {  	[sflag:s20] =	ssyncadd.s32 $0xFFFFC000  }
0x24: {  	[spmem:s10] =	stream.linear.scatter [tilespmem:s19], [sflag:$0x1], $0x4000, $0x38;
	[tilespmem:$0x17C80] =	vst v63  }
0x25: {  	_ =	swait.ge [sflag:s20], $0x4000  }
0x26: {  	[sflag:s20] =	ssyncset.done $0x0  }
0x27: {  	[sflag:s20] =	ssyncadd.s32 $0xFFFFC000  }
0x28: {  	[spmem:s11] =	stream.linear.scatter [tilespmem:s19], [sflag:$0x1], $0x3C00, $0x38;
	[tilespmem:$0x17C80] =	vst v63  }
0x29: {  	_ =	swait.ge [sflag:s20], $0x3C00  }
0x2a: {  	[sflag:s20] =	ssyncset.done $0x0  }
0x2b: {  	s24 =	sand.u32 $0x3C00, s2;
	[sflag:s20] =	ssyncadd.s32 $0xFFFFC400  }
0x2c: {  	[tilespmem:s19], [sflag:$0x1] =	stream.linear.gather [hbm4b:s6+s2], $0x4000, $0x38;
	[tilespmem:$0x17C80] =	vst v63  }
0x2d: {  	s25 =	sand.u32 $0x380, s2;
	s24 =	sadd.s32 s12, s24;
	_ =	swait.ge [sflag:s20], $0x4000  }
0x2e: {  	s24 =	sor.u32 s25, s24;
	[sflag:s20] =	ssyncset.done $0x0  }
0x2f: {  	s24 =	sshrl.u32 s24, $0x3;
	[sflag:s20] =	ssyncadd.s32 $0xFFFFC000  }
0x30: {  	s24 =	sadd.s32 s4, s24;
	[bflag:$0x0] =	sbarrier.arrive $0xFFFF  }
0x31: {  	[tilespmem:s21], [sflag:$0x1] =	stream.linear.gather [hbm4b:s24+s2], $0x80, $0x38;
	[tilespmem:$0x17C80] =	vst v63  }
0x32: {  	_ =	swait.ge [sflag:s20], $0x80  }
0x33: {  	s30 =	simm.s32 $0x80;
	[sflag:s20] =	ssyncset.done $0x0  }
0x34: {  	s31 =	sand.u32 $0x3C00, s30;
	[sflag:s20] =	ssyncadd.s32 $0xFFFFFF80  }
0x35: {  	[spmem:s1] =	stream.indirect.scatter.add.f32 [tilespmem:s19], [sflag:$0x1], $0x80, s21, s22, $0xb8;
	[tilespmem:$0x17C80] =	vst v63  }
0x36: {  	s26 =	sand.u32 $0x380, s30;
	s25 =	sadd.s32 s12, s31;
	_ =	swait.ge [sflag:s20], $0x4000  }
0x37: {  	s25 =	sor.u32 s26, s25;
	s24 =	simm.s32 $0x100;
	[sflag:s20] =	ssyncset.done $0x0  }
.LBB2_2:
0x38: {  	s25 =	sshrl.u32 s25, $0x3  }
0x39: {  	[sflag:s20] =	ssyncadd.s32 $0xFFFFC000;
	s26 =	smov.u32 s24;
	s28 =	sadd.s32 $0x80, s24  }
0x3a: {  	p0 =	sne.s32 s24, $0x2700;
	s24 =	sadd.s32 s4, s25  }
0x3b: {  	[tilespmem:s21], [sflag:$0x1] =	stream.linear.gather [hbm4b:s24+s2], $0x80, $0x38;
	[tilespmem:$0x17C80] =	vst v63  }
0x3c: {  	_ =	swait.ge [sflag:s20], $0x80  }
.Ltmp0:
0x3d: {  	[sflag:s20] =	ssyncset.done $0x0;
	(pc) =	sbr.rel @p0 .LBB2_2-.Ltmp0, $4  }
0x3e: {  	s24 =	sand.u32 $0x3C00, s26;
	[sflag:s20] =	ssyncadd.s32 $0xFFFFFF80  }
0x3f: {  	[spmem:s1] =	stream.indirect.scatter.add.f32 [tilespmem:s19], [sflag:$0x1], $0x80, s21, s22, $0xb8;
	[tilespmem:$0x17C80] =	vst v63  }
0x40: {  	s25 =	sand.u32 $0x380, s26;
	s24 =	sadd.s32 s12, s24;
	_ =	swait.ge [sflag:s20], $0x4000  }
0x41: {  	s25 =	sor.u32 s25, s24;
	s24 =	smov.u32 s28;
	[sflag:s20] =	ssyncset.done $0x0  }
0x42: {  	s24 =	sshrl.u32 s25, $0x3  }
0x43: {  	[sflag:s20] =	ssyncadd.s32 $0xFFFFC000;
	s24 =	sadd.s32 s4, s24  }
0x44: {  	[tilespmem:s21], [sflag:$0x1] =	stream.linear.gather [hbm4b:s24+s2], $0x80, $0x38;
	[tilespmem:$0x17C80] =	vst v63  }
0x45: {  	_ =	swait.ge [sflag:s20], $0x80  }
0x46: {  	[sflag:s20] =	ssyncset.done $0x0  }
0x47: {  	[sflag:s20] =	ssyncadd.s32 $0xFFFFFF80  }
0x48: {  	[spmem:s1] =	stream.indirect.scatter.add.f32 [tilespmem:s19], [sflag:$0x1], $0x80, s21, s22, $0xb8;
	[tilespmem:$0x17C80] =	vst v63  }
0x49: {  	_ =	swait.ge [sflag:s20], $0x4000  }
0x4a: {  	[sflag:s20] =	ssyncset.done $0x0  }
0x4b: {  	[sflag:s20] =	ssyncadd.s32 $0xFFFFC000  }
0x4c: {  	[bflag:$0x0] =	sbarrier.arrive $0xFFFF  }
0x4d: {  	[tilespmem:s19], [sflag:$0x1] =	stream.linear.gather [spmem:s7], $0x4000, $0x38;
	[tilespmem:$0x17C80] =	vst v63  }
0x4e: {  	_ =	swait.ge [sflag:s20], $0x4000  }
0x4f: {  	[sflag:s20] =	ssyncset.done $0x0  }
0x50: {  	[sflag:s20] =	ssyncadd.s32 $0xFFFFC000  }
0x51: {  	[hbm4b:s13+s2] =	stream.linear.scatter [tilespmem:s19], [sflag:$0x1], $0x4000, $0x38;
	[tilespmem:$0x17C80] =	vst v63  }
0x52: {  	_ =	swait.ge [sflag:s20], $0x4000  }
0x53: {  	[sflag:s20] =	ssyncset.done $0x0  }
0x54: {  	[sflag:s20] =	ssyncadd.s32 $0xFFFFC000  }
0x55: {  	[tilespmem:s19], [sflag:$0x1] =	stream.linear.gather [spmem:s8], $0x4000, $0x38;
	[tilespmem:$0x17C80] =	vst v63  }
0x56: {  	_ =	swait.ge [sflag:s20], $0x4000  }
0x57: {  	[sflag:s20] =	ssyncset.done $0x0  }
0x58: {  	[sflag:s20] =	ssyncadd.s32 $0xFFFFC000  }
0x59: {  	[hbm4b:s14+s2] =	stream.linear.scatter [tilespmem:s19], [sflag:$0x1], $0x4000, $0x38;
	[tilespmem:$0x17C80] =	vst v63  }
0x5a: {  	_ =	swait.ge [sflag:s20], $0x4000  }
0x5b: {  	[sflag:s20] =	ssyncset.done $0x0  }
0x5c: {  	[sflag:s20] =	ssyncadd.s32 $0xFFFFC000  }
0x5d: {  	[tilespmem:s19], [sflag:$0x1] =	stream.linear.gather [spmem:s9], $0x4000, $0x38;
	[tilespmem:$0x17C80] =	vst v63  }
0x5e: {  	_ =	swait.ge [sflag:s20], $0x4000  }
0x5f: {  	[sflag:s20] =	ssyncset.done $0x0  }
0x60: {  	[sflag:s20] =	ssyncadd.s32 $0xFFFFC000  }
0x61: {  	[hbm4b:s15+s2] =	stream.linear.scatter [tilespmem:s19], [sflag:$0x1], $0x4000, $0x38;
	[tilespmem:$0x17C80] =	vst v63  }
0x62: {  	_ =	swait.ge [sflag:s20], $0x4000  }
0x63: {  	[sflag:s20] =	ssyncset.done $0x0  }
0x64: {  	[sflag:s20] =	ssyncadd.s32 $0xFFFFC000  }
0x65: {  	[tilespmem:s19], [sflag:$0x1] =	stream.linear.gather [spmem:s10], $0x4000, $0x38;
	[tilespmem:$0x17C80] =	vst v63  }
0x66: {  	_ =	swait.ge [sflag:s20], $0x4000  }
0x67: {  	[sflag:s20] =	ssyncset.done $0x0  }
0x68: {  	[sflag:s20] =	ssyncadd.s32 $0xFFFFC000  }
0x69: {  	[hbm4b:s16+s2] =	stream.linear.scatter [tilespmem:s19], [sflag:$0x1], $0x4000, $0x38;
	[tilespmem:$0x17C80] =	vst v63  }
0x6a: {  	_ =	swait.ge [sflag:s20], $0x4000  }
0x6b: {  	[sflag:s20] =	ssyncset.done $0x0  }
0x6c: {  	[sflag:s20] =	ssyncadd.s32 $0xFFFFC000  }
0x6d: {  	[tilespmem:s19], [sflag:$0x1] =	stream.linear.gather [spmem:s11], $0x3C00, $0x38;
	[tilespmem:$0x17C80] =	vst v63  }
0x6e: {  	s23 =	sadd.s32 $0x1, s23;
	_ =	swait.ge [sflag:s20], $0x3C00  }
0x6f: {  	p0 =	sne.s32 s23, s18;
	[sflag:s20] =	ssyncset.done $0x0  }
.Ltmp1:
0x70: {  	[sflag:s20] =	ssyncadd.s32 $0xFFFFC400;
	(pc) =	sbr.rel @p0 .LBB2_1-.Ltmp1, $4  }
0x71: {  	[hbm4b:s17+s2] =	stream.linear.scatter [tilespmem:s19], [sflag:$0x1], $0x3C00, $0x38;
	[tilespmem:$0x17C80] =	vst v63  }
0x72: {  	_ =	swait.ge [sflag:s20], $0x3C00  }
0x73: {  	[sflag:s20] =	ssyncset.done $0x0  }
0x74: {  	[sflag:s20] =	ssyncadd.s32 $0xFFFFC400  }
0x75: {  	_ =	sfence.sel $0x180000  }
0x76: {  	[bflag:$0x0] =	sbarrier.arrive $0xFFFF  }
0x77: {  	p0 =	sne.s32 s3, $0x0;
	_ =	strace $0x90000047  }
0x78: {  	s0 =	sadd.s32 @!p0 $0x100000, s0;
	[bflag:$0x2] =	sbarrier.arrive $0xFFFF  }
0x79: {  	[sflag:s0] =	ssyncadd.tile.s32 @!p0 $0x1;
	_ =	shalt  }
.Lfunc_end2:
_tile_overlayer_lowered:
.L_overlay_start_2:
0x7a: {  	(tag) =	ssettag $0x2  }
0x7b: {  	s0 =	rddreg [dreg:$0x0];
	s2 =	stileid.u32  }
0x7c: {  	s1 =	rddreg [dreg:$0x1];
	p0 =	sne.s32 s2, $0x0  }
0x7d: {  	s3 =	rddreg [dreg:$0x2];
	[bflag:$0x3] =	sbarrier.arrive $0xFFFF;
	s2 =	simm.s32 @!p0 $0x1C01  }
0x7e: {  	[timem:s3], [sflag:s2] =	dma.local @!p0 [hbm:s0], s1  }
0x7f: {  	s0 =	simm.s32 @!p0 $0x1  }
0x80: {  	_ =	swait.ge @!p0 [sflag:s0], s1  }
0x81: {  	s1 =	ssub.s32 @!p0 $0x0, s1;
	[sflag:s0] =	ssyncset.done @!p0 $0x0  }
0x82: {  	[sflag:s0] =	ssyncadd.s32 @!p0 s1  }
0x83: {  	[bflag:$0x3] =	sbarrier.arrive $0xFFFF  }
0x84: {  	_ =	shalt  }

</sc_bundles>
